<compile_context>
chip_gen: v7x
topology: tpu7x:2x2x1
jax: 0.10.2.dev20260603
libtpu: 0.0.44.dev20260713+nightly
codegen_flags: <defaults>
</compile_context>

<pallas_src>
import jax
import jax.numpy as jnp
from jax import lax
from jax.experimental import pallas as pl
from jax.experimental.pallas import tpu as pltpu
from jax.experimental.pallas import tpu_sc as plsc

N = 100000
E = 3200000
F = 16
NC, NS = 2, 16
NW = NC * NS
C = 128
NCH = E // C
CW_LO = NCH // NW
NEXTRA = NCH % NW
S = 4
NSB = -(-(CW_LO + 1) // S)
SD = 8
NSBD = -(-(CW_LO + 1) // SD)
RPT = 6400
ZR = 400
NPAD = NS * RPT
RB = 4096
GRID = NPAD // RB


def _sc_mesh():
    return plsc.VectorSubcoreMesh(core_axis_name="c", subcore_axis_name="s")


def _chunk_range(wid):
    start = wid * CW_LO + jnp.minimum(wid, NEXTRA)
    cnt = CW_LO + jnp.where(wid < NEXTRA, 1, 0)
    return start, cnt




def _deg_body(dst_i, out_hbm, acc_sh, ones_v, zbuf, dst_v, isem, ssem):
    c = lax.axis_index("c")
    s = lax.axis_index("s")
    wid = c * NS + s
    r0 = s * RPT
    start, cnt = _chunk_range(wid)

    def off(sb):
        return jnp.minimum(start + sb * SD, NCH - SD)

    def pred(sb, j):
        gc = off(sb) + j
        return (gc >= start + sb * SD) & (gc < start + cnt)

    def fill(i, carry):
        ones_v[i] = jnp.ones((F, ), jnp.float32)
        return carry
    lax.fori_loop(0, C, fill, 0)

    def zfill(i, carry):
        zbuf[i] = jnp.zeros((F,), jnp.float32)
        return carry
    lax.fori_loop(0, ZR, zfill, 0)

    def zcp(z, carry):
        pltpu.sync_copy(zbuf, acc_sh.at[pl.ds(r0 + z * ZR, ZR)])
        return carry
    lax.fori_loop(0, RPT // ZR, zcp, 0)
    plsc.subcore_barrier()

    def stage(sb, slot):
        pltpu.async_copy(dst_i.at[pl.ds(off(sb), SD)], dst_v.at[slot],
                         isem.at[slot])

    def wait_stage(sb, slot):
        pltpu.make_async_copy(dst_i.at[pl.ds(off(sb), SD)],
                              dst_v.at[slot], isem.at[slot]).wait()

    stage(0, 0)

    def sb_body(sb, carry):
        slot = lax.rem(sb, 2)
        nslot = 1 - slot

        @pl.when(sb >= 1)
        def _():
            def w(j, cc):
                @pl.when(pred(sb - 1, j))
                def _():
                    pltpu.make_async_copy(ones_v,
                                          acc_sh.at[dst_v.at[nslot, j]],
                                          ssem.at[nslot, j]).wait()
                return cc
            lax.fori_loop(0, SD, w, 0)

        @pl.when(sb + 1 < NSBD)
        def _():
            stage(sb + 1, nslot)

        wait_stage(sb, slot)

        def ch(j, cc):
            @pl.when(pred(sb, j))
            def _():
                pltpu.async_copy(ones_v, acc_sh.at[dst_v.at[slot, j]],
                                 ssem.at[slot, j], add=True)
            return cc
        lax.fori_loop(0, SD, ch, 0)
        return carry
    lax.fori_loop(0, NSBD, sb_body, 0)

    def dr(j, cc):
        @pl.when(pred(NSBD - 1, j))
        def _():
            pltpu.make_async_copy(ones_v,
                                  acc_sh.at[dst_v.at[(NSBD - 1) % 2, j]],
                                  ssem.at[(NSBD - 1) % 2, j]).wait()
        return cc
    lax.fori_loop(0, SD, dr, 0)
    plsc.subcore_barrier()
    pltpu.sync_copy(acc_sh.at[pl.ds(r0, RPT)], out_hbm.at[c, pl.ds(r0, RPT)])


_sc_deg = pl.kernel(
    _deg_body,
    out_type=jax.ShapeDtypeStruct((NC, NPAD, F), jnp.float32),
    mesh=_sc_mesh(),
    compiler_params=pltpu.CompilerParams(use_tc_tiling_on_sc=False),
    scratch_types=[
        pltpu.VMEM_SHARED((NPAD, F), jnp.float32),
        pltpu.VMEM((C, F), jnp.float32),
        pltpu.VMEM((ZR, F), jnp.float32),
        pltpu.VMEM((2, SD, C), jnp.int32),
        pltpu.SemaphoreType.DMA((2,)),
        pltpu.SemaphoreType.DMA((2, SD)),
    ],
)




def _agg_body(g_hbm, src_i, dst_i, out_hbm,
              acc_sh, zbuf, src_v, dst_v, rows_v, isem, gsem, ssem):
    c = lax.axis_index("c")
    s = lax.axis_index("s")
    wid = c * NS + s
    r0 = s * RPT
    start, cnt = _chunk_range(wid)

    def off(sb):
        return jnp.minimum(start + sb * S, NCH - S)

    def pred(sb, j):
        gc = off(sb) + j
        return (gc >= start + sb * S) & (gc < start + cnt)

    def zfill(i, carry):
        zbuf[i] = jnp.zeros((F,), jnp.float32)
        return carry
    lax.fori_loop(0, ZR, zfill, 0)

    def zcp(z, carry):
        pltpu.sync_copy(zbuf, acc_sh.at[pl.ds(r0 + z * ZR, ZR)])
        return carry
    lax.fori_loop(0, RPT // ZR, zcp, 0)
    plsc.subcore_barrier()

    def stage(sb, slot):
        pltpu.async_copy(src_i.at[pl.ds(off(sb), S)], src_v.at[slot],
                         isem.at[slot, 0])
        pltpu.async_copy(dst_i.at[pl.ds(off(sb), S)], dst_v.at[slot],
                         isem.at[slot, 1])

    def wait_stage(sb, slot):
        pltpu.make_async_copy(src_i.at[pl.ds(off(sb), S)],
                              src_v.at[slot], isem.at[slot, 0]).wait()
        pltpu.make_async_copy(dst_i.at[pl.ds(off(sb), S)],
                              dst_v.at[slot], isem.at[slot, 1]).wait()

    def fire(sb, slot):
        def f(j, carry):
            @pl.when(pred(sb, j))
            def _():
                pltpu.async_copy(g_hbm.at[src_v.at[slot, j]],
                                 rows_v.at[slot, j], gsem.at[slot, j])
            return carry
        lax.fori_loop(0, S, f, 0)

    def drain(sb, slot):
        def f(j, carry):
            @pl.when(pred(sb, j))
            def _():
                pltpu.make_async_copy(g_hbm.at[src_v.at[slot, j]],
                                      rows_v.at[slot, j],
                                      gsem.at[slot, j]).wait()
                pltpu.async_copy(rows_v.at[slot, j],
                                 acc_sh.at[dst_v.at[slot, j]],
                                 ssem.at[slot, j], add=True)
            return carry
        lax.fori_loop(0, S, f, 0)

    stage(0, 0)
    wait_stage(0, 0)
    fire(0, 0)

    def sb_body(sb, carry):
        slot = lax.rem(sb, 2)
        nslot = 1 - slot

        @pl.when(sb >= 1)
        def _():
            def w(j, cc):
                @pl.when(pred(sb - 1, j))
                def _():
                    pltpu.make_async_copy(rows_v.at[nslot, j],
                                          acc_sh.at[dst_v.at[nslot, j]],
                                          ssem.at[nslot, j]).wait()
                return cc
            lax.fori_loop(0, S, w, 0)

        @pl.when(sb + 1 < NSB)
        def _():
            stage(sb + 1, nslot)

        drain(sb, slot)

        @pl.when(sb + 1 < NSB)
        def _():
            wait_stage(sb + 1, nslot)
            fire(sb + 1, nslot)
        return carry
    lax.fori_loop(0, NSB, sb_body, 0)

    def dr(j, cc):
        @pl.when(pred(NSB - 1, j))
        def _():
            pltpu.make_async_copy(rows_v.at[(NSB - 1) % 2, j],
                                  acc_sh.at[dst_v.at[(NSB - 1) % 2, j]],
                                  ssem.at[(NSB - 1) % 2, j]).wait()
        return cc
    lax.fori_loop(0, S, dr, 0)
    plsc.subcore_barrier()
    pltpu.sync_copy(acc_sh.at[pl.ds(r0, RPT)], out_hbm.at[c, pl.ds(r0, RPT)])


_sc_agg = pl.kernel(
    _agg_body,
    out_type=jax.ShapeDtypeStruct((NC, NPAD, F), jnp.float32),
    mesh=_sc_mesh(),
    compiler_params=pltpu.CompilerParams(use_tc_tiling_on_sc=False),
    scratch_types=[
        pltpu.VMEM_SHARED((NPAD, F), jnp.float32),
        pltpu.VMEM((ZR, F), jnp.float32),
        pltpu.VMEM((2, S, C), jnp.int32),
        pltpu.VMEM((2, S, C), jnp.int32),
        pltpu.VMEM((2, S, C, F), jnp.float32),
        pltpu.SemaphoreType.DMA((2, 2)),
        pltpu.SemaphoreType.DMA((2, S)),
        pltpu.SemaphoreType.DMA((2, S)),
    ],
)




def _tc_a_body(x_ref, d0_ref, d1_ref, w1_ref, dinv_ref, g1_ref):
    dinv = lax.rsqrt(d0_ref[0] + d1_ref[0] + 1.0)
    h = jnp.dot(x_ref[...], w1_ref[...], preferred_element_type=jnp.float32)
    dinv_ref[...] = dinv
    g1_ref[...] = h * dinv


def _tc_b_body(a0_ref, a1_ref, g_ref, dinv_ref, b_ref, w2_ref, g2_ref):
    dinv = dinv_ref[...]
    h = dinv * (a0_ref[0] + a1_ref[0] + g_ref[...]) + b_ref[...]
    h = jnp.maximum(h, 0.0)
    h2 = jnp.dot(h, w2_ref[...], preferred_element_type=jnp.float32)
    g2_ref[...] = h2 * dinv


def _tc_c_body(a0_ref, a1_ref, g_ref, dinv_ref, b_ref,
               cw1_ref, cb1_ref, cw2_ref, cb2_ref, o1_ref, o2_ref):
    h = dinv_ref[...] * (a0_ref[0] + a1_ref[0] + g_ref[...]) + b_ref[...]
    h = jnp.maximum(h, 0.0)
    o1_ref[...] = jnp.dot(h, cw1_ref[...],
                          preferred_element_type=jnp.float32) + cb1_ref[...]
    o2_ref[...] = jnp.dot(h, cw2_ref[...],
                          preferred_element_type=jnp.float32) + cb2_ref[...]


def _rows(width):
    return pl.BlockSpec((RB, width), lambda i: (i, 0))


def _part(p):
    return pl.BlockSpec((1, RB, F), lambda i, _p=p: (_p, i, 0))


def _full(shape):
    return pl.BlockSpec(shape, lambda i: tuple(0 for _ in shape))


_tc_a = pl.pallas_call(
    _tc_a_body,
    grid=(GRID,),
    in_specs=[_rows(6), _part(0), _part(1), _full((6, F))],
    out_specs=[_rows(F), _rows(F)],
    out_shape=[jax.ShapeDtypeStruct((NPAD, F), jnp.float32),
               jax.ShapeDtypeStruct((NPAD, F), jnp.float32)],
)

_tc_b = pl.pallas_call(
    _tc_b_body,
    grid=(GRID,),
    in_specs=[_part(0), _part(1), _rows(F), _rows(F),
              _full((1, F)), _full((F, F))],
    out_specs=[_rows(F)],
    out_shape=[jax.ShapeDtypeStruct((NPAD, F), jnp.float32)],
)

_tc_c = pl.pallas_call(
    _tc_c_body,
    grid=(GRID,),
    in_specs=[_part(0), _part(1), _rows(F), _rows(F), _full((1, F)),
              _full((F, 13)), _full((1, 13)), _full((F, 8)), _full((1, 8))],
    out_specs=[_rows(13), _rows(8)],
    out_shape=[jax.ShapeDtypeStruct((N, 13), jnp.float32),
               jax.ShapeDtypeStruct((N, 8), jnp.float32)],
)




@jax.jit
def kernel(x, edge_index, W1, b1, W2, b2, CW1, Cb1, CW2, Cb2):
    ei = edge_index.astype(jnp.int32).reshape(2, NCH, C)
    src_i = ei[0]
    dst_i = ei[1]
    xp = jnp.zeros((NPAD, 6), jnp.float32).at[:N].set(x)

    deg = _sc_deg(dst_i)
    dinv, g1 = _tc_a(xp, deg, deg, W1)
    agg1 = _sc_agg(g1, src_i, dst_i)
    (g2,) = _tc_b(agg1, agg1, g1, dinv, b1.reshape(1, F), W2)
    agg2 = _sc_agg(g2, src_i, dst_i)
    o1, o2 = _tc_c(agg2, agg2, g2, dinv, b2.reshape(1, F),
                   CW1, Cb1.reshape(1, 13), CW2, Cb2.reshape(1, 8))
    return o1, o2

# --- scband reference (transcript-rebuilt; emitter-appended) ---
"""Pipeline reference for scband-model-8778913153107 (READ-ONLY COPY).

The authoritative reference and input builder live on the scoring server;
editing this copy changes nothing except your own understanding.
"""

import jax, jax.numpy as jnp
import numpy as np

N_NODES = 100000
N_EDGES = 3200000


def _glorot(key, shape):
    fan_in, fan_out = shape[0], shape[1]
    limit = np.sqrt(6.0 / (fan_in + fan_out))
    return jax.random.uniform(key, shape, dtype=jnp.float32, minval=-limit, maxval=limit)


def setup_inputs(seed: int = 0) -> dict:
    key = jax.random.key(seed)
    ks = jax.random.split(key, 10)
    x = jax.random.normal(ks[0], (N_NODES, 6), dtype=jnp.float32)
    edge_index = jax.random.randint(ks[1], (2, N_EDGES), 0, N_NODES, dtype=jnp.int64 if jax.config.jax_enable_x64 else jnp.int32).astype(jnp.int32)
    W1 = _glorot(ks[2], (6, 16)); b1 = jnp.zeros((16,), jnp.float32)
    W2 = _glorot(ks[3], (16, 16)); b2 = jnp.zeros((16,), jnp.float32)
    CW1 = _glorot(ks[4], (16, 13)); Cb1 = jnp.zeros((13,), jnp.float32)
    CW2 = _glorot(ks[5], (16, 8)); Cb2 = jnp.zeros((8,), jnp.float32)
    return {"x": x, "edge_index": edge_index, "W1": W1, "b1": b1, "W2": W2, "b2": b2,
            "CW1": CW1, "Cb1": Cb1, "CW2": CW2, "Cb2": Cb2}


def _gcn_conv(x, src, dst, W, b, n_nodes):
    # GCNConv: D^{-1/2} (A + I) D^{-1/2} X W + b  (add_self_loops=True, normalize=True)
    h = x @ W
    loop = jnp.arange(n_nodes, dtype=src.dtype)
    src2 = jnp.concatenate([src, loop])
    dst2 = jnp.concatenate([dst, loop])
    deg = jnp.zeros((n_nodes,), jnp.float32).at[dst2].add(1.0)
    dinv = jax.lax.rsqrt(deg)
    norm = dinv[src2] * dinv[dst2]
    msg = h[src2] * norm[:, None]
    out = jnp.zeros((n_nodes, h.shape[1]), jnp.float32).at[dst2].add(msg)
    return out + b


def reference(x, edge_index, W1, b1, W2, b2, CW1, Cb1, CW2, Cb2):
    src = edge_index[0]
    dst = edge_index[1]
    n = x.shape[0]
    h = _gcn_conv(x, src, dst, W1, b1, n)
    h = jax.nn.relu(h)
    h = _gcn_conv(h, src, dst, W2, b2, n)
    h = jax.nn.relu(h)
    out_1 = h @ CW1 + Cb1
    out_2 = h @ CW2 + Cb2
    return (out_1, out_2)

if __name__ == "__main__":
    import jax
    _d = setup_inputs()
    print(jax.jit(kernel)(*tuple(_d.values())))

</pallas_src>

<mosaic_0001>
#map = affine_map<(d0, d1) -> (0, 0)>
#map1 = affine_map<(d0, d1) -> (0, 0, 0)>
module attributes {stable_mosaic.version = 14 : i64} {
  func.func @_agg_body(%arg0: i32, %arg1: i32, %arg2: memref<102400x16xf32, #tpu.memory_space<hbm>>, %arg3: memref<25000x128xi32, #tpu.memory_space<hbm>>, %arg4: memref<25000x128xi32, #tpu.memory_space<hbm>>, %arg5: memref<2x102400x16xf32, #tpu.memory_space<hbm>>, %arg6: memref<102400x16xf32, #tpu.memory_space<vmem_shared>>, %arg7: memref<400x16xf32, #tpu.memory_space<vmem>>, %arg8: memref<2x4x128xi32, #tpu.memory_space<vmem>>, %arg9: memref<2x4x128xi32, #tpu.memory_space<vmem>>, %arg10: memref<2x4x128x16xf32, #tpu.memory_space<vmem>>, %arg11: memref<2x2x!tpu.dma_semaphore, #tpu.memory_space<semaphore_mem>>, %arg12: memref<2x4x!tpu.dma_semaphore, #tpu.memory_space<semaphore_mem>>, %arg13: memref<2x4x!tpu.dma_semaphore, #tpu.memory_space<semaphore_mem>>) attributes {dimension_semantics = [#tpu.dimension_semantics<core_parallel>, #tpu.dimension_semantics<subcore_parallel>], iteration_bounds = array<i64: 2, 16>, scalar_prefetch = 0 : i64, scratch_operands = 8 : i64, tpu.core_type = #tpu.core_type<sc_vector_subcore>, window_params = [{transform_indices = #map}, {transform_indices = #map}, {transform_indices = #map}, {transform_indices = #map1}]} {
    %mul3A = arith.constant 16 : i32
    %mul3A_0 = arith.muli %arg0, %mul3A : i32
    %add3A = arith.addi %mul3A_0, %arg1 : i32
    %mul3A_1 = arith.constant 6400 : i32
    %mul3A_2 = arith.muli %arg1, %mul3A_1 : i32
    %mul3A_3 = arith.constant 781 : i32
    %mul3A_4 = arith.muli %add3A, %mul3A_3 : i32
    %min3A = arith.constant 8 : i32
    %min3A_5 = arith.minsi %add3A, %min3A : i32
    %add3A_6 = arith.addi %mul3A_4, %min3A_5 : i32
    %lt3A = arith.constant 8 : i32
    %lt3A_7 = arith.cmpi slt, %add3A, %lt3A : i32
    %jit3A = arith.constant 1 : i32
    %jit3A_8 = arith.constant 0 : i32
    %select_n3A = arith.select %lt3A_7, %jit3A, %jit3A_8 : i32
    %add3A_9 = arith.constant 781 : i32
    %add3A_10 = arith.addi %add3A_9, %select_n3A : i32
    %scan3A = arith.constant 0 : i32
    %scan3A_11 = arith.constant 0 : i32
    %scan3A_12 = arith.constant 400 : i32
    %scan3A_13 = arith.addi %scan3A_11, %scan3A_12 : i32
    %scan3A_14 = arith.constant 1 : i32
    scf.for %scan3A_123 = %scan3A_11 to %scan3A_13 step %scan3A_14  : i32 {
      %broadcast_in_dim3A = arith.constant 0.000000e+00 : f32
      %broadcast_in_dim3A_124 = vector.broadcast %broadcast_in_dim3A : f32 to vector<16xf32>
      %swap3A = arith.index_cast %scan3A_123 : i32 to index
      %swap3A_125 = arith.constant 0 : index
      %swap3A_126 = tpu.vector_load %arg7[%swap3A, %swap3A_125] {strides = array<i32>} : memref<400x16xf32, #tpu.memory_space<vmem>>, vector<1x16xf32>,
      %swap3A_127 = vector.shape_cast %swap3A_126 : vector<1x16xf32> to vector<16xf32>
      %swap3A_128 = vector.shape_cast %broadcast_in_dim3A_124 : vector<16xf32> to vector<1x16xf32>
      tpu.vector_store %arg7[%swap3A, %swap3A_125], %swap3A_128 {strides = array<i32>} : memref<400x16xf32, #tpu.memory_space<vmem>>, vector<1x16xf32>,
    }
    %scan3A_15 = arith.constant 400 : i32
    %scan3A_16 = arith.constant 0 : i32
    %scan3A_17 = arith.constant 0 : i32
    %scan3A_18 = arith.constant 16 : i32
    %scan3A_19 = arith.addi %scan3A_17, %scan3A_18 : i32
    %scan3A_20 = arith.constant 1 : i32
    scf.for %scan3A_123 = %scan3A_17 to %scan3A_19 step %scan3A_20  : i32 {
      %mul3A_124 = arith.constant 400 : i32
      %mul3A_125 = arith.muli %scan3A_123, %mul3A_124 : i32
      %add3A_126 = arith.addi %mul3A_2, %mul3A_125 : i32
      "tpu.region"() ({
        %run_scoped3A = tpu.sem_alloc : memref<!tpu.dma_semaphore, #tpu.memory_space<semaphore_mem>>
        %dma_start3A_127 = arith.constant 0 : i32
        %dma_start3A_128 = tpu.memref_slice %arg6[%add3A_126, %dma_start3A_127] : memref<102400x16xf32, #tpu.memory_space<vmem_shared>> -> memref<400x16xf32, #tpu.memory_space<vmem_shared>>
        %dma_start3A_129 = arith.constant 0 : i32
        %dma_start3A_130 = tpu.memref_slice %arg6[%add3A_126, %dma_start3A_129] : memref<102400x16xf32, #tpu.memory_space<vmem_shared>> -> memref<400x16xf32, #tpu.memory_space<vmem_shared>>
        tpu.enqueue_dma source(%arg7 : memref<400x16xf32, #tpu.memory_space<vmem>>) target(%dma_start3A_130 : memref<400x16xf32, #tpu.memory_space<vmem_shared>>) target_semaphore(%run_scoped3A : memref<!tpu.dma_semaphore, #tpu.memory_space<semaphore_mem>>)
        %dma_wait3A_131 = arith.constant 0 : i32
        %dma_wait3A_132 = tpu.memref_slice %arg6[%add3A_126, %dma_wait3A_131] : memref<102400x16xf32, #tpu.memory_space<vmem_shared>> -> memref<400x16xf32, #tpu.memory_space<vmem_shared>>
        %dma_wait3A_133 = arith.constant 0 : i32
        %dma_wait3A_134 = tpu.memref_slice %arg6[%add3A_126, %dma_wait3A_133] : memref<102400x16xf32, #tpu.memory_space<vmem_shared>> -> memref<400x16xf32, #tpu.memory_space<vmem_shared>>
        tpu.wait_dma2 semaphore(%run_scoped3A : memref<!tpu.dma_semaphore, #tpu.memory_space<semaphore_mem>>) src(%arg7 : memref<400x16xf32, #tpu.memory_space<vmem>>) dst(%dma_wait3A_134 : memref<400x16xf32, #tpu.memory_space<vmem_shared>>)
        tpu.yield
      }) : () -> ()
    }
    %scan3A_21 = arith.constant 16 : i32
    %barrier3A = arith.constant 0 : index
    tpu.barrier barrier_id(%barrier3A)
    %add3A_22 = arith.constant 0 : i32
    %add3A_23 = arith.addi %add3A_6, %add3A_22 : i32
    %min3A_24 = arith.constant 24996 : i32
    %min3A_25 = arith.minsi %add3A_23, %min3A_24 : i32
    %dma_start3A = arith.constant 0 : i32
    %dma_start3A_26 = arith.constant 0 : i32
    %dma_start3A_27 = arith.constant 0 : i32
    %dma_start3A_28 = arith.constant 0 : i32
    %dma_start3A_29 = arith.constant 0 : i32
    %dma_start3A_30 = tpu.memref_slice %arg8[%dma_start3A, %dma_start3A_28, %dma_start3A_29] : memref<2x4x128xi32, #tpu.memory_space<vmem>> -> memref<1x4x128xi32, #tpu.memory_space<vmem>>
    %dma_start3A_31 = tpu.memref_squeeze %dma_start3A_30 : memref<1x4x128xi32, #tpu.memory_space<vmem>> -> memref<4x128xi32, #tpu.memory_space<vmem>>
    %dma_start3A_32 = arith.constant 0 : i32
    %dma_start3A_33 = tpu.memref_slice %arg3[%min3A_25, %dma_start3A_32] : memref<25000x128xi32, #tpu.memory_space<hbm>> -> memref<4x128xi32, #tpu.memory_space<hbm>>
    %dma_start3A_34 = tpu.memref_slice %arg11[%dma_start3A_26, %dma_start3A_27] : memref<2x2x!tpu.dma_semaphore, #tpu.memory_space<semaphore_mem>> -> memref<1x1x!tpu.dma_semaphore, #tpu.memory_space<semaphore_mem>>
    %dma_start3A_35 = tpu.memref_squeeze %dma_start3A_34 : memref<1x1x!tpu.dma_semaphore, #tpu.memory_space<semaphore_mem>> -> memref<!tpu.dma_semaphore, #tpu.memory_space<semaphore_mem>>
    %dma_start3A_36 = arith.constant 0 : i32
    %dma_start3A_37 = arith.constant 0 : i32
    %dma_start3A_38 = tpu.memref_slice %arg8[%dma_start3A, %dma_start3A_36, %dma_start3A_37] : memref<2x4x128xi32, #tpu.memory_space<vmem>> -> memref<1x4x128xi32, #tpu.memory_space<vmem>>
    %dma_start3A_39 = tpu.memref_squeeze %dma_start3A_38 : memref<1x4x128xi32, #tpu.memory_space<vmem>> -> memref<4x128xi32, #tpu.memory_space<vmem>>
    %dma_start3A_40 = arith.constant 0 : i32
    %dma_start3A_41 = tpu.memref_slice %arg3[%min3A_25, %dma_start3A_40] : memref<25000x128xi32, #tpu.memory_space<hbm>> -> memref<4x128xi32, #tpu.memory_space<hbm>>
    tpu.enqueue_dma source(%dma_start3A_41 : memref<4x128xi32, #tpu.memory_space<hbm>>) target(%dma_start3A_39 : memref<4x128xi32, #tpu.memory_space<vmem>>) target_semaphore(%dma_start3A_35 : memref<!tpu.dma_semaphore, #tpu.memory_space<semaphore_mem>>)
    %add3A_42 = arith.constant 0 : i32
    %add3A_43 = arith.addi %add3A_6, %add3A_42 : i32
    %min3A_44 = arith.constant 24996 : i32
    %min3A_45 = arith.minsi %add3A_43, %min3A_44 : i32
    %dma_start3A_46 = arith.constant 0 : i32
    %dma_start3A_47 = arith.constant 0 : i32
    %dma_start3A_48 = arith.constant 1 : i32
    %dma_start3A_49 = arith.constant 0 : i32
    %dma_start3A_50 = arith.constant 0 : i32
    %dma_start3A_51 = tpu.memref_slice %arg9[%dma_start3A_46, %dma_start3A_49, %dma_start3A_50] : memref<2x4x128xi32, #tpu.memory_space<vmem>> -> memref<1x4x128xi32, #tpu.memory_space<vmem>>
    %dma_start3A_52 = tpu.memref_squeeze %dma_start3A_51 : memref<1x4x128xi32, #tpu.memory_space<vmem>> -> memref<4x128xi32, #tpu.memory_space<vmem>>
    %dma_start3A_53 = arith.constant 0 : i32
    %dma_start3A_54 = tpu.memref_slice %arg4[%min3A_45, %dma_start3A_53] : memref<25000x128xi32, #tpu.memory_space<hbm>> -> memref<4x128xi32, #tpu.memory_space<hbm>>
    %dma_start3A_55 = tpu.memref_slice %arg11[%dma_start3A_47, %dma_start3A_48] : memref<2x2x!tpu.dma_semaphore, #tpu.memory_space<semaphore_mem>> -> memref<1x1x!tpu.dma_semaphore, #tpu.memory_space<semaphore_mem>>
    %dma_start3A_56 = tpu.memref_squeeze %dma_start3A_55 : memref<1x1x!tpu.dma_semaphore, #tpu.memory_space<semaphore_mem>> -> memref<!tpu.dma_semaphore, #tpu.memory_space<semaphore_mem>>
    %dma_start3A_57 = arith.constant 0 : i32
    %dma_start3A_58 = arith.constant 0 : i32
    %dma_start3A_59 = tpu.memref_slice %arg9[%dma_start3A_46, %dma_start3A_57, %dma_start3A_58] : memref<2x4x128xi32, #tpu.memory_space<vmem>> -> memref<1x4x128xi32, #tpu.memory_space<vmem>>
    %dma_start3A_60 = tpu.memref_squeeze %dma_start3A_59 : memref<1x4x128xi32, #tpu.memory_space<vmem>> -> memref<4x128xi32, #tpu.memory_space<vmem>>
    %dma_start3A_61 = arith.constant 0 : i32
    %dma_start3A_62 = tpu.memref_slice %arg4[%min3A_45, %dma_start3A_61] : memref<25000x128xi32, #tpu.memory_space<hbm>> -> memref<4x128xi32, #tpu.memory_space<hbm>>
    tpu.enqueue_dma source(%dma_start3A_62 : memref<4x128xi32, #tpu.memory_space<hbm>>) target(%dma_start3A_60 : memref<4x128xi32, #tpu.memory_space<vmem>>) target_semaphore(%dma_start3A_56 : memref<!tpu.dma_semaphore, #tpu.memory_space<semaphore_mem>>)
    %add3A_63 = arith.constant 0 : i32
    %add3A_64 = arith.addi %add3A_6, %add3A_63 : i32
    %min3A_65 = arith.constant 24996 : i32
    %min3A_66 = arith.minsi %add3A_64, %min3A_65 : i32
    %dma_wait3A = arith.constant 0 : i32
    %dma_wait3A_67 = arith.constant 0 : i32
    %dma_wait3A_68 = arith.constant 0 : i32
    %dma_wait3A_69 = arith.constant 0 : i32
    %dma_wait3A_70 = arith.constant 0 : i32
    %dma_wait3A_71 = tpu.memref_slice %arg8[%dma_wait3A, %dma_wait3A_69, %dma_wait3A_70] : memref<2x4x128xi32, #tpu.memory_space<vmem>> -> memref<1x4x128xi32, #tpu.memory_space<vmem>>
    %dma_wait3A_72 = tpu.memref_squeeze %dma_wait3A_71 : memref<1x4x128xi32, #tpu.memory_space<vmem>> -> memref<4x128xi32, #tpu.memory_space<vmem>>
    %dma_wait3A_73 = arith.constant 0 : i32
    %dma_wait3A_74 = tpu.memref_slice %arg3[%min3A_66, %dma_wait3A_73] : memref<25000x128xi32, #tpu.memory_space<hbm>> -> memref<4x128xi32, #tpu.memory_space<hbm>>
    %dma_wait3A_75 = tpu.memref_slice %arg11[%dma_wait3A_67, %dma_wait3A_68] : memref<2x2x!tpu.dma_semaphore, #tpu.memory_space<semaphore_mem>> -> memref<1x1x!tpu.dma_semaphore, #tpu.memory_space<semaphore_mem>>
    %dma_wait3A_76 = tpu.memref_squeeze %dma_wait3A_75 : memref<1x1x!tpu.dma_semaphore, #tpu.memory_space<semaphore_mem>> -> memref<!tpu.dma_semaphore, #tpu.memory_space<semaphore_mem>>
    %dma_wait3A_77 = arith.constant 0 : i32
    %dma_wait3A_78 = arith.constant 0 : i32
    %dma_wait3A_79 = tpu.memref_slice %arg8[%dma_wait3A, %dma_wait3A_77, %dma_wait3A_78] : memref<2x4x128xi32, #tpu.memory_space<vmem>> -> memref<1x4x128xi32, #tpu.memory_space<vmem>>
    %dma_wait3A_80 = tpu.memref_squeeze %dma_wait3A_79 : memref<1x4x128xi32, #tpu.memory_space<vmem>> -> memref<4x128xi32, #tpu.memory_space<vmem>>
    %dma_wait3A_81 = arith.constant 0 : i32
    %dma_wait3A_82 = tpu.memref_slice %arg3[%min3A_66, %dma_wait3A_81] : memref<25000x128xi32, #tpu.memory_space<hbm>> -> memref<4x128xi32, #tpu.memory_space<hbm>>
    tpu.wait_dma2 semaphore(%dma_wait3A_76 : memref<!tpu.dma_semaphore, #tpu.memory_space<semaphore_mem>>) src(%dma_wait3A_82 : memref<4x128xi32, #tpu.memory_space<hbm>>) dst(%dma_wait3A_80 : memref<4x128xi32, #tpu.memory_space<vmem>>)
    %add3A_83 = arith.constant 0 : i32
    %add3A_84 = arith.addi %add3A_6, %add3A_83 : i32
    %min3A_85 = arith.constant 24996 : i32
    %min3A_86 = arith.minsi %add3A_84, %min3A_85 : i32
    %dma_wait3A_87 = arith.constant 0 : i32
    %dma_wait3A_88 = arith.constant 0 : i32
    %dma_wait3A_89 = arith.constant 1 : i32
    %dma_wait3A_90 = arith.constant 0 : i32
    %dma_wait3A_91 = arith.constant 0 : i32
    %dma_wait3A_92 = tpu.memref_slice %arg9[%dma_wait3A_87, %dma_wait3A_90, %dma_wait3A_91] : memref<2x4x128xi32, #tpu.memory_space<vmem>> -> memref<1x4x128xi32, #tpu.memory_space<vmem>>
    %dma_wait3A_93 = tpu.memref_squeeze %dma_wait3A_92 : memref<1x4x128xi32, #tpu.memory_space<vmem>> -> memref<4x128xi32, #tpu.memory_space<vmem>>
    %dma_wait3A_94 = arith.constant 0 : i32
    %dma_wait3A_95 = tpu.memref_slice %arg4[%min3A_86, %dma_wait3A_94] : memref<25000x128xi32, #tpu.memory_space<hbm>> -> memref<4x128xi32, #tpu.memory_space<hbm>>
    %dma_wait3A_96 = tpu.memref_slice %arg11[%dma_wait3A_88, %dma_wait3A_89] : memref<2x2x!tpu.dma_semaphore, #tpu.memory_space<semaphore_mem>> -> memref<1x1x!tpu.dma_semaphore, #tpu.memory_space<semaphore_mem>>
    %dma_wait3A_97 = tpu.memref_squeeze %dma_wait3A_96 : memref<1x1x!tpu.dma_semaphore, #tpu.memory_space<semaphore_mem>> -> memref<!tpu.dma_semaphore, #tpu.memory_space<semaphore_mem>>
    %dma_wait3A_98 = arith.constant 0 : i32
    %dma_wait3A_99 = arith.constant 0 : i32
    %dma_wait3A_100 = tpu.memref_slice %arg9[%dma_wait3A_87, %dma_wait3A_98, %dma_wait3A_99] : memref<2x4x128xi32, #tpu.memory_space<vmem>> -> memref<1x4x128xi32, #tpu.memory_space<vmem>>
    %dma_wait3A_101 = tpu.memref_squeeze %dma_wait3A_100 : memref<1x4x128xi32, #tpu.memory_space<vmem>> -> memref<4x128xi32, #tpu.memory_space<vmem>>
    %dma_wait3A_102 = arith.constant 0 : i32
    %dma_wait3A_103 = tpu.memref_slice %arg4[%min3A_86, %dma_wait3A_102] : memref<25000x128xi32, #tpu.memory_space<hbm>> -> memref<4x128xi32, #tpu.memory_space<hbm>>
    tpu.wait_dma2 semaphore(%dma_wait3A_97 : memref<!tpu.dma_semaphore, #tpu.memory_space<semaphore_mem>>) src(%dma_wait3A_103 : memref<4x128xi32, #tpu.memory_space<hbm>>) dst(%dma_wait3A_101 : memref<4x128xi32, #tpu.memory_space<vmem>>)
    %scan3A_104 = arith.constant 0 : i32
    %scan3A_105 = arith.constant 0 : i32
    %scan3A_106 = arith.constant 4 : i32
    %scan3A_107 = arith.addi %scan3A_105, %scan3A_106 : i32
    %scan3A_108 = arith.constant 1 : i32
    scf.for %scan3A_123 = %scan3A_105 to %scan3A_107 step %scan3A_108  : i32 {
      %add3A_124 = arith.constant 0 : i32
      %add3A_125 = arith.addi %add3A_6, %add3A_124 : i32
      %min3A_126 = arith.constant 24996 : i32
      %min3A_127 = arith.minsi %add3A_125, %min3A_126 : i32
      %add3A_128 = arith.addi %min3A_127, %scan3A_123 : i32
      %add3A_129 = arith.constant 0 : i32
      %add3A_130 = arith.addi %add3A_6, %add3A_129 : i32
      %ge3A = arith.cmpi sge, %add3A_128, %add3A_130 : i32
      %add3A_131 = arith.addi %add3A_6, %add3A_10 : i32
      %lt3A_132 = arith.cmpi slt, %add3A_128, %add3A_131 : i32
      %and3A = arith.andi %ge3A, %lt3A_132 : i1
      %convert_element_type3A = arith.extui %and3A : i1 to i32
      %cond3A = arith.constant 0 : i32
      %cond3A_133 = arith.cmpi ne, %convert_element_type3A, %cond3A : i32
      scf.if %cond3A_133 {
        %dma_start3A_134 = arith.constant 0 : i32
        %dma_start3A_135 = arith.constant 0 : i32
        %dma_start3A_136 = arith.constant 0 : i32
        %dma_start3A_137 = arith.constant 0 : i32
        %dma_start3A_138 = arith.constant 0 : i32
        %dma_start3A_139 = tpu.memref_slice %arg10[%dma_start3A_135, %scan3A_123, %dma_start3A_137, %dma_start3A_138] : memref<2x4x128x16xf32, #tpu.memory_space<vmem>> -> memref<1x1x128x16xf32, #tpu.memory_space<vmem>>
        %dma_start3A_140 = tpu.memref_squeeze %dma_start3A_139 : memref<1x1x128x16xf32, #tpu.memory_space<vmem>> -> memref<128x16xf32, #tpu.memory_space<vmem>>
        %dma_start3A_141 = arith.constant 0 : i32
        %dma_start3A_142 = tpu.memref_slice %arg8[%dma_start3A_134, %scan3A_123, %dma_start3A_141] : memref<2x4x128xi32, #tpu.memory_space<vmem>> -> memref<1x1x128xi32, #tpu.memory_space<vmem>>
        %dma_start3A_143 = tpu.memref_squeeze %dma_start3A_142 : memref<1x1x128xi32, #tpu.memory_space<vmem>> -> memref<128xi32, #tpu.memory_space<vmem>>
        %dma_start3A_144 = arith.constant 0 : i32
        %dma_start3A_145 = arith.constant 0 : i32
        %dma_start3A_146 = tpu.memref_slice %arg2[%dma_start3A_144, %dma_start3A_145] : memref<102400x16xf32, #tpu.memory_space<hbm>> -> memref<102400x16xf32, #tpu.memory_space<hbm>>
        %dma_start3A_147 = tpu.memref_slice %arg12[%dma_start3A_136, %scan3A_123] : memref<2x4x!tpu.dma_semaphore, #tpu.memory_space<semaphore_mem>> -> memref<1x1x!tpu.dma_semaphore, #tpu.memory_space<semaphore_mem>>
        %dma_start3A_148 = tpu.memref_squeeze %dma_start3A_147 : memref<1x1x!tpu.dma_semaphore, #tpu.memory_space<semaphore_mem>> -> memref<!tpu.dma_semaphore, #tpu.memory_space<semaphore_mem>>
        tpu.enqueue_indirect_dma source(%dma_start3A_146 : memref<102400x16xf32, #tpu.memory_space<hbm>>) target(%dma_start3A_140 : memref<128x16xf32, #tpu.memory_space<vmem>>) offsets(%dma_start3A_143 : memref<128xi32, #tpu.memory_space<vmem>>) semaphore(%dma_start3A_148 : memref<!tpu.dma_semaphore, #tpu.memory_space<semaphore_mem>>)
      } else {
      }
    }
    %scan3A_109 = arith.constant 4 : i32
    %scan3A_110 = arith.constant 0 : i32
    %scan3A_111 = arith.constant 0 : i32
    %scan3A_112 = arith.constant 196 : i32
    %scan3A_113 = arith.addi %scan3A_111, %scan3A_112 : i32
    %scan3A_114 = arith.constant 1 : i32
    scf.for %scan3A_123 = %scan3A_111 to %scan3A_113 step %scan3A_114  : i32 {
      %rem3A = arith.constant 2 : i32
      %rem3A_124 = arith.remsi %scan3A_123, %rem3A : i32
      %sub3A = arith.constant 1 : i32
      %sub3A_125 = arith.subi %sub3A, %rem3A_124 : i32
      %ge3A = arith.constant 1 : i32
      %ge3A_126 = arith.cmpi sge, %scan3A_123, %ge3A : i32
      %convert_element_type3A = arith.extui %ge3A_126 : i1 to i32
      %cond3A = arith.constant 0 : i32
      %cond3A_127 = arith.cmpi ne, %convert_element_type3A, %cond3A : i32
      scf.if %cond3A_127 {
        %scan3A_148 = arith.constant 0 : i32
        %scan3A_149 = arith.constant 0 : i32
        %scan3A_150 = arith.constant 4 : i32
        %scan3A_151 = arith.addi %scan3A_149, %scan3A_150 : i32
        %scan3A_152 = arith.constant 1 : i32
        scf.for %scan3A_154 = %scan3A_149 to %scan3A_151 step %scan3A_152  : i32 {
          %sub3A_155 = arith.constant 1 : i32
          %sub3A_156 = arith.subi %scan3A_123, %sub3A_155 : i32
          %mul3A_157 = arith.constant 4 : i32
          %mul3A_158 = arith.muli %sub3A_156, %mul3A_157 : i32
          %add3A_159 = arith.addi %add3A_6, %mul3A_158 : i32
          %min3A_160 = arith.constant 24996 : i32
          %min3A_161 = arith.minsi %add3A_159, %min3A_160 : i32
          %add3A_162 = arith.addi %min3A_161, %scan3A_154 : i32
          %mul3A_163 = arith.constant 4 : i32
          %mul3A_164 = arith.muli %sub3A_156, %mul3A_163 : i32
          %add3A_165 = arith.addi %add3A_6, %mul3A_164 : i32
          %ge3A_166 = arith.cmpi sge, %add3A_162, %add3A_165 : i32
          %add3A_167 = arith.addi %add3A_6, %add3A_10 : i32
          %lt3A_168 = arith.cmpi slt, %add3A_162, %add3A_167 : i32
          %and3A = arith.andi %ge3A_166, %lt3A_168 : i1
          %convert_element_type3A_169 = arith.extui %and3A : i1 to i32
          %cond3A_170 = arith.constant 0 : i32
          %cond3A_171 = arith.cmpi ne, %convert_element_type3A_169, %cond3A_170 : i32
          scf.if %cond3A_171 {
            %dma_wait3A_172 = arith.constant 0 : i32
            %dma_wait3A_173 = arith.constant 0 : i32
            %dma_wait3A_174 = tpu.memref_slice %arg10[%sub3A_125, %scan3A_154, %dma_wait3A_172, %dma_wait3A_173] : memref<2x4x128x16xf32, #tpu.memory_space<vmem>> -> memref<1x1x128x16xf32, #tpu.memory_space<vmem>>
            %dma_wait3A_175 = tpu.memref_squeeze %dma_wait3A_174 : memref<1x1x128x16xf32, #tpu.memory_space<vmem>> -> memref<128x16xf32, #tpu.memory_space<vmem>>
            %dma_wait3A_176 = arith.constant 0 : i32
            %dma_wait3A_177 = tpu.memref_slice %arg9[%sub3A_125, %scan3A_154, %dma_wait3A_176] : memref<2x4x128xi32, #tpu.memory_space<vmem>> -> memref<1x1x128xi32, #tpu.memory_space<vmem>>
            %dma_wait3A_178 = tpu.memref_squeeze %dma_wait3A_177 : memref<1x1x128xi32, #tpu.memory_space<vmem>> -> memref<128xi32, #tpu.memory_space<vmem>>
            %dma_wait3A_179 = arith.constant 0 : i32
            %dma_wait3A_180 = arith.constant 0 : i32
            %dma_wait3A_181 = tpu.memref_slice %arg6[%dma_wait3A_179, %dma_wait3A_180] : memref<102400x16xf32, #tpu.memory_space<vmem_shared>> -> memref<102400x16xf32, #tpu.memory_space<vmem_shared>>
            %dma_wait3A_182 = tpu.memref_slice %arg13[%sub3A_125, %scan3A_154] : memref<2x4x!tpu.dma_semaphore, #tpu.memory_space<semaphore_mem>> -> memref<1x1x!tpu.dma_semaphore, #tpu.memory_space<semaphore_mem>>
            %dma_wait3A_183 = tpu.memref_squeeze %dma_wait3A_182 : memref<1x1x!tpu.dma_semaphore, #tpu.memory_space<semaphore_mem>> -> memref<!tpu.dma_semaphore, #tpu.memory_space<semaphore_mem>>
            tpu.wait_indirect_dma semaphore(%dma_wait3A_183 : memref<!tpu.dma_semaphore, #tpu.memory_space<semaphore_mem>>) src(%dma_wait3A_175 : memref<128x16xf32, #tpu.memory_space<vmem>>) dst(%dma_wait3A_181 : memref<102400x16xf32, #tpu.memory_space<vmem_shared>>)
          } else {
          }
        }
        %scan3A_153 = arith.constant 4 : i32
      } else {
      }
      %add3A_128 = arith.constant 1 : i32
      %add3A_129 = arith.addi %scan3A_123, %add3A_128 : i32
      %lt3A_130 = arith.constant 196 : i32
      %lt3A_131 = arith.cmpi slt, %add3A_129, %lt3A_130 : i32
      %convert_element_type3A_132 = arith.extui %lt3A_131 : i1 to i32
      %cond3A_133 = arith.constant 0 : i32
      %cond3A_134 = arith.cmpi ne, %convert_element_type3A_132, %cond3A_133 : i32
      scf.if %cond3A_134 {
        %add3A_148 = arith.constant 1 : i32
        %add3A_149 = arith.addi %scan3A_123, %add3A_148 : i32
        %mul3A_150 = arith.constant 4 : i32
        %mul3A_151 = arith.muli %add3A_149, %mul3A_150 : i32
        %add3A_152 = arith.addi %add3A_6, %mul3A_151 : i32
        %min3A_153 = arith.constant 24996 : i32
        %min3A_154 = arith.minsi %add3A_152, %min3A_153 : i32
        %dma_start3A_155 = arith.constant 0 : i32
        %dma_start3A_156 = arith.constant 0 : i32
        %dma_start3A_157 = arith.constant 0 : i32
        %dma_start3A_158 = tpu.memref_slice %arg8[%sub3A_125, %dma_start3A_156, %dma_start3A_157] : memref<2x4x128xi32, #tpu.memory_space<vmem>> -> memref<1x4x128xi32, #tpu.memory_space<vmem>>
        %dma_start3A_159 = tpu.memref_squeeze %dma_start3A_158 : memref<1x4x128xi32, #tpu.memory_space<vmem>> -> memref<4x128xi32, #tpu.memory_space<vmem>>
        %dma_start3A_160 = arith.constant 0 : i32
        %dma_start3A_161 = tpu.memref_slice %arg3[%min3A_154, %dma_start3A_160] : memref<25000x128xi32, #tpu.memory_space<hbm>> -> memref<4x128xi32, #tpu.memory_space<hbm>>
        %dma_start3A_162 = tpu.memref_slice %arg11[%sub3A_125, %dma_start3A_155] : memref<2x2x!tpu.dma_semaphore, #tpu.memory_space<semaphore_mem>> -> memref<1x1x!tpu.dma_semaphore, #tpu.memory_space<semaphore_mem>>
        %dma_start3A_163 = tpu.memref_squeeze %dma_start3A_162 : memref<1x1x!tpu.dma_semaphore, #tpu.memory_space<semaphore_mem>> -> memref<!tpu.dma_semaphore, #tpu.memory_space<semaphore_mem>>
        %dma_start3A_164 = arith.constant 0 : i32
        %dma_start3A_165 = arith.constant 0 : i32
        %dma_start3A_166 = tpu.memref_slice %arg8[%sub3A_125, %dma_start3A_164, %dma_start3A_165] : memref<2x4x128xi32, #tpu.memory_space<vmem>> -> memref<1x4x128xi32, #tpu.memory_space<vmem>>
        %dma_start3A_167 = tpu.memref_squeeze %dma_start3A_166 : memref<1x4x128xi32, #tpu.memory_space<vmem>> -> memref<4x128xi32, #tpu.memory_space<vmem>>
        %dma_start3A_168 = arith.constant 0 : i32
        %dma_start3A_169 = tpu.memref_slice %arg3[%min3A_154, %dma_start3A_168] : memref<25000x128xi32, #tpu.memory_space<hbm>> -> memref<4x128xi32, #tpu.memory_space<hbm>>
        tpu.enqueue_dma source(%dma_start3A_169 : memref<4x128xi32, #tpu.memory_space<hbm>>) target(%dma_start3A_167 : memref<4x128xi32, #tpu.memory_space<vmem>>) target_semaphore(%dma_start3A_163 : memref<!tpu.dma_semaphore, #tpu.memory_space<semaphore_mem>>)
        %mul3A_170 = arith.constant 4 : i32
        %mul3A_171 = arith.muli %add3A_149, %mul3A_170 : i32
        %add3A_172 = arith.addi %add3A_6, %mul3A_171 : i32
        %min3A_173 = arith.constant 24996 : i32
        %min3A_174 = arith.minsi %add3A_172, %min3A_173 : i32
        %dma_start3A_175 = arith.constant 1 : i32
        %dma_start3A_176 = arith.constant 0 : i32
        %dma_start3A_177 = arith.constant 0 : i32
        %dma_start3A_178 = tpu.memref_slice %arg9[%sub3A_125, %dma_start3A_176, %dma_start3A_177] : memref<2x4x128xi32, #tpu.memory_space<vmem>> -> memref<1x4x128xi32, #tpu.memory_space<vmem>>
        %dma_start3A_179 = tpu.memref_squeeze %dma_start3A_178 : memref<1x4x128xi32, #tpu.memory_space<vmem>> -> memref<4x128xi32, #tpu.memory_space<vmem>>
        %dma_start3A_180 = arith.constant 0 : i32
        %dma_start3A_181 = tpu.memref_slice %arg4[%min3A_174, %dma_start3A_180] : memref<25000x128xi32, #tpu.memory_space<hbm>> -> memref<4x128xi32, #tpu.memory_space<hbm>>
        %dma_start3A_182 = tpu.memref_slice %arg11[%sub3A_125, %dma_start3A_175] : memref<2x2x!tpu.dma_semaphore, #tpu.memory_space<semaphore_mem>> -> memref<1x1x!tpu.dma_semaphore, #tpu.memory_space<semaphore_mem>>
        %dma_start3A_183 = tpu.memref_squeeze %dma_start3A_182 : memref<1x1x!tpu.dma_semaphore, #tpu.memory_space<semaphore_mem>> -> memref<!tpu.dma_semaphore, #tpu.memory_space<semaphore_mem>>
        %dma_start3A_184 = arith.constant 0 : i32
        %dma_start3A_185 = arith.constant 0 : i32
        %dma_start3A_186 = tpu.memref_slice %arg9[%sub3A_125, %dma_start3A_184, %dma_start3A_185] : memref<2x4x128xi32, #tpu.memory_space<vmem>> -> memref<1x4x128xi32, #tpu.memory_space<vmem>>
        %dma_start3A_187 = tpu.memref_squeeze %dma_start3A_186 : memref<1x4x128xi32, #tpu.memory_space<vmem>> -> memref<4x128xi32, #tpu.memory_space<vmem>>
        %dma_start3A_188 = arith.constant 0 : i32
        %dma_start3A_189 = tpu.memref_slice %arg4[%min3A_174, %dma_start3A_188] : memref<25000x128xi32, #tpu.memory_space<hbm>> -> memref<4x128xi32, #tpu.memory_space<hbm>>
        tpu.enqueue_dma source(%dma_start3A_189 : memref<4x128xi32, #tpu.memory_space<hbm>>) target(%dma_start3A_187 : memref<4x128xi32, #tpu.memory_space<vmem>>) target_semaphore(%dma_start3A_183 : memref<!tpu.dma_semaphore, #tpu.memory_space<semaphore_mem>>)
      } else {
      }
      %scan3A_135 = arith.constant 0 : i32
      %scan3A_136 = arith.constant 0 : i32
      %scan3A_137 = arith.constant 4 : i32
      %scan3A_138 = arith.addi %scan3A_136, %scan3A_137 : i32
      %scan3A_139 = arith.constant 1 : i32
      scf.for %scan3A_148 = %scan3A_136 to %scan3A_138 step %scan3A_139  : i32 {
        %mul3A_149 = arith.constant 4 : i32
        %mul3A_150 = arith.muli %scan3A_123, %mul3A_149 : i32
        %add3A_151 = arith.addi %add3A_6, %mul3A_150 : i32
        %min3A_152 = arith.constant 24996 : i32
        %min3A_153 = arith.minsi %add3A_151, %min3A_152 : i32
        %add3A_154 = arith.addi %min3A_153, %scan3A_148 : i32
        %mul3A_155 = arith.constant 4 : i32
        %mul3A_156 = arith.muli %scan3A_123, %mul3A_155 : i32
        %add3A_157 = arith.addi %add3A_6, %mul3A_156 : i32
        %ge3A_158 = arith.cmpi sge, %add3A_154, %add3A_157 : i32
        %add3A_159 = arith.addi %add3A_6, %add3A_10 : i32
        %lt3A_160 = arith.cmpi slt, %add3A_154, %add3A_159 : i32
        %and3A = arith.andi %ge3A_158, %lt3A_160 : i1
        %convert_element_type3A_161 = arith.extui %and3A : i1 to i32
        %cond3A_162 = arith.constant 0 : i32
        %cond3A_163 = arith.cmpi ne, %convert_element_type3A_161, %cond3A_162 : i32
        scf.if %cond3A_163 {
          %dma_wait3A_164 = arith.constant 0 : i32
          %dma_wait3A_165 = arith.constant 0 : i32
          %dma_wait3A_166 = tpu.memref_slice %arg10[%rem3A_124, %scan3A_148, %dma_wait3A_164, %dma_wait3A_165] : memref<2x4x128x16xf32, #tpu.memory_space<vmem>> -> memref<1x1x128x16xf32, #tpu.memory_space<vmem>>
          %dma_wait3A_167 = tpu.memref_squeeze %dma_wait3A_166 : memref<1x1x128x16xf32, #tpu.memory_space<vmem>> -> memref<128x16xf32, #tpu.memory_space<vmem>>
          %dma_wait3A_168 = arith.constant 0 : i32
          %dma_wait3A_169 = tpu.memref_slice %arg8[%rem3A_124, %scan3A_148, %dma_wait3A_168] : memref<2x4x128xi32, #tpu.memory_space<vmem>> -> memref<1x1x128xi32, #tpu.memory_space<vmem>>
          %dma_wait3A_170 = tpu.memref_squeeze %dma_wait3A_169 : memref<1x1x128xi32, #tpu.memory_space<vmem>> -> memref<128xi32, #tpu.memory_space<vmem>>
          %dma_wait3A_171 = arith.constant 0 : i32
          %dma_wait3A_172 = arith.constant 0 : i32
          %dma_wait3A_173 = tpu.memref_slice %arg2[%dma_wait3A_171, %dma_wait3A_172] : memref<102400x16xf32, #tpu.memory_space<hbm>> -> memref<102400x16xf32, #tpu.memory_space<hbm>>
          %dma_wait3A_174 = tpu.memref_slice %arg12[%rem3A_124, %scan3A_148] : memref<2x4x!tpu.dma_semaphore, #tpu.memory_space<semaphore_mem>> -> memref<1x1x!tpu.dma_semaphore, #tpu.memory_space<semaphore_mem>>
          %dma_wait3A_175 = tpu.memref_squeeze %dma_wait3A_174 : memref<1x1x!tpu.dma_semaphore, #tpu.memory_space<semaphore_mem>> -> memref<!tpu.dma_semaphore, #tpu.memory_space<semaphore_mem>>
          tpu.wait_indirect_dma semaphore(%dma_wait3A_175 : memref<!tpu.dma_semaphore, #tpu.memory_space<semaphore_mem>>) src(%dma_wait3A_173 : memref<102400x16xf32, #tpu.memory_space<hbm>>) dst(%dma_wait3A_167 : memref<128x16xf32, #tpu.memory_space<vmem>>)
          %dma_start3A_176 = arith.constant 0 : i32
          %dma_start3A_177 = arith.constant 0 : i32
          %dma_start3A_178 = tpu.memref_slice %arg10[%rem3A_124, %scan3A_148, %dma_start3A_176, %dma_start3A_177] : memref<2x4x128x16xf32, #tpu.memory_space<vmem>> -> memref<1x1x128x16xf32, #tpu.memory_space<vmem>>
          %dma_start3A_179 = tpu.memref_squeeze %dma_start3A_178 : memref<1x1x128x16xf32, #tpu.memory_space<vmem>> -> memref<128x16xf32, #tpu.memory_space<vmem>>
          %dma_start3A_180 = arith.constant 0 : i32
          %dma_start3A_181 = tpu.memref_slice %arg9[%rem3A_124, %scan3A_148, %dma_start3A_180] : memref<2x4x128xi32, #tpu.memory_space<vmem>> -> memref<1x1x128xi32, #tpu.memory_space<vmem>>
          %dma_start3A_182 = tpu.memref_squeeze %dma_start3A_181 : memref<1x1x128xi32, #tpu.memory_space<vmem>> -> memref<128xi32, #tpu.memory_space<vmem>>
          %dma_start3A_183 = arith.constant 0 : i32
          %dma_start3A_184 = arith.constant 0 : i32
          %dma_start3A_185 = tpu.memref_slice %arg6[%dma_start3A_183, %dma_start3A_184] : memref<102400x16xf32, #tpu.memory_space<vmem_shared>> -> memref<102400x16xf32, #tpu.memory_space<vmem_shared>>
          %dma_start3A_186 = tpu.memref_slice %arg13[%rem3A_124, %scan3A_148] : memref<2x4x!tpu.dma_semaphore, #tpu.memory_space<semaphore_mem>> -> memref<1x1x!tpu.dma_semaphore, #tpu.memory_space<semaphore_mem>>
          %dma_start3A_187 = tpu.memref_squeeze %dma_start3A_186 : memref<1x1x!tpu.dma_semaphore, #tpu.memory_space<semaphore_mem>> -> memref<!tpu.dma_semaphore, #tpu.memory_space<semaphore_mem>>
          tpu.enqueue_indirect_dma source(%dma_start3A_179 : memref<128x16xf32, #tpu.memory_space<vmem>>) target(%dma_start3A_185 : memref<102400x16xf32, #tpu.memory_space<vmem_shared>>) offsets(%dma_start3A_182 : memref<128xi32, #tpu.memory_space<vmem>>) semaphore(%dma_start3A_187 : memref<!tpu.dma_semaphore, #tpu.memory_space<semaphore_mem>>) {add = true}
        } else {
        }
      }
      %scan3A_140 = arith.constant 4 : i32
      %add3A_141 = arith.constant 1 : i32
      %add3A_142 = arith.addi %scan3A_123, %add3A_141 : i32
      %lt3A_143 = arith.constant 196 : i32
      %lt3A_144 = arith.cmpi slt, %add3A_142, %lt3A_143 : i32
      %convert_element_type3A_145 = arith.extui %lt3A_144 : i1 to i32
      %cond3A_146 = arith.constant 0 : i32
      %cond3A_147 = arith.cmpi ne, %convert_element_type3A_145, %cond3A_146 : i32
      scf.if %cond3A_147 {
        %add3A_148 = arith.constant 1 : i32
        %add3A_149 = arith.addi %scan3A_123, %add3A_148 : i32
        %mul3A_150 = arith.constant 4 : i32
        %mul3A_151 = arith.muli %add3A_149, %mul3A_150 : i32
        %add3A_152 = arith.addi %add3A_6, %mul3A_151 : i32
        %min3A_153 = arith.constant 24996 : i32
        %min3A_154 = arith.minsi %add3A_152, %min3A_153 : i32
        %dma_wait3A_155 = arith.constant 0 : i32
        %dma_wait3A_156 = arith.constant 0 : i32
        %dma_wait3A_157 = arith.constant 0 : i32
        %dma_wait3A_158 = tpu.memref_slice %arg8[%sub3A_125, %dma_wait3A_156, %dma_wait3A_157] : memref<2x4x128xi32, #tpu.memory_space<vmem>> -> memref<1x4x128xi32, #tpu.memory_space<vmem>>
        %dma_wait3A_159 = tpu.memref_squeeze %dma_wait3A_158 : memref<1x4x128xi32, #tpu.memory_space<vmem>> -> memref<4x128xi32, #tpu.memory_space<vmem>>
        %dma_wait3A_160 = arith.constant 0 : i32
        %dma_wait3A_161 = tpu.memref_slice %arg3[%min3A_154, %dma_wait3A_160] : memref<25000x128xi32, #tpu.memory_space<hbm>> -> memref<4x128xi32, #tpu.memory_space<hbm>>
        %dma_wait3A_162 = tpu.memref_slice %arg11[%sub3A_125, %dma_wait3A_155] : memref<2x2x!tpu.dma_semaphore, #tpu.memory_space<semaphore_mem>> -> memref<1x1x!tpu.dma_semaphore, #tpu.memory_space<semaphore_mem>>
        %dma_wait3A_163 = tpu.memref_squeeze %dma_wait3A_162 : memref<1x1x!tpu.dma_semaphore, #tpu.memory_space<semaphore_mem>> -> memref<!tpu.dma_semaphore, #tpu.memory_space<semaphore_mem>>
        %dma_wait3A_164 = arith.constant 0 : i32
        %dma_wait3A_165 = arith.constant 0 : i32
        %dma_wait3A_166 = tpu.memref_slice %arg8[%sub3A_125, %dma_wait3A_164, %dma_wait3A_165] : memref<2x4x128xi32, #tpu.memory_space<vmem>> -> memref<1x4x128xi32, #tpu.memory_space<vmem>>
        %dma_wait3A_167 = tpu.memref_squeeze %dma_wait3A_166 : memref<1x4x128xi32, #tpu.memory_space<vmem>> -> memref<4x128xi32, #tpu.memory_space<vmem>>
        %dma_wait3A_168 = arith.constant 0 : i32
        %dma_wait3A_169 = tpu.memref_slice %arg3[%min3A_154, %dma_wait3A_168] : memref<25000x128xi32, #tpu.memory_space<hbm>> -> memref<4x128xi32, #tpu.memory_space<hbm>>
        tpu.wait_dma2 semaphore(%dma_wait3A_163 : memref<!tpu.dma_semaphore, #tpu.memory_space<semaphore_mem>>) src(%dma_wait3A_169 : memref<4x128xi32, #tpu.memory_space<hbm>>) dst(%dma_wait3A_167 : memref<4x128xi32, #tpu.memory_space<vmem>>)
        %mul3A_170 = arith.constant 4 : i32
        %mul3A_171 = arith.muli %add3A_149, %mul3A_170 : i32
        %add3A_172 = arith.addi %add3A_6, %mul3A_171 : i32
        %min3A_173 = arith.constant 24996 : i32
        %min3A_174 = arith.minsi %add3A_172, %min3A_173 : i32
        %dma_wait3A_175 = arith.constant 1 : i32
        %dma_wait3A_176 = arith.constant 0 : i32
        %dma_wait3A_177 = arith.constant 0 : i32
        %dma_wait3A_178 = tpu.memref_slice %arg9[%sub3A_125, %dma_wait3A_176, %dma_wait3A_177] : memref<2x4x128xi32, #tpu.memory_space<vmem>> -> memref<1x4x128xi32, #tpu.memory_space<vmem>>
        %dma_wait3A_179 = tpu.memref_squeeze %dma_wait3A_178 : memref<1x4x128xi32, #tpu.memory_space<vmem>> -> memref<4x128xi32, #tpu.memory_space<vmem>>
        %dma_wait3A_180 = arith.constant 0 : i32
        %dma_wait3A_181 = tpu.memref_slice %arg4[%min3A_174, %dma_wait3A_180] : memref<25000x128xi32, #tpu.memory_space<hbm>> -> memref<4x128xi32, #tpu.memory_space<hbm>>
        %dma_wait3A_182 = tpu.memref_slice %arg11[%sub3A_125, %dma_wait3A_175] : memref<2x2x!tpu.dma_semaphore, #tpu.memory_space<semaphore_mem>> -> memref<1x1x!tpu.dma_semaphore, #tpu.memory_space<semaphore_mem>>
        %dma_wait3A_183 = tpu.memref_squeeze %dma_wait3A_182 : memref<1x1x!tpu.dma_semaphore, #tpu.memory_space<semaphore_mem>> -> memref<!tpu.dma_semaphore, #tpu.memory_space<semaphore_mem>>
        %dma_wait3A_184 = arith.constant 0 : i32
        %dma_wait3A_185 = arith.constant 0 : i32
        %dma_wait3A_186 = tpu.memref_slice %arg9[%sub3A_125, %dma_wait3A_184, %dma_wait3A_185] : memref<2x4x128xi32, #tpu.memory_space<vmem>> -> memref<1x4x128xi32, #tpu.memory_space<vmem>>
        %dma_wait3A_187 = tpu.memref_squeeze %dma_wait3A_186 : memref<1x4x128xi32, #tpu.memory_space<vmem>> -> memref<4x128xi32, #tpu.memory_space<vmem>>
        %dma_wait3A_188 = arith.constant 0 : i32
        %dma_wait3A_189 = tpu.memref_slice %arg4[%min3A_174, %dma_wait3A_188] : memref<25000x128xi32, #tpu.memory_space<hbm>> -> memref<4x128xi32, #tpu.memory_space<hbm>>
        tpu.wait_dma2 semaphore(%dma_wait3A_183 : memref<!tpu.dma_semaphore, #tpu.memory_space<semaphore_mem>>) src(%dma_wait3A_189 : memref<4x128xi32, #tpu.memory_space<hbm>>) dst(%dma_wait3A_187 : memref<4x128xi32, #tpu.memory_space<vmem>>)
        %add3A_190 = arith.constant 1 : i32
        %add3A_191 = arith.addi %scan3A_123, %add3A_190 : i32
        %scan3A_192 = arith.constant 0 : i32
        %scan3A_193 = arith.constant 0 : i32
        %scan3A_194 = arith.constant 4 : i32
        %scan3A_195 = arith.addi %scan3A_193, %scan3A_194 : i32
        %scan3A_196 = arith.constant 1 : i32
        scf.for %scan3A_198 = %scan3A_193 to %scan3A_195 step %scan3A_196  : i32 {
          %mul3A_199 = arith.constant 4 : i32
          %mul3A_200 = arith.muli %add3A_191, %mul3A_199 : i32
          %add3A_201 = arith.addi %add3A_6, %mul3A_200 : i32
          %min3A_202 = arith.constant 24996 : i32
          %min3A_203 = arith.minsi %add3A_201, %min3A_202 : i32
          %add3A_204 = arith.addi %min3A_203, %scan3A_198 : i32
          %mul3A_205 = arith.constant 4 : i32
          %mul3A_206 = arith.muli %add3A_191, %mul3A_205 : i32
          %add3A_207 = arith.addi %add3A_6, %mul3A_206 : i32
          %ge3A_208 = arith.cmpi sge, %add3A_204, %add3A_207 : i32
          %add3A_209 = arith.addi %add3A_6, %add3A_10 : i32
          %lt3A_210 = arith.cmpi slt, %add3A_204, %add3A_209 : i32
          %and3A = arith.andi %ge3A_208, %lt3A_210 : i1
          %convert_element_type3A_211 = arith.extui %and3A : i1 to i32
          %cond3A_212 = arith.constant 0 : i32
          %cond3A_213 = arith.cmpi ne, %convert_element_type3A_211, %cond3A_212 : i32
          scf.if %cond3A_213 {
            %dma_start3A_214 = arith.constant 0 : i32
            %dma_start3A_215 = arith.constant 0 : i32
            %dma_start3A_216 = tpu.memref_slice %arg10[%sub3A_125, %scan3A_198, %dma_start3A_214, %dma_start3A_215] : memref<2x4x128x16xf32, #tpu.memory_space<vmem>> -> memref<1x1x128x16xf32, #tpu.memory_space<vmem>>
            %dma_start3A_217 = tpu.memref_squeeze %dma_start3A_216 : memref<1x1x128x16xf32, #tpu.memory_space<vmem>> -> memref<128x16xf32, #tpu.memory_space<vmem>>
            %dma_start3A_218 = arith.constant 0 : i32
            %dma_start3A_219 = tpu.memref_slice %arg8[%sub3A_125, %scan3A_198, %dma_start3A_218] : memref<2x4x128xi32, #tpu.memory_space<vmem>> -> memref<1x1x128xi32, #tpu.memory_space<vmem>>
            %dma_start3A_220 = tpu.memref_squeeze %dma_start3A_219 : memref<1x1x128xi32, #tpu.memory_space<vmem>> -> memref<128xi32, #tpu.memory_space<vmem>>
            %dma_start3A_221 = arith.constant 0 : i32
            %dma_start3A_222 = arith.constant 0 : i32
            %dma_start3A_223 = tpu.memref_slice %arg2[%dma_start3A_221, %dma_start3A_222] : memref<102400x16xf32, #tpu.memory_space<hbm>> -> memref<102400x16xf32, #tpu.memory_space<hbm>>
            %dma_start3A_224 = tpu.memref_slice %arg12[%sub3A_125, %scan3A_198] : memref<2x4x!tpu.dma_semaphore, #tpu.memory_space<semaphore_mem>> -> memref<1x1x!tpu.dma_semaphore, #tpu.memory_space<semaphore_mem>>
            %dma_start3A_225 = tpu.memref_squeeze %dma_start3A_224 : memref<1x1x!tpu.dma_semaphore, #tpu.memory_space<semaphore_mem>> -> memref<!tpu.dma_semaphore, #tpu.memory_space<semaphore_mem>>
            tpu.enqueue_indirect_dma source(%dma_start3A_223 : memref<102400x16xf32, #tpu.memory_space<hbm>>) target(%dma_start3A_217 : memref<128x16xf32, #tpu.memory_space<vmem>>) offsets(%dma_start3A_220 : memref<128xi32, #tpu.memory_space<vmem>>) semaphore(%dma_start3A_225 : memref<!tpu.dma_semaphore, #tpu.memory_space<semaphore_mem>>)
          } else {
          }
        }
        %scan3A_197 = arith.constant 4 : i32
      } else {
      }
    }
    %scan3A_115 = arith.constant 196 : i32
    %scan3A_116 = arith.constant 0 : i32
    %scan3A_117 = arith.constant 0 : i32
    %scan3A_118 = arith.constant 4 : i32
    %scan3A_119 = arith.addi %scan3A_117, %scan3A_118 : i32
    %scan3A_120 = arith.constant 1 : i32
    scf.for %scan3A_123 = %scan3A_117 to %scan3A_119 step %scan3A_120  : i32 {
      %add3A_124 = arith.constant 780 : i32
      %add3A_125 = arith.addi %add3A_6, %add3A_124 : i32
      %min3A_126 = arith.constant 24996 : i32
      %min3A_127 = arith.minsi %add3A_125, %min3A_126 : i32
      %add3A_128 = arith.addi %min3A_127, %scan3A_123 : i32
      %add3A_129 = arith.constant 780 : i32
      %add3A_130 = arith.addi %add3A_6, %add3A_129 : i32
      %ge3A = arith.cmpi sge, %add3A_128, %add3A_130 : i32
      %add3A_131 = arith.addi %add3A_6, %add3A_10 : i32
      %lt3A_132 = arith.cmpi slt, %add3A_128, %add3A_131 : i32
      %and3A = arith.andi %ge3A, %lt3A_132 : i1
      %convert_element_type3A = arith.extui %and3A : i1 to i32
      %cond3A = arith.constant 0 : i32
      %cond3A_133 = arith.cmpi ne, %convert_element_type3A, %cond3A : i32
      scf.if %cond3A_133 {
        %dma_wait3A_134 = arith.constant 1 : i32
        %dma_wait3A_135 = arith.constant 1 : i32
        %dma_wait3A_136 = arith.constant 1 : i32
        %dma_wait3A_137 = arith.constant 0 : i32
        %dma_wait3A_138 = arith.constant 0 : i32
        %dma_wait3A_139 = tpu.memref_slice %arg10[%dma_wait3A_134, %scan3A_123, %dma_wait3A_137, %dma_wait3A_138] : memref<2x4x128x16xf32, #tpu.memory_space<vmem>> -> memref<1x1x128x16xf32, #tpu.memory_space<vmem>>
        %dma_wait3A_140 = tpu.memref_squeeze %dma_wait3A_139 : memref<1x1x128x16xf32, #tpu.memory_space<vmem>> -> memref<128x16xf32, #tpu.memory_space<vmem>>
        %dma_wait3A_141 = arith.constant 0 : i32
        %dma_wait3A_142 = tpu.memref_slice %arg9[%dma_wait3A_135, %scan3A_123, %dma_wait3A_141] : memref<2x4x128xi32, #tpu.memory_space<vmem>> -> memref<1x1x128xi32, #tpu.memory_space<vmem>>
        %dma_wait3A_143 = tpu.memref_squeeze %dma_wait3A_142 : memref<1x1x128xi32, #tpu.memory_space<vmem>> -> memref<128xi32, #tpu.memory_space<vmem>>
        %dma_wait3A_144 = arith.constant 0 : i32
        %dma_wait3A_145 = arith.constant 0 : i32
        %dma_wait3A_146 = tpu.memref_slice %arg6[%dma_wait3A_144, %dma_wait3A_145] : memref<102400x16xf32, #tpu.memory_space<vmem_shared>> -> memref<102400x16xf32, #tpu.memory_space<vmem_shared>>
        %dma_wait3A_147 = tpu.memref_slice %arg13[%dma_wait3A_136, %scan3A_123] : memref<2x4x!tpu.dma_semaphore, #tpu.memory_space<semaphore_mem>> -> memref<1x1x!tpu.dma_semaphore, #tpu.memory_space<semaphore_mem>>
        %dma_wait3A_148 = tpu.memref_squeeze %dma_wait3A_147 : memref<1x1x!tpu.dma_semaphore, #tpu.memory_space<semaphore_mem>> -> memref<!tpu.dma_semaphore, #tpu.memory_space<semaphore_mem>>
        tpu.wait_indirect_dma semaphore(%dma_wait3A_148 : memref<!tpu.dma_semaphore, #tpu.memory_space<semaphore_mem>>) src(%dma_wait3A_140 : memref<128x16xf32, #tpu.memory_space<vmem>>) dst(%dma_wait3A_146 : memref<102400x16xf32, #tpu.memory_space<vmem_shared>>)
      } else {
      }
    }
    %scan3A_121 = arith.constant 4 : i32
    %barrier3A_122 = arith.constant 0 : index
    tpu.barrier barrier_id(%barrier3A_122)
    "tpu.region"() ({
      %run_scoped3A = tpu.sem_alloc : memref<!tpu.dma_semaphore, #tpu.memory_space<semaphore_mem>>
      %dma_start3A_123 = arith.constant 0 : i32
      %dma_start3A_124 = tpu.memref_slice %arg5[%arg0, %mul3A_2, %dma_start3A_123] : memref<2x102400x16xf32, #tpu.memory_space<hbm>> -> memref<1x6400x16xf32, #tpu.memory_space<hbm>>
      %dma_start3A_125 = tpu.memref_squeeze %dma_start3A_124 : memref<1x6400x16xf32, #tpu.memory_space<hbm>> -> memref<6400x16xf32, #tpu.memory_space<hbm>>
      %dma_start3A_126 = arith.constant 0 : i32
      %dma_start3A_127 = tpu.memref_slice %arg6[%mul3A_2, %dma_start3A_126] : memref<102400x16xf32, #tpu.memory_space<vmem_shared>> -> memref<6400x16xf32, #tpu.memory_space<vmem_shared>>
      tpu.enqueue_dma source(%dma_start3A_127 : memref<6400x16xf32, #tpu.memory_space<vmem_shared>>) target(%dma_start3A_125 : memref<6400x16xf32, #tpu.memory_space<hbm>>) target_semaphore(%run_scoped3A : memref<!tpu.dma_semaphore, #tpu.memory_space<semaphore_mem>>)
      %dma_wait3A_128 = arith.constant 0 : i32
      %dma_wait3A_129 = tpu.memref_slice %arg5[%arg0, %mul3A_2, %dma_wait3A_128] : memref<2x102400x16xf32, #tpu.memory_space<hbm>> -> memref<1x6400x16xf32, #tpu.memory_space<hbm>>
      %dma_wait3A_130 = tpu.memref_squeeze %dma_wait3A_129 : memref<1x6400x16xf32, #tpu.memory_space<hbm>> -> memref<6400x16xf32, #tpu.memory_space<hbm>>
      %dma_wait3A_131 = arith.constant 0 : i32
      %dma_wait3A_132 = tpu.memref_slice %arg6[%mul3A_2, %dma_wait3A_131] : memref<102400x16xf32, #tpu.memory_space<vmem_shared>> -> memref<6400x16xf32, #tpu.memory_space<vmem_shared>>
      tpu.wait_dma2 semaphore(%run_scoped3A : memref<!tpu.dma_semaphore, #tpu.memory_space<semaphore_mem>>) src(%dma_wait3A_132 : memref<6400x16xf32, #tpu.memory_space<vmem_shared>>) dst(%dma_wait3A_130 : memref<6400x16xf32, #tpu.memory_space<hbm>>)
      tpu.yield
    }) : () -> ()
    return
  }
}

#map = affine_map<(d0, d1) -> (0, 0)>
#map1 = affine_map<(d0, d1) -> (0, 0, 0)>
module attributes {stable_mosaic.version = 14 : i64} {
  func.func @_agg_body(%arg0: i32, %arg1: i32, %arg2: memref<102400x16xf32, #tpu.memory_space<hbm>>, %arg3: memref<25000x128xi32, #tpu.memory_space<hbm>>, %arg4: memref<25000x128xi32, #tpu.memory_space<hbm>>, %arg5: memref<2x102400x16xf32, #tpu.memory_space<hbm>>, %arg6: memref<102400x16xf32, #tpu.memory_space<vmem_shared>>, %arg7: memref<400x16xf32, #tpu.memory_space<vmem>>, %arg8: memref<2x4x128xi32, #tpu.memory_space<vmem>>, %arg9: memref<2x4x128xi32, #tpu.memory_space<vmem>>, %arg10: memref<2x4x128x16xf32, #tpu.memory_space<vmem>>, %arg11: memref<2x2x!tpu.dma_semaphore, #tpu.memory_space<semaphore_mem>>, %arg12: memref<2x4x!tpu.dma_semaphore, #tpu.memory_space<semaphore_mem>>, %arg13: memref<2x4x!tpu.dma_semaphore, #tpu.memory_space<semaphore_mem>>) attributes {dimension_semantics = [#tpu.dimension_semantics<core_parallel>, #tpu.dimension_semantics<subcore_parallel>], iteration_bounds = array<i64: 2, 16>, scalar_prefetch = 0 : i64, scratch_operands = 8 : i64, tpu.core_type = #tpu.core_type<sc_vector_subcore>, window_params = [{transform_indices = #map}, {transform_indices = #map}, {transform_indices = #map}, {transform_indices = #map1}]} {
    %mul3A = arith.constant 16 : i32
    %mul3A_0 = arith.muli %arg0, %mul3A : i32
    %add3A = arith.addi %mul3A_0, %arg1 : i32
    %mul3A_1 = arith.constant 6400 : i32
    %mul3A_2 = arith.muli %arg1, %mul3A_1 : i32
    %mul3A_3 = arith.constant 781 : i32
    %mul3A_4 = arith.muli %add3A, %mul3A_3 : i32
    %min3A = arith.constant 8 : i32
    %min3A_5 = arith.minsi %add3A, %min3A : i32
    %add3A_6 = arith.addi %mul3A_4, %min3A_5 : i32
    %lt3A = arith.constant 8 : i32
    %lt3A_7 = arith.cmpi slt, %add3A, %lt3A : i32
    %jit3A = arith.constant 1 : i32
    %jit3A_8 = arith.constant 0 : i32
    %select_n3A = arith.select %lt3A_7, %jit3A, %jit3A_8 : i32
    %add3A_9 = arith.constant 781 : i32
    %add3A_10 = arith.addi %add3A_9, %select_n3A : i32
    %scan3A = arith.constant 0 : i32
    %scan3A_11 = arith.constant 0 : i32
    %scan3A_12 = arith.constant 400 : i32
    %scan3A_13 = arith.addi %scan3A_11, %scan3A_12 : i32
    %scan3A_14 = arith.constant 1 : i32
    scf.for %scan3A_123 = %scan3A_11 to %scan3A_13 step %scan3A_14  : i32 {
      %broadcast_in_dim3A = arith.constant 0.000000e+00 : f32
      %broadcast_in_dim3A_124 = vector.broadcast %broadcast_in_dim3A : f32 to vector<16xf32>
      %swap3A = arith.index_cast %scan3A_123 : i32 to index
      %swap3A_125 = arith.constant 0 : index
      %swap3A_126 = tpu.vector_load %arg7[%swap3A, %swap3A_125] {strides = array<i32>} : memref<400x16xf32, #tpu.memory_space<vmem>>, vector<1x16xf32>,
      %swap3A_127 = vector.shape_cast %swap3A_126 : vector<1x16xf32> to vector<16xf32>
      %swap3A_128 = vector.shape_cast %broadcast_in_dim3A_124 : vector<16xf32> to vector<1x16xf32>
      tpu.vector_store %arg7[%swap3A, %swap3A_125], %swap3A_128 {strides = array<i32>} : memref<400x16xf32, #tpu.memory_space<vmem>>, vector<1x16xf32>,
    }
    %scan3A_15 = arith.constant 400 : i32
    %scan3A_16 = arith.constant 0 : i32
    %scan3A_17 = arith.constant 0 : i32
    %scan3A_18 = arith.constant 16 : i32
    %scan3A_19 = arith.addi %scan3A_17, %scan3A_18 : i32
    %scan3A_20 = arith.constant 1 : i32
    scf.for %scan3A_123 = %scan3A_17 to %scan3A_19 step %scan3A_20  : i32 {
      %mul3A_124 = arith.constant 400 : i32
      %mul3A_125 = arith.muli %scan3A_123, %mul3A_124 : i32
      %add3A_126 = arith.addi %mul3A_2, %mul3A_125 : i32
      "tpu.region"() ({
        %run_scoped3A = tpu.sem_alloc : memref<!tpu.dma_semaphore, #tpu.memory_space<semaphore_mem>>
        %dma_start3A_127 = arith.constant 0 : i32
        %dma_start3A_128 = tpu.memref_slice %arg6[%add3A_126, %dma_start3A_127] : memref<102400x16xf32, #tpu.memory_space<vmem_shared>> -> memref<400x16xf32, #tpu.memory_space<vmem_shared>>
        %dma_start3A_129 = arith.constant 0 : i32
        %dma_start3A_130 = tpu.memref_slice %arg6[%add3A_126, %dma_start3A_129] : memref<102400x16xf32, #tpu.memory_space<vmem_shared>> -> memref<400x16xf32, #tpu.memory_space<vmem_shared>>
        tpu.enqueue_dma source(%arg7 : memref<400x16xf32, #tpu.memory_space<vmem>>) target(%dma_start3A_130 : memref<400x16xf32, #tpu.memory_space<vmem_shared>>) target_semaphore(%run_scoped3A : memref<!tpu.dma_semaphore, #tpu.memory_space<semaphore_mem>>)
        %dma_wait3A_131 = arith.constant 0 : i32
        %dma_wait3A_132 = tpu.memref_slice %arg6[%add3A_126, %dma_wait3A_131] : memref<102400x16xf32, #tpu.memory_space<vmem_shared>> -> memref<400x16xf32, #tpu.memory_space<vmem_shared>>
        %dma_wait3A_133 = arith.constant 0 : i32
        %dma_wait3A_134 = tpu.memref_slice %arg6[%add3A_126, %dma_wait3A_133] : memref<102400x16xf32, #tpu.memory_space<vmem_shared>> -> memref<400x16xf32, #tpu.memory_space<vmem_shared>>
        tpu.wait_dma2 semaphore(%run_scoped3A : memref<!tpu.dma_semaphore, #tpu.memory_space<semaphore_mem>>) src(%arg7 : memref<400x16xf32, #tpu.memory_space<vmem>>) dst(%dma_wait3A_134 : memref<400x16xf32, #tpu.memory_space<vmem_shared>>)
        tpu.yield
      }) : () -> ()
    }
    %scan3A_21 = arith.constant 16 : i32
    %barrier3A = arith.constant 0 : index
    tpu.barrier barrier_id(%barrier3A)
    %add3A_22 = arith.constant 0 : i32
    %add3A_23 = arith.addi %add3A_6, %add3A_22 : i32
    %min3A_24 = arith.constant 24996 : i32
    %min3A_25 = arith.minsi %add3A_23, %min3A_24 : i32
    %dma_start3A = arith.constant 0 : i32
    %dma_start3A_26 = arith.constant 0 : i32
    %dma_start3A_27 = arith.constant 0 : i32
    %dma_start3A_28 = arith.constant 0 : i32
    %dma_start3A_29 = arith.constant 0 : i32
    %dma_start3A_30 = tpu.memref_slice %arg8[%dma_start3A, %dma_start3A_28, %dma_start3A_29] : memref<2x4x128xi32, #tpu.memory_space<vmem>> -> memref<1x4x128xi32, #tpu.memory_space<vmem>>
    %dma_start3A_31 = tpu.memref_squeeze %dma_start3A_30 : memref<1x4x128xi32, #tpu.memory_space<vmem>> -> memref<4x128xi32, #tpu.memory_space<vmem>>
    %dma_start3A_32 = arith.constant 0 : i32
    %dma_start3A_33 = tpu.memref_slice %arg3[%min3A_25, %dma_start3A_32] : memref<25000x128xi32, #tpu.memory_space<hbm>> -> memref<4x128xi32, #tpu.memory_space<hbm>>
    %dma_start3A_34 = tpu.memref_slice %arg11[%dma_start3A_26, %dma_start3A_27] : memref<2x2x!tpu.dma_semaphore, #tpu.memory_space<semaphore_mem>> -> memref<1x1x!tpu.dma_semaphore, #tpu.memory_space<semaphore_mem>>
    %dma_start3A_35 = tpu.memref_squeeze %dma_start3A_34 : memref<1x1x!tpu.dma_semaphore, #tpu.memory_space<semaphore_mem>> -> memref<!tpu.dma_semaphore, #tpu.memory_space<semaphore_mem>>
    %dma_start3A_36 = arith.constant 0 : i32
    %dma_start3A_37 = arith.constant 0 : i32
    %dma_start3A_38 = tpu.memref_slice %arg8[%dma_start3A, %dma_start3A_36, %dma_start3A_37] : memref<2x4x128xi32, #tpu.memory_space<vmem>> -> memref<1x4x128xi32, #tpu.memory_space<vmem>>
    %dma_start3A_39 = tpu.memref_squeeze %dma_start3A_38 : memref<1x4x128xi32, #tpu.memory_space<vmem>> -> memref<4x128xi32, #tpu.memory_space<vmem>>
    %dma_start3A_40 = arith.constant 0 : i32
    %dma_start3A_41 = tpu.memref_slice %arg3[%min3A_25, %dma_start3A_40] : memref<25000x128xi32, #tpu.memory_space<hbm>> -> memref<4x128xi32, #tpu.memory_space<hbm>>
    tpu.enqueue_dma source(%dma_start3A_41 : memref<4x128xi32, #tpu.memory_space<hbm>>) target(%dma_start3A_39 : memref<4x128xi32, #tpu.memory_space<vmem>>) target_semaphore(%dma_start3A_35 : memref<!tpu.dma_semaphore, #tpu.memory_space<semaphore_mem>>)
    %add3A_42 = arith.constant 0 : i32
    %add3A_43 = arith.addi %add3A_6, %add3A_42 : i32
    %min3A_44 = arith.constant 24996 : i32
    %min3A_45 = arith.minsi %add3A_43, %min3A_44 : i32
    %dma_start3A_46 = arith.constant 0 : i32
    %dma_start3A_47 = arith.constant 0 : i32
    %dma_start3A_48 = arith.constant 1 : i32
    %dma_start3A_49 = arith.constant 0 : i32
    %dma_start3A_50 = arith.constant 0 : i32
    %dma_start3A_51 = tpu.memref_slice %arg9[%dma_start3A_46, %dma_start3A_49, %dma_start3A_50] : memref<2x4x128xi32, #tpu.memory_space<vmem>> -> memref<1x4x128xi32, #tpu.memory_space<vmem>>
    %dma_start3A_52 = tpu.memref_squeeze %dma_start3A_51 : memref<1x4x128xi32, #tpu.memory_space<vmem>> -> memref<4x128xi32, #tpu.memory_space<vmem>>
    %dma_start3A_53 = arith.constant 0 : i32
    %dma_start3A_54 = tpu.memref_slice %arg4[%min3A_45, %dma_start3A_53] : memref<25000x128xi32, #tpu.memory_space<hbm>> -> memref<4x128xi32, #tpu.memory_space<hbm>>
    %dma_start3A_55 = tpu.memref_slice %arg11[%dma_start3A_47, %dma_start3A_48] : memref<2x2x!tpu.dma_semaphore, #tpu.memory_space<semaphore_mem>> -> memref<1x1x!tpu.dma_semaphore, #tpu.memory_space<semaphore_mem>>
    %dma_start3A_56 = tpu.memref_squeeze %dma_start3A_55 : memref<1x1x!tpu.dma_semaphore, #tpu.memory_space<semaphore_mem>> -> memref<!tpu.dma_semaphore, #tpu.memory_space<semaphore_mem>>
    %dma_start3A_57 = arith.constant 0 : i32
    %dma_start3A_58 = arith.constant 0 : i32
    %dma_start3A_59 = tpu.memref_slice %arg9[%dma_start3A_46, %dma_start3A_57, %dma_start3A_58] : memref<2x4x128xi32, #tpu.memory_space<vmem>> -> memref<1x4x128xi32, #tpu.memory_space<vmem>>
    %dma_start3A_60 = tpu.memref_squeeze %dma_start3A_59 : memref<1x4x128xi32, #tpu.memory_space<vmem>> -> memref<4x128xi32, #tpu.memory_space<vmem>>
    %dma_start3A_61 = arith.constant 0 : i32
    %dma_start3A_62 = tpu.memref_slice %arg4[%min3A_45, %dma_start3A_61] : memref<25000x128xi32, #tpu.memory_space<hbm>> -> memref<4x128xi32, #tpu.memory_space<hbm>>
    tpu.enqueue_dma source(%dma_start3A_62 : memref<4x128xi32, #tpu.memory_space<hbm>>) target(%dma_start3A_60 : memref<4x128xi32, #tpu.memory_space<vmem>>) target_semaphore(%dma_start3A_56 : memref<!tpu.dma_semaphore, #tpu.memory_space<semaphore_mem>>)
    %add3A_63 = arith.constant 0 : i32
    %add3A_64 = arith.addi %add3A_6, %add3A_63 : i32
    %min3A_65 = arith.constant 24996 : i32
    %min3A_66 = arith.minsi %add3A_64, %min3A_65 : i32
    %dma_wait3A = arith.constant 0 : i32
    %dma_wait3A_67 = arith.constant 0 : i32
    %dma_wait3A_68 = arith.constant 0 : i32
    %dma_wait3A_69 = arith.constant 0 : i32
    %dma_wait3A_70 = arith.constant 0 : i32
    %dma_wait3A_71 = tpu.memref_slice %arg8[%dma_wait3A, %dma_wait3A_69, %dma_wait3A_70] : memref<2x4x128xi32, #tpu.memory_space<vmem>> -> memref<1x4x128xi32, #tpu.memory_space<vmem>>
    %dma_wait3A_72 = tpu.memref_squeeze %dma_wait3A_71 : memref<1x4x128xi32, #tpu.memory_space<vmem>> -> memref<4x128xi32, #tpu.memory_space<vmem>>
    %dma_wait3A_73 = arith.constant 0 : i32
    %dma_wait3A_74 = tpu.memref_slice %arg3[%min3A_66, %dma_wait3A_73] : memref<25000x128xi32, #tpu.memory_space<hbm>> -> memref<4x128xi32, #tpu.memory_space<hbm>>
    %dma_wait3A_75 = tpu.memref_slice %arg11[%dma_wait3A_67, %dma_wait3A_68] : memref<2x2x!tpu.dma_semaphore, #tpu.memory_space<semaphore_mem>> -> memref<1x1x!tpu.dma_semaphore, #tpu.memory_space<semaphore_mem>>
    %dma_wait3A_76 = tpu.memref_squeeze %dma_wait3A_75 : memref<1x1x!tpu.dma_semaphore, #tpu.memory_space<semaphore_mem>> -> memref<!tpu.dma_semaphore, #tpu.memory_space<semaphore_mem>>
    %dma_wait3A_77 = arith.constant 0 : i32
    %dma_wait3A_78 = arith.constant 0 : i32
    %dma_wait3A_79 = tpu.memref_slice %arg8[%dma_wait3A, %dma_wait3A_77, %dma_wait3A_78] : memref<2x4x128xi32, #tpu.memory_space<vmem>> -> memref<1x4x128xi32, #tpu.memory_space<vmem>>
    %dma_wait3A_80 = tpu.memref_squeeze %dma_wait3A_79 : memref<1x4x128xi32, #tpu.memory_space<vmem>> -> memref<4x128xi32, #tpu.memory_space<vmem>>
    %dma_wait3A_81 = arith.constant 0 : i32
    %dma_wait3A_82 = tpu.memref_slice %arg3[%min3A_66, %dma_wait3A_81] : memref<25000x128xi32, #tpu.memory_space<hbm>> -> memref<4x128xi32, #tpu.memory_space<hbm>>
    tpu.wait_dma2 semaphore(%dma_wait3A_76 : memref<!tpu.dma_semaphore, #tpu.memory_space<semaphore_mem>>) src(%dma_wait3A_82 : memref<4x128xi32, #tpu.memory_space<hbm>>) dst(%dma_wait3A_80 : memref<4x128xi32, #tpu.memory_space<vmem>>)
    %add3A_83 = arith.constant 0 : i32
    %add3A_84 = arith.addi %add3A_6, %add3A_83 : i32
    %min3A_85 = arith.constant 24996 : i32
    %min3A_86 = arith.minsi %add3A_84, %min3A_85 : i32
    %dma_wait3A_87 = arith.constant 0 : i32
    %dma_wait3A_88 = arith.constant 0 : i32
    %dma_wait3A_89 = arith.constant 1 : i32
    %dma_wait3A_90 = arith.constant 0 : i32
    %dma_wait3A_91 = arith.constant 0 : i32
    %dma_wait3A_92 = tpu.memref_slice %arg9[%dma_wait3A_87, %dma_wait3A_90, %dma_wait3A_91] : memref<2x4x128xi32, #tpu.memory_space<vmem>> -> memref<1x4x128xi32, #tpu.memory_space<vmem>>
    %dma_wait3A_93 = tpu.memref_squeeze %dma_wait3A_92 : memref<1x4x128xi32, #tpu.memory_space<vmem>> -> memref<4x128xi32, #tpu.memory_space<vmem>>
    %dma_wait3A_94 = arith.constant 0 : i32
    %dma_wait3A_95 = tpu.memref_slice %arg4[%min3A_86, %dma_wait3A_94] : memref<25000x128xi32, #tpu.memory_space<hbm>> -> memref<4x128xi32, #tpu.memory_space<hbm>>
    %dma_wait3A_96 = tpu.memref_slice %arg11[%dma_wait3A_88, %dma_wait3A_89] : memref<2x2x!tpu.dma_semaphore, #tpu.memory_space<semaphore_mem>> -> memref<1x1x!tpu.dma_semaphore, #tpu.memory_space<semaphore_mem>>
    %dma_wait3A_97 = tpu.memref_squeeze %dma_wait3A_96 : memref<1x1x!tpu.dma_semaphore, #tpu.memory_space<semaphore_mem>> -> memref<!tpu.dma_semaphore, #tpu.memory_space<semaphore_mem>>
    %dma_wait3A_98 = arith.constant 0 : i32
    %dma_wait3A_99 = arith.constant 0 : i32
    %dma_wait3A_100 = tpu.memref_slice %arg9[%dma_wait3A_87, %dma_wait3A_98, %dma_wait3A_99] : memref<2x4x128xi32, #tpu.memory_space<vmem>> -> memref<1x4x128xi32, #tpu.memory_space<vmem>>
    %dma_wait3A_101 = tpu.memref_squeeze %dma_wait3A_100 : memref<1x4x128xi32, #tpu.memory_space<vmem>> -> memref<4x128xi32, #tpu.memory_space<vmem>>
    %dma_wait3A_102 = arith.constant 0 : i32
    %dma_wait3A_103 = tpu.memref_slice %arg4[%min3A_86, %dma_wait3A_102] : memref<25000x128xi32, #tpu.memory_space<hbm>> -> memref<4x128xi32, #tpu.memory_space<hbm>>
    tpu.wait_dma2 semaphore(%dma_wait3A_97 : memref<!tpu.dma_semaphore, #tpu.memory_space<semaphore_mem>>) src(%dma_wait3A_103 : memref<4x128xi32, #tpu.memory_space<hbm>>) dst(%dma_wait3A_101 : memref<4x128xi32, #tpu.memory_space<vmem>>)
    %scan3A_104 = arith.constant 0 : i32
    %scan3A_105 = arith.constant 0 : i32
    %scan3A_106 = arith.constant 4 : i32
    %scan3A_107 = arith.addi %scan3A_105, %scan3A_106 : i32
    %scan3A_108 = arith.constant 1 : i32
    scf.for %scan3A_123 = %scan3A_105 to %scan3A_107 step %scan3A_108  : i32 {
      %add3A_124 = arith.constant 0 : i32
      %add3A_125 = arith.addi %add3A_6, %add3A_124 : i32
      %min3A_126 = arith.constant 24996 : i32
      %min3A_127 = arith.minsi %add3A_125, %min3A_126 : i32
      %add3A_128 = arith.addi %min3A_127, %scan3A_123 : i32
      %add3A_129 = arith.constant 0 : i32
      %add3A_130 = arith.addi %add3A_6, %add3A_129 : i32
      %ge3A = arith.cmpi sge, %add3A_128, %add3A_130 : i32
      %add3A_131 = arith.addi %add3A_6, %add3A_10 : i32
      %lt3A_132 = arith.cmpi slt, %add3A_128, %add3A_131 : i32
      %and3A = arith.andi %ge3A, %lt3A_132 : i1
      %convert_element_type3A = arith.extui %and3A : i1 to i32
      %cond3A = arith.constant 0 : i32
      %cond3A_133 = arith.cmpi ne, %convert_element_type3A, %cond3A : i32
      scf.if %cond3A_133 {
        %dma_start3A_134 = arith.constant 0 : i32
        %dma_start3A_135 = arith.constant 0 : i32
        %dma_start3A_136 = arith.constant 0 : i32
        %dma_start3A_137 = arith.constant 0 : i32
        %dma_start3A_138 = arith.constant 0 : i32
        %dma_start3A_139 = tpu.memref_slice %arg10[%dma_start3A_135, %scan3A_123, %dma_start3A_137, %dma_start3A_138] : memref<2x4x128x16xf32, #tpu.memory_space<vmem>> -> memref<1x1x128x16xf32, #tpu.memory_space<vmem>>
        %dma_start3A_140 = tpu.memref_squeeze %dma_start3A_139 : memref<1x1x128x16xf32, #tpu.memory_space<vmem>> -> memref<128x16xf32, #tpu.memory_space<vmem>>
        %dma_start3A_141 = arith.constant 0 : i32
        %dma_start3A_142 = tpu.memref_slice %arg8[%dma_start3A_134, %scan3A_123, %dma_start3A_141] : memref<2x4x128xi32, #tpu.memory_space<vmem>> -> memref<1x1x128xi32, #tpu.memory_space<vmem>>
        %dma_start3A_143 = tpu.memref_squeeze %dma_start3A_142 : memref<1x1x128xi32, #tpu.memory_space<vmem>> -> memref<128xi32, #tpu.memory_space<vmem>>
        %dma_start3A_144 = arith.constant 0 : i32
        %dma_start3A_145 = arith.constant 0 : i32
        %dma_start3A_146 = tpu.memref_slice %arg2[%dma_start3A_144, %dma_start3A_145] : memref<102400x16xf32, #tpu.memory_space<hbm>> -> memref<102400x16xf32, #tpu.memory_space<hbm>>
        %dma_start3A_147 = tpu.memref_slice %arg12[%dma_start3A_136, %scan3A_123] : memref<2x4x!tpu.dma_semaphore, #tpu.memory_space<semaphore_mem>> -> memref<1x1x!tpu.dma_semaphore, #tpu.memory_space<semaphore_mem>>
        %dma_start3A_148 = tpu.memref_squeeze %dma_start3A_147 : memref<1x1x!tpu.dma_semaphore, #tpu.memory_space<semaphore_mem>> -> memref<!tpu.dma_semaphore, #tpu.memory_space<semaphore_mem>>
        tpu.enqueue_indirect_dma source(%dma_start3A_146 : memref<102400x16xf32, #tpu.memory_space<hbm>>) target(%dma_start3A_140 : memref<128x16xf32, #tpu.memory_space<vmem>>) offsets(%dma_start3A_143 : memref<128xi32, #tpu.memory_space<vmem>>) semaphore(%dma_start3A_148 : memref<!tpu.dma_semaphore, #tpu.memory_space<semaphore_mem>>)
      } else {
      }
    }
    %scan3A_109 = arith.constant 4 : i32
    %scan3A_110 = arith.constant 0 : i32
    %scan3A_111 = arith.constant 0 : i32
    %scan3A_112 = arith.constant 196 : i32
    %scan3A_113 = arith.addi %scan3A_111, %scan3A_112 : i32
    %scan3A_114 = arith.constant 1 : i32
    scf.for %scan3A_123 = %scan3A_111 to %scan3A_113 step %scan3A_114  : i32 {
      %rem3A = arith.constant 2 : i32
      %rem3A_124 = arith.remsi %scan3A_123, %rem3A : i32
      %sub3A = arith.constant 1 : i32
      %sub3A_125 = arith.subi %sub3A, %rem3A_124 : i32
      %ge3A = arith.constant 1 : i32
      %ge3A_126 = arith.cmpi sge, %scan3A_123, %ge3A : i32
      %convert_element_type3A = arith.extui %ge3A_126 : i1 to i32
      %cond3A = arith.constant 0 : i32
      %cond3A_127 = arith.cmpi ne, %convert_element_type3A, %cond3A : i32
      scf.if %cond3A_127 {
        %scan3A_148 = arith.constant 0 : i32
        %scan3A_149 = arith.constant 0 : i32
        %scan3A_150 = arith.constant 4 : i32
        %scan3A_151 = arith.addi %scan3A_149, %scan3A_150 : i32
        %scan3A_152 = arith.constant 1 : i32
        scf.for %scan3A_154 = %scan3A_149 to %scan3A_151 step %scan3A_152  : i32 {
          %sub3A_155 = arith.constant 1 : i32
          %sub3A_156 = arith.subi %scan3A_123, %sub3A_155 : i32
          %mul3A_157 = arith.constant 4 : i32
          %mul3A_158 = arith.muli %sub3A_156, %mul3A_157 : i32
          %add3A_159 = arith.addi %add3A_6, %mul3A_158 : i32
          %min3A_160 = arith.constant 24996 : i32
          %min3A_161 = arith.minsi %add3A_159, %min3A_160 : i32
          %add3A_162 = arith.addi %min3A_161, %scan3A_154 : i32
          %mul3A_163 = arith.constant 4 : i32
          %mul3A_164 = arith.muli %sub3A_156, %mul3A_163 : i32
          %add3A_165 = arith.addi %add3A_6, %mul3A_164 : i32
          %ge3A_166 = arith.cmpi sge, %add3A_162, %add3A_165 : i32
          %add3A_167 = arith.addi %add3A_6, %add3A_10 : i32
          %lt3A_168 = arith.cmpi slt, %add3A_162, %add3A_167 : i32
          %and3A = arith.andi %ge3A_166, %lt3A_168 : i1
          %convert_element_type3A_169 = arith.extui %and3A : i1 to i32
          %cond3A_170 = arith.constant 0 : i32
          %cond3A_171 = arith.cmpi ne, %convert_element_type3A_169, %cond3A_170 : i32
          scf.if %cond3A_171 {
            %dma_wait3A_172 = arith.constant 0 : i32
            %dma_wait3A_173 = arith.constant 0 : i32
            %dma_wait3A_174 = tpu.memref_slice %arg10[%sub3A_125, %scan3A_154, %dma_wait3A_172, %dma_wait3A_173] : memref<2x4x128x16xf32, #tpu.memory_space<vmem>> -> memref<1x1x128x16xf32, #tpu.memory_space<vmem>>
            %dma_wait3A_175 = tpu.memref_squeeze %dma_wait3A_174 : memref<1x1x128x16xf32, #tpu.memory_space<vmem>> -> memref<128x16xf32, #tpu.memory_space<vmem>>
            %dma_wait3A_176 = arith.constant 0 : i32
            %dma_wait3A_177 = tpu.memref_slice %arg9[%sub3A_125, %scan3A_154, %dma_wait3A_176] : memref<2x4x128xi32, #tpu.memory_space<vmem>> -> memref<1x1x128xi32, #tpu.memory_space<vmem>>
            %dma_wait3A_178 = tpu.memref_squeeze %dma_wait3A_177 : memref<1x1x128xi32, #tpu.memory_space<vmem>> -> memref<128xi32, #tpu.memory_space<vmem>>
            %dma_wait3A_179 = arith.constant 0 : i32
            %dma_wait3A_180 = arith.constant 0 : i32
            %dma_wait3A_181 = tpu.memref_slice %arg6[%dma_wait3A_179, %dma_wait3A_180] : memref<102400x16xf32, #tpu.memory_space<vmem_shared>> -> memref<102400x16xf32, #tpu.memory_space<vmem_shared>>
            %dma_wait3A_182 = tpu.memref_slice %arg13[%sub3A_125, %scan3A_154] : memref<2x4x!tpu.dma_semaphore, #tpu.memory_space<semaphore_mem>> -> memref<1x1x!tpu.dma_semaphore, #tpu.memory_space<semaphore_mem>>
            %dma_wait3A_183 = tpu.memref_squeeze %dma_wait3A_182 : memref<1x1x!tpu.dma_semaphore, #tpu.memory_space<semaphore_mem>> -> memref<!tpu.dma_semaphore, #tpu.memory_space<semaphore_mem>>
            tpu.wait_indirect_dma semaphore(%dma_wait3A_183 : memref<!tpu.dma_semaphore, #tpu.memory_space<semaphore_mem>>) src(%dma_wait3A_175 : memref<128x16xf32, #tpu.memory_space<vmem>>) dst(%dma_wait3A_181 : memref<102400x16xf32, #tpu.memory_space<vmem_shared>>)
          } else {
          }
        }
        %scan3A_153 = arith.constant 4 : i32
      } else {
      }
      %add3A_128 = arith.constant 1 : i32
      %add3A_129 = arith.addi %scan3A_123, %add3A_128 : i32
      %lt3A_130 = arith.constant 196 : i32
      %lt3A_131 = arith.cmpi slt, %add3A_129, %lt3A_130 : i32
      %convert_element_type3A_132 = arith.extui %lt3A_131 : i1 to i32
      %cond3A_133 = arith.constant 0 : i32
      %cond3A_134 = arith.cmpi ne, %convert_element_type3A_132, %cond3A_133 : i32
      scf.if %cond3A_134 {
        %add3A_148 = arith.constant 1 : i32
        %add3A_149 = arith.addi %scan3A_123, %add3A_148 : i32
        %mul3A_150 = arith.constant 4 : i32
        %mul3A_151 = arith.muli %add3A_149, %mul3A_150 : i32
        %add3A_152 = arith.addi %add3A_6, %mul3A_151 : i32
        %min3A_153 = arith.constant 24996 : i32
        %min3A_154 = arith.minsi %add3A_152, %min3A_153 : i32
        %dma_start3A_155 = arith.constant 0 : i32
        %dma_start3A_156 = arith.constant 0 : i32
        %dma_start3A_157 = arith.constant 0 : i32
        %dma_start3A_158 = tpu.memref_slice %arg8[%sub3A_125, %dma_start3A_156, %dma_start3A_157] : memref<2x4x128xi32, #tpu.memory_space<vmem>> -> memref<1x4x128xi32, #tpu.memory_space<vmem>>
        %dma_start3A_159 = tpu.memref_squeeze %dma_start3A_158 : memref<1x4x128xi32, #tpu.memory_space<vmem>> -> memref<4x128xi32, #tpu.memory_space<vmem>>
        %dma_start3A_160 = arith.constant 0 : i32
        %dma_start3A_161 = tpu.memref_slice %arg3[%min3A_154, %dma_start3A_160] : memref<25000x128xi32, #tpu.memory_space<hbm>> -> memref<4x128xi32, #tpu.memory_space<hbm>>
        %dma_start3A_162 = tpu.memref_slice %arg11[%sub3A_125, %dma_start3A_155] : memref<2x2x!tpu.dma_semaphore, #tpu.memory_space<semaphore_mem>> -> memref<1x1x!tpu.dma_semaphore, #tpu.memory_space<semaphore_mem>>
        %dma_start3A_163 = tpu.memref_squeeze %dma_start3A_162 : memref<1x1x!tpu.dma_semaphore, #tpu.memory_space<semaphore_mem>> -> memref<!tpu.dma_semaphore, #tpu.memory_space<semaphore_mem>>
        %dma_start3A_164 = arith.constant 0 : i32
        %dma_start3A_165 = arith.constant 0 : i32
        %dma_start3A_166 = tpu.memref_slice %arg8[%sub3A_125, %dma_start3A_164, %dma_start3A_165] : memref<2x4x128xi32, #tpu.memory_space<vmem>> -> memref<1x4x128xi32, #tpu.memory_space<vmem>>
        %dma_start3A_167 = tpu.memref_squeeze %dma_start3A_166 : memref<1x4x128xi32, #tpu.memory_space<vmem>> -> memref<4x128xi32, #tpu.memory_space<vmem>>
        %dma_start3A_168 = arith.constant 0 : i32
        %dma_start3A_169 = tpu.memref_slice %arg3[%min3A_154, %dma_start3A_168] : memref<25000x128xi32, #tpu.memory_space<hbm>> -> memref<4x128xi32, #tpu.memory_space<hbm>>
        tpu.enqueue_dma source(%dma_start3A_169 : memref<4x128xi32, #tpu.memory_space<hbm>>) target(%dma_start3A_167 : memref<4x128xi32, #tpu.memory_space<vmem>>) target_semaphore(%dma_start3A_163 : memref<!tpu.dma_semaphore, #tpu.memory_space<semaphore_mem>>)
        %mul3A_170 = arith.constant 4 : i32
        %mul3A_171 = arith.muli %add3A_149, %mul3A_170 : i32
        %add3A_172 = arith.addi %add3A_6, %mul3A_171 : i32
        %min3A_173 = arith.constant 24996 : i32
        %min3A_174 = arith.minsi %add3A_172, %min3A_173 : i32
        %dma_start3A_175 = arith.constant 1 : i32
        %dma_start3A_176 = arith.constant 0 : i32
        %dma_start3A_177 = arith.constant 0 : i32
        %dma_start3A_178 = tpu.memref_slice %arg9[%sub3A_125, %dma_start3A_176, %dma_start3A_177] : memref<2x4x128xi32, #tpu.memory_space<vmem>> -> memref<1x4x128xi32, #tpu.memory_space<vmem>>
        %dma_start3A_179 = tpu.memref_squeeze %dma_start3A_178 : memref<1x4x128xi32, #tpu.memory_space<vmem>> -> memref<4x128xi32, #tpu.memory_space<vmem>>
        %dma_start3A_180 = arith.constant 0 : i32
        %dma_start3A_181 = tpu.memref_slice %arg4[%min3A_174, %dma_start3A_180] : memref<25000x128xi32, #tpu.memory_space<hbm>> -> memref<4x128xi32, #tpu.memory_space<hbm>>
        %dma_start3A_182 = tpu.memref_slice %arg11[%sub3A_125, %dma_start3A_175] : memref<2x2x!tpu.dma_semaphore, #tpu.memory_space<semaphore_mem>> -> memref<1x1x!tpu.dma_semaphore, #tpu.memory_space<semaphore_mem>>
        %dma_start3A_183 = tpu.memref_squeeze %dma_start3A_182 : memref<1x1x!tpu.dma_semaphore, #tpu.memory_space<semaphore_mem>> -> memref<!tpu.dma_semaphore, #tpu.memory_space<semaphore_mem>>
        %dma_start3A_184 = arith.constant 0 : i32
        %dma_start3A_185 = arith.constant 0 : i32
        %dma_start3A_186 = tpu.memref_slice %arg9[%sub3A_125, %dma_start3A_184, %dma_start3A_185] : memref<2x4x128xi32, #tpu.memory_space<vmem>> -> memref<1x4x128xi32, #tpu.memory_space<vmem>>
        %dma_start3A_187 = tpu.memref_squeeze %dma_start3A_186 : memref<1x4x128xi32, #tpu.memory_space<vmem>> -> memref<4x128xi32, #tpu.memory_space<vmem>>
        %dma_start3A_188 = arith.constant 0 : i32
        %dma_start3A_189 = tpu.memref_slice %arg4[%min3A_174, %dma_start3A_188] : memref<25000x128xi32, #tpu.memory_space<hbm>> -> memref<4x128xi32, #tpu.memory_space<hbm>>
        tpu.enqueue_dma source(%dma_start3A_189 : memref<4x128xi32, #tpu.memory_space<hbm>>) target(%dma_start3A_187 : memref<4x128xi32, #tpu.memory_space<vmem>>) target_semaphore(%dma_start3A_183 : memref<!tpu.dma_semaphore, #tpu.memory_space<semaphore_mem>>)
      } else {
      }
      %scan3A_135 = arith.constant 0 : i32
      %scan3A_136 = arith.constant 0 : i32
      %scan3A_137 = arith.constant 4 : i32
      %scan3A_138 = arith.addi %scan3A_136, %scan3A_137 : i32
      %scan3A_139 = arith.constant 1 : i32
      scf.for %scan3A_148 = %scan3A_136 to %scan3A_138 step %scan3A_139  : i32 {
        %mul3A_149 = arith.constant 4 : i32
        %mul3A_150 = arith.muli %scan3A_123, %mul3A_149 : i32
        %add3A_151 = arith.addi %add3A_6, %mul3A_150 : i32
        %min3A_152 = arith.constant 24996 : i32
        %min3A_153 = arith.minsi %add3A_151, %min3A_152 : i32
        %add3A_154 = arith.addi %min3A_153, %scan3A_148 : i32
        %mul3A_155 = arith.constant 4 : i32
        %mul3A_156 = arith.muli %scan3A_123, %mul3A_155 : i32
        %add3A_157 = arith.addi %add3A_6, %mul3A_156 : i32
        %ge3A_158 = arith.cmpi sge, %add3A_154, %add3A_157 : i32
        %add3A_159 = arith.addi %add3A_6, %add3A_10 : i32
        %lt3A_160 = arith.cmpi slt, %add3A_154, %add3A_159 : i32
        %and3A = arith.andi %ge3A_158, %lt3A_160 : i1
        %convert_element_type3A_161 = arith.extui %and3A : i1 to i32
        %cond3A_162 = arith.constant 0 : i32
        %cond3A_163 = arith.cmpi ne, %convert_element_type3A_161, %cond3A_162 : i32
        scf.if %cond3A_163 {
          %dma_wait3A_164 = arith.constant 0 : i32
          %dma_wait3A_165 = arith.constant 0 : i32
          %dma_wait3A_166 = tpu.memref_slice %arg10[%rem3A_124, %scan3A_148, %dma_wait3A_164, %dma_wait3A_165] : memref<2x4x128x16xf32, #tpu.memory_space<vmem>> -> memref<1x1x128x16xf32, #tpu.memory_space<vmem>>
          %dma_wait3A_167 = tpu.memref_squeeze %dma_wait3A_166 : memref<1x1x128x16xf32, #tpu.memory_space<vmem>> -> memref<128x16xf32, #tpu.memory_space<vmem>>
          %dma_wait3A_168 = arith.constant 0 : i32
          %dma_wait3A_169 = tpu.memref_slice %arg8[%rem3A_124, %scan3A_148, %dma_wait3A_168] : memref<2x4x128xi32, #tpu.memory_space<vmem>> -> memref<1x1x128xi32, #tpu.memory_space<vmem>>
          %dma_wait3A_170 = tpu.memref_squeeze %dma_wait3A_169 : memref<1x1x128xi32, #tpu.memory_space<vmem>> -> memref<128xi32, #tpu.memory_space<vmem>>
          %dma_wait3A_171 = arith.constant 0 : i32
          %dma_wait3A_172 = arith.constant 0 : i32
          %dma_wait3A_173 = tpu.memref_slice %arg2[%dma_wait3A_171, %dma_wait3A_172] : memref<102400x16xf32, #tpu.memory_space<hbm>> -> memref<102400x16xf32, #tpu.memory_space<hbm>>
          %dma_wait3A_174 = tpu.memref_slice %arg12[%rem3A_124, %scan3A_148] : memref<2x4x!tpu.dma_semaphore, #tpu.memory_space<semaphore_mem>> -> memref<1x1x!tpu.dma_semaphore, #tpu.memory_space<semaphore_mem>>
          %dma_wait3A_175 = tpu.memref_squeeze %dma_wait3A_174 : memref<1x1x!tpu.dma_semaphore, #tpu.memory_space<semaphore_mem>> -> memref<!tpu.dma_semaphore, #tpu.memory_space<semaphore_mem>>
          tpu.wait_indirect_dma semaphore(%dma_wait3A_175 : memref<!tpu.dma_semaphore, #tpu.memory_space<semaphore_mem>>) src(%dma_wait3A_173 : memref<102400x16xf32, #tpu.memory_space<hbm>>) dst(%dma_wait3A_167 : memref<128x16xf32, #tpu.memory_space<vmem>>)
          %dma_start3A_176 = arith.constant 0 : i32
          %dma_start3A_177 = arith.constant 0 : i32
          %dma_start3A_178 = tpu.memref_slice %arg10[%rem3A_124, %scan3A_148, %dma_start3A_176, %dma_start3A_177] : memref<2x4x128x16xf32, #tpu.memory_space<vmem>> -> memref<1x1x128x16xf32, #tpu.memory_space<vmem>>
          %dma_start3A_179 = tpu.memref_squeeze %dma_start3A_178 : memref<1x1x128x16xf32, #tpu.memory_space<vmem>> -> memref<128x16xf32, #tpu.memory_space<vmem>>
          %dma_start3A_180 = arith.constant 0 : i32
          %dma_start3A_181 = tpu.memref_slice %arg9[%rem3A_124, %scan3A_148, %dma_start3A_180] : memref<2x4x128xi32, #tpu.memory_space<vmem>> -> memref<1x1x128xi32, #tpu.memory_space<vmem>>
          %dma_start3A_182 = tpu.memref_squeeze %dma_start3A_181 : memref<1x1x128xi32, #tpu.memory_space<vmem>> -> memref<128xi32, #tpu.memory_space<vmem>>
          %dma_start3A_183 = arith.constant 0 : i32
          %dma_start3A_184 = arith.constant 0 : i32
          %dma_start3A_185 = tpu.memref_slice %arg6[%dma_start3A_183, %dma_start3A_184] : memref<102400x16xf32, #tpu.memory_space<vmem_shared>> -> memref<102400x16xf32, #tpu.memory_space<vmem_shared>>
          %dma_start3A_186 = tpu.memref_slice %arg13[%rem3A_124, %scan3A_148] : memref<2x4x!tpu.dma_semaphore, #tpu.memory_space<semaphore_mem>> -> memref<1x1x!tpu.dma_semaphore, #tpu.memory_space<semaphore_mem>>
          %dma_start3A_187 = tpu.memref_squeeze %dma_start3A_186 : memref<1x1x!tpu.dma_semaphore, #tpu.memory_space<semaphore_mem>> -> memref<!tpu.dma_semaphore, #tpu.memory_space<semaphore_mem>>
          tpu.enqueue_indirect_dma source(%dma_start3A_179 : memref<128x16xf32, #tpu.memory_space<vmem>>) target(%dma_start3A_185 : memref<102400x16xf32, #tpu.memory_space<vmem_shared>>) offsets(%dma_start3A_182 : memref<128xi32, #tpu.memory_space<vmem>>) semaphore(%dma_start3A_187 : memref<!tpu.dma_semaphore, #tpu.memory_space<semaphore_mem>>) {add = true}
        } else {
        }
      }
      %scan3A_140 = arith.constant 4 : i32
      %add3A_141 = arith.constant 1 : i32
      %add3A_142 = arith.addi %scan3A_123, %add3A_141 : i32
      %lt3A_143 = arith.constant 196 : i32
      %lt3A_144 = arith.cmpi slt, %add3A_142, %lt3A_143 : i32
      %convert_element_type3A_145 = arith.extui %lt3A_144 : i1 to i32
      %cond3A_146 = arith.constant 0 : i32
      %cond3A_147 = arith.cmpi ne, %convert_element_type3A_145, %cond3A_146 : i32
      scf.if %cond3A_147 {
        %add3A_148 = arith.constant 1 : i32
        %add3A_149 = arith.addi %scan3A_123, %add3A_148 : i32
        %mul3A_150 = arith.constant 4 : i32
        %mul3A_151 = arith.muli %add3A_149, %mul3A_150 : i32
        %add3A_152 = arith.addi %add3A_6, %mul3A_151 : i32
        %min3A_153 = arith.constant 24996 : i32
        %min3A_154 = arith.minsi %add3A_152, %min3A_153 : i32
        %dma_wait3A_155 = arith.constant 0 : i32
        %dma_wait3A_156 = arith.constant 0 : i32
        %dma_wait3A_157 = arith.constant 0 : i32
        %dma_wait3A_158 = tpu.memref_slice %arg8[%sub3A_125, %dma_wait3A_156, %dma_wait3A_157] : memref<2x4x128xi32, #tpu.memory_space<vmem>> -> memref<1x4x128xi32, #tpu.memory_space<vmem>>
        %dma_wait3A_159 = tpu.memref_squeeze %dma_wait3A_158 : memref<1x4x128xi32, #tpu.memory_space<vmem>> -> memref<4x128xi32, #tpu.memory_space<vmem>>
        %dma_wait3A_160 = arith.constant 0 : i32
        %dma_wait3A_161 = tpu.memref_slice %arg3[%min3A_154, %dma_wait3A_160] : memref<25000x128xi32, #tpu.memory_space<hbm>> -> memref<4x128xi32, #tpu.memory_space<hbm>>
        %dma_wait3A_162 = tpu.memref_slice %arg11[%sub3A_125, %dma_wait3A_155] : memref<2x2x!tpu.dma_semaphore, #tpu.memory_space<semaphore_mem>> -> memref<1x1x!tpu.dma_semaphore, #tpu.memory_space<semaphore_mem>>
        %dma_wait3A_163 = tpu.memref_squeeze %dma_wait3A_162 : memref<1x1x!tpu.dma_semaphore, #tpu.memory_space<semaphore_mem>> -> memref<!tpu.dma_semaphore, #tpu.memory_space<semaphore_mem>>
        %dma_wait3A_164 = arith.constant 0 : i32
        %dma_wait3A_165 = arith.constant 0 : i32
        %dma_wait3A_166 = tpu.memref_slice %arg8[%sub3A_125, %dma_wait3A_164, %dma_wait3A_165] : memref<2x4x128xi32, #tpu.memory_space<vmem>> -> memref<1x4x128xi32, #tpu.memory_space<vmem>>
        %dma_wait3A_167 = tpu.memref_squeeze %dma_wait3A_166 : memref<1x4x128xi32, #tpu.memory_space<vmem>> -> memref<4x128xi32, #tpu.memory_space<vmem>>
        %dma_wait3A_168 = arith.constant 0 : i32
        %dma_wait3A_169 = tpu.memref_slice %arg3[%min3A_154, %dma_wait3A_168] : memref<25000x128xi32, #tpu.memory_space<hbm>> -> memref<4x128xi32, #tpu.memory_space<hbm>>
        tpu.wait_dma2 semaphore(%dma_wait3A_163 : memref<!tpu.dma_semaphore, #tpu.memory_space<semaphore_mem>>) src(%dma_wait3A_169 : memref<4x128xi32, #tpu.memory_space<hbm>>) dst(%dma_wait3A_167 : memref<4x128xi32, #tpu.memory_space<vmem>>)
        %mul3A_170 = arith.constant 4 : i32
        %mul3A_171 = arith.muli %add3A_149, %mul3A_170 : i32
        %add3A_172 = arith.addi %add3A_6, %mul3A_171 : i32
        %min3A_173 = arith.constant 24996 : i32
        %min3A_174 = arith.minsi %add3A_172, %min3A_173 : i32
        %dma_wait3A_175 = arith.constant 1 : i32
        %dma_wait3A_176 = arith.constant 0 : i32
        %dma_wait3A_177 = arith.constant 0 : i32
        %dma_wait3A_178 = tpu.memref_slice %arg9[%sub3A_125, %dma_wait3A_176, %dma_wait3A_177] : memref<2x4x128xi32, #tpu.memory_space<vmem>> -> memref<1x4x128xi32, #tpu.memory_space<vmem>>
        %dma_wait3A_179 = tpu.memref_squeeze %dma_wait3A_178 : memref<1x4x128xi32, #tpu.memory_space<vmem>> -> memref<4x128xi32, #tpu.memory_space<vmem>>
        %dma_wait3A_180 = arith.constant 0 : i32
        %dma_wait3A_181 = tpu.memref_slice %arg4[%min3A_174, %dma_wait3A_180] : memref<25000x128xi32, #tpu.memory_space<hbm>> -> memref<4x128xi32, #tpu.memory_space<hbm>>
        %dma_wait3A_182 = tpu.memref_slice %arg11[%sub3A_125, %dma_wait3A_175] : memref<2x2x!tpu.dma_semaphore, #tpu.memory_space<semaphore_mem>> -> memref<1x1x!tpu.dma_semaphore, #tpu.memory_space<semaphore_mem>>
        %dma_wait3A_183 = tpu.memref_squeeze %dma_wait3A_182 : memref<1x1x!tpu.dma_semaphore, #tpu.memory_space<semaphore_mem>> -> memref<!tpu.dma_semaphore, #tpu.memory_space<semaphore_mem>>
        %dma_wait3A_184 = arith.constant 0 : i32
        %dma_wait3A_185 = arith.constant 0 : i32
        %dma_wait3A_186 = tpu.memref_slice %arg9[%sub3A_125, %dma_wait3A_184, %dma_wait3A_185] : memref<2x4x128xi32, #tpu.memory_space<vmem>> -> memref<1x4x128xi32, #tpu.memory_space<vmem>>
        %dma_wait3A_187 = tpu.memref_squeeze %dma_wait3A_186 : memref<1x4x128xi32, #tpu.memory_space<vmem>> -> memref<4x128xi32, #tpu.memory_space<vmem>>
        %dma_wait3A_188 = arith.constant 0 : i32
        %dma_wait3A_189 = tpu.memref_slice %arg4[%min3A_174, %dma_wait3A_188] : memref<25000x128xi32, #tpu.memory_space<hbm>> -> memref<4x128xi32, #tpu.memory_space<hbm>>
        tpu.wait_dma2 semaphore(%dma_wait3A_183 : memref<!tpu.dma_semaphore, #tpu.memory_space<semaphore_mem>>) src(%dma_wait3A_189 : memref<4x128xi32, #tpu.memory_space<hbm>>) dst(%dma_wait3A_187 : memref<4x128xi32, #tpu.memory_space<vmem>>)
        %add3A_190 = arith.constant 1 : i32
        %add3A_191 = arith.addi %scan3A_123, %add3A_190 : i32
        %scan3A_192 = arith.constant 0 : i32
        %scan3A_193 = arith.constant 0 : i32
        %scan3A_194 = arith.constant 4 : i32
        %scan3A_195 = arith.addi %scan3A_193, %scan3A_194 : i32
        %scan3A_196 = arith.constant 1 : i32
        scf.for %scan3A_198 = %scan3A_193 to %scan3A_195 step %scan3A_196  : i32 {
          %mul3A_199 = arith.constant 4 : i32
          %mul3A_200 = arith.muli %add3A_191, %mul3A_199 : i32
          %add3A_201 = arith.addi %add3A_6, %mul3A_200 : i32
          %min3A_202 = arith.constant 24996 : i32
          %min3A_203 = arith.minsi %add3A_201, %min3A_202 : i32
          %add3A_204 = arith.addi %min3A_203, %scan3A_198 : i32
          %mul3A_205 = arith.constant 4 : i32
          %mul3A_206 = arith.muli %add3A_191, %mul3A_205 : i32
          %add3A_207 = arith.addi %add3A_6, %mul3A_206 : i32
          %ge3A_208 = arith.cmpi sge, %add3A_204, %add3A_207 : i32
          %add3A_209 = arith.addi %add3A_6, %add3A_10 : i32
          %lt3A_210 = arith.cmpi slt, %add3A_204, %add3A_209 : i32
          %and3A = arith.andi %ge3A_208, %lt3A_210 : i1
          %convert_element_type3A_211 = arith.extui %and3A : i1 to i32
          %cond3A_212 = arith.constant 0 : i32
          %cond3A_213 = arith.cmpi ne, %convert_element_type3A_211, %cond3A_212 : i32
          scf.if %cond3A_213 {
            %dma_start3A_214 = arith.constant 0 : i32
            %dma_start3A_215 = arith.constant 0 : i32
            %dma_start3A_216 = tpu.memref_slice %arg10[%sub3A_125, %scan3A_198, %dma_start3A_214, %dma_start3A_215] : memref<2x4x128x16xf32, #tpu.memory_space<vmem>> -> memref<1x1x128x16xf32, #tpu.memory_space<vmem>>
            %dma_start3A_217 = tpu.memref_squeeze %dma_start3A_216 : memref<1x1x128x16xf32, #tpu.memory_space<vmem>> -> memref<128x16xf32, #tpu.memory_space<vmem>>
            %dma_start3A_218 = arith.constant 0 : i32
            %dma_start3A_219 = tpu.memref_slice %arg8[%sub3A_125, %scan3A_198, %dma_start3A_218] : memref<2x4x128xi32, #tpu.memory_space<vmem>> -> memref<1x1x128xi32, #tpu.memory_space<vmem>>
            %dma_start3A_220 = tpu.memref_squeeze %dma_start3A_219 : memref<1x1x128xi32, #tpu.memory_space<vmem>> -> memref<128xi32, #tpu.memory_space<vmem>>
            %dma_start3A_221 = arith.constant 0 : i32
            %dma_start3A_222 = arith.constant 0 : i32
            %dma_start3A_223 = tpu.memref_slice %arg2[%dma_start3A_221, %dma_start3A_222] : memref<102400x16xf32, #tpu.memory_space<hbm>> -> memref<102400x16xf32, #tpu.memory_space<hbm>>
            %dma_start3A_224 = tpu.memref_slice %arg12[%sub3A_125, %scan3A_198] : memref<2x4x!tpu.dma_semaphore, #tpu.memory_space<semaphore_mem>> -> memref<1x1x!tpu.dma_semaphore, #tpu.memory_space<semaphore_mem>>
            %dma_start3A_225 = tpu.memref_squeeze %dma_start3A_224 : memref<1x1x!tpu.dma_semaphore, #tpu.memory_space<semaphore_mem>> -> memref<!tpu.dma_semaphore, #tpu.memory_space<semaphore_mem>>
            tpu.enqueue_indirect_dma source(%dma_start3A_223 : memref<102400x16xf32, #tpu.memory_space<hbm>>) target(%dma_start3A_217 : memref<128x16xf32, #tpu.memory_space<vmem>>) offsets(%dma_start3A_220 : memref<128xi32, #tpu.memory_space<vmem>>) semaphore(%dma_start3A_225 : memref<!tpu.dma_semaphore, #tpu.memory_space<semaphore_mem>>)
          } else {
          }
        }
        %scan3A_197 = arith.constant 4 : i32
      } else {
      }
    }
    %scan3A_115 = arith.constant 196 : i32
    %scan3A_116 = arith.constant 0 : i32
    %scan3A_117 = arith.constant 0 : i32
    %scan3A_118 = arith.constant 4 : i32
    %scan3A_119 = arith.addi %scan3A_117, %scan3A_118 : i32
    %scan3A_120 = arith.constant 1 : i32
    scf.for %scan3A_123 = %scan3A_117 to %scan3A_119 step %scan3A_120  : i32 {
      %add3A_124 = arith.constant 780 : i32
      %add3A_125 = arith.addi %add3A_6, %add3A_124 : i32
      %min3A_126 = arith.constant 24996 : i32
      %min3A_127 = arith.minsi %add3A_125, %min3A_126 : i32
      %add3A_128 = arith.addi %min3A_127, %scan3A_123 : i32
      %add3A_129 = arith.constant 780 : i32
      %add3A_130 = arith.addi %add3A_6, %add3A_129 : i32
      %ge3A = arith.cmpi sge, %add3A_128, %add3A_130 : i32
      %add3A_131 = arith.addi %add3A_6, %add3A_10 : i32
      %lt3A_132 = arith.cmpi slt, %add3A_128, %add3A_131 : i32
      %and3A = arith.andi %ge3A, %lt3A_132 : i1
      %convert_element_type3A = arith.extui %and3A : i1 to i32
      %cond3A = arith.constant 0 : i32
      %cond3A_133 = arith.cmpi ne, %convert_element_type3A, %cond3A : i32
      scf.if %cond3A_133 {
        %dma_wait3A_134 = arith.constant 1 : i32
        %dma_wait3A_135 = arith.constant 1 : i32
        %dma_wait3A_136 = arith.constant 1 : i32
        %dma_wait3A_137 = arith.constant 0 : i32
        %dma_wait3A_138 = arith.constant 0 : i32
        %dma_wait3A_139 = tpu.memref_slice %arg10[%dma_wait3A_134, %scan3A_123, %dma_wait3A_137, %dma_wait3A_138] : memref<2x4x128x16xf32, #tpu.memory_space<vmem>> -> memref<1x1x128x16xf32, #tpu.memory_space<vmem>>
        %dma_wait3A_140 = tpu.memref_squeeze %dma_wait3A_139 : memref<1x1x128x16xf32, #tpu.memory_space<vmem>> -> memref<128x16xf32, #tpu.memory_space<vmem>>
        %dma_wait3A_141 = arith.constant 0 : i32
        %dma_wait3A_142 = tpu.memref_slice %arg9[%dma_wait3A_135, %scan3A_123, %dma_wait3A_141] : memref<2x4x128xi32, #tpu.memory_space<vmem>> -> memref<1x1x128xi32, #tpu.memory_space<vmem>>
        %dma_wait3A_143 = tpu.memref_squeeze %dma_wait3A_142 : memref<1x1x128xi32, #tpu.memory_space<vmem>> -> memref<128xi32, #tpu.memory_space<vmem>>
        %dma_wait3A_144 = arith.constant 0 : i32
        %dma_wait3A_145 = arith.constant 0 : i32
        %dma_wait3A_146 = tpu.memref_slice %arg6[%dma_wait3A_144, %dma_wait3A_145] : memref<102400x16xf32, #tpu.memory_space<vmem_shared>> -> memref<102400x16xf32, #tpu.memory_space<vmem_shared>>
        %dma_wait3A_147 = tpu.memref_slice %arg13[%dma_wait3A_136, %scan3A_123] : memref<2x4x!tpu.dma_semaphore, #tpu.memory_space<semaphore_mem>> -> memref<1x1x!tpu.dma_semaphore, #tpu.memory_space<semaphore_mem>>
        %dma_wait3A_148 = tpu.memref_squeeze %dma_wait3A_147 : memref<1x1x!tpu.dma_semaphore, #tpu.memory_space<semaphore_mem>> -> memref<!tpu.dma_semaphore, #tpu.memory_space<semaphore_mem>>
        tpu.wait_indirect_dma semaphore(%dma_wait3A_148 : memref<!tpu.dma_semaphore, #tpu.memory_space<semaphore_mem>>) src(%dma_wait3A_140 : memref<128x16xf32, #tpu.memory_space<vmem>>) dst(%dma_wait3A_146 : memref<102400x16xf32, #tpu.memory_space<vmem_shared>>)
      } else {
      }
    }
    %scan3A_121 = arith.constant 4 : i32
    %barrier3A_122 = arith.constant 0 : index
    tpu.barrier barrier_id(%barrier3A_122)
    "tpu.region"() ({
      %run_scoped3A = tpu.sem_alloc : memref<!tpu.dma_semaphore, #tpu.memory_space<semaphore_mem>>
      %dma_start3A_123 = arith.constant 0 : i32
      %dma_start3A_124 = tpu.memref_slice %arg5[%arg0, %mul3A_2, %dma_start3A_123] : memref<2x102400x16xf32, #tpu.memory_space<hbm>> -> memref<1x6400x16xf32, #tpu.memory_space<hbm>>
      %dma_start3A_125 = tpu.memref_squeeze %dma_start3A_124 : memref<1x6400x16xf32, #tpu.memory_space<hbm>> -> memref<6400x16xf32, #tpu.memory_space<hbm>>
      %dma_start3A_126 = arith.constant 0 : i32
      %dma_start3A_127 = tpu.memref_slice %arg6[%mul3A_2, %dma_start3A_126] : memref<102400x16xf32, #tpu.memory_space<vmem_shared>> -> memref<6400x16xf32, #tpu.memory_space<vmem_shared>>
      tpu.enqueue_dma source(%dma_start3A_127 : memref<6400x16xf32, #tpu.memory_space<vmem_shared>>) target(%dma_start3A_125 : memref<6400x16xf32, #tpu.memory_space<hbm>>) target_semaphore(%run_scoped3A : memref<!tpu.dma_semaphore, #tpu.memory_space<semaphore_mem>>)
      %dma_wait3A_128 = arith.constant 0 : i32
      %dma_wait3A_129 = tpu.memref_slice %arg5[%arg0, %mul3A_2, %dma_wait3A_128] : memref<2x102400x16xf32, #tpu.memory_space<hbm>> -> memref<1x6400x16xf32, #tpu.memory_space<hbm>>
      %dma_wait3A_130 = tpu.memref_squeeze %dma_wait3A_129 : memref<1x6400x16xf32, #tpu.memory_space<hbm>> -> memref<6400x16xf32, #tpu.memory_space<hbm>>
      %dma_wait3A_131 = arith.constant 0 : i32
      %dma_wait3A_132 = tpu.memref_slice %arg6[%mul3A_2, %dma_wait3A_131] : memref<102400x16xf32, #tpu.memory_space<vmem_shared>> -> memref<6400x16xf32, #tpu.memory_space<vmem_shared>>
      tpu.wait_dma2 semaphore(%run_scoped3A : memref<!tpu.dma_semaphore, #tpu.memory_space<semaphore_mem>>) src(%dma_wait3A_132 : memref<6400x16xf32, #tpu.memory_space<vmem_shared>>) dst(%dma_wait3A_130 : memref<6400x16xf32, #tpu.memory_space<hbm>>)
      tpu.yield
    }) : () -> ()
    return
  }
}

#map = affine_map<(d0, d1) -> (0, 0)>
#map1 = affine_map<(d0, d1) -> (0, 0, 0)>
module attributes {stable_mosaic.version = 14 : i64} {
  func.func @_deg_body(%arg0: i32, %arg1: i32, %arg2: memref<25000x128xi32, #tpu.memory_space<hbm>>, %arg3: memref<2x102400x16xf32, #tpu.memory_space<hbm>>, %arg4: memref<102400x16xf32, #tpu.memory_space<vmem_shared>>, %arg5: memref<128x16xf32, #tpu.memory_space<vmem>>, %arg6: memref<400x16xf32, #tpu.memory_space<vmem>>, %arg7: memref<2x8x128xi32, #tpu.memory_space<vmem>>, %arg8: memref<2x!tpu.dma_semaphore, #tpu.memory_space<semaphore_mem>>, %arg9: memref<2x8x!tpu.dma_semaphore, #tpu.memory_space<semaphore_mem>>) attributes {dimension_semantics = [#tpu.dimension_semantics<core_parallel>, #tpu.dimension_semantics<subcore_parallel>], iteration_bounds = array<i64: 2, 16>, scalar_prefetch = 0 : i64, scratch_operands = 6 : i64, tpu.core_type = #tpu.core_type<sc_vector_subcore>, window_params = [{transform_indices = #map}, {transform_indices = #map1}]} {
    %mul3A = arith.constant 16 : i32
    %mul3A_0 = arith.muli %arg0, %mul3A : i32
    %add3A = arith.addi %mul3A_0, %arg1 : i32
    %mul3A_1 = arith.constant 6400 : i32
    %mul3A_2 = arith.muli %arg1, %mul3A_1 : i32
    %mul3A_3 = arith.constant 781 : i32
    %mul3A_4 = arith.muli %add3A, %mul3A_3 : i32
    %min3A = arith.constant 8 : i32
    %min3A_5 = arith.minsi %add3A, %min3A : i32
    %add3A_6 = arith.addi %mul3A_4, %min3A_5 : i32
    %lt3A = arith.constant 8 : i32
    %lt3A_7 = arith.cmpi slt, %add3A, %lt3A : i32
    %jit3A = arith.constant 1 : i32
    %jit3A_8 = arith.constant 0 : i32
    %select_n3A = arith.select %lt3A_7, %jit3A, %jit3A_8 : i32
    %add3A_9 = arith.constant 781 : i32
    %add3A_10 = arith.addi %add3A_9, %select_n3A : i32
    %scan3A = arith.constant 0 : i32
    %scan3A_11 = arith.constant 0 : i32
    %scan3A_12 = arith.constant 128 : i32
    %scan3A_13 = arith.addi %scan3A_11, %scan3A_12 : i32
    %scan3A_14 = arith.constant 1 : i32
    scf.for %scan3A_60 = %scan3A_11 to %scan3A_13 step %scan3A_14  : i32 {
      %broadcast_in_dim3A = arith.constant 1.000000e+00 : f32
      %broadcast_in_dim3A_61 = vector.broadcast %broadcast_in_dim3A : f32 to vector<16xf32>
      %swap3A = arith.index_cast %scan3A_60 : i32 to index
      %swap3A_62 = arith.constant 0 : index
      %swap3A_63 = tpu.vector_load %arg5[%swap3A, %swap3A_62] {strides = array<i32>} : memref<128x16xf32, #tpu.memory_space<vmem>>, vector<1x16xf32>,
      %swap3A_64 = vector.shape_cast %swap3A_63 : vector<1x16xf32> to vector<16xf32>
      %swap3A_65 = vector.shape_cast %broadcast_in_dim3A_61 : vector<16xf32> to vector<1x16xf32>
      tpu.vector_store %arg5[%swap3A, %swap3A_62], %swap3A_65 {strides = array<i32>} : memref<128x16xf32, #tpu.memory_space<vmem>>, vector<1x16xf32>,
    }
    %scan3A_15 = arith.constant 128 : i32
    %scan3A_16 = arith.constant 0 : i32
    %scan3A_17 = arith.constant 0 : i32
    %scan3A_18 = arith.constant 400 : i32
    %scan3A_19 = arith.addi %scan3A_17, %scan3A_18 : i32
    %scan3A_20 = arith.constant 1 : i32
    scf.for %scan3A_60 = %scan3A_17 to %scan3A_19 step %scan3A_20  : i32 {
      %broadcast_in_dim3A = arith.constant 0.000000e+00 : f32
      %broadcast_in_dim3A_61 = vector.broadcast %broadcast_in_dim3A : f32 to vector<16xf32>
      %swap3A = arith.index_cast %scan3A_60 : i32 to index
      %swap3A_62 = arith.constant 0 : index
      %swap3A_63 = tpu.vector_load %arg6[%swap3A, %swap3A_62] {strides = array<i32>} : memref<400x16xf32, #tpu.memory_space<vmem>>, vector<1x16xf32>,
      %swap3A_64 = vector.shape_cast %swap3A_63 : vector<1x16xf32> to vector<16xf32>
      %swap3A_65 = vector.shape_cast %broadcast_in_dim3A_61 : vector<16xf32> to vector<1x16xf32>
      tpu.vector_store %arg6[%swap3A, %swap3A_62], %swap3A_65 {strides = array<i32>} : memref<400x16xf32, #tpu.memory_space<vmem>>, vector<1x16xf32>,
    }
    %scan3A_21 = arith.constant 400 : i32
    %scan3A_22 = arith.constant 0 : i32
    %scan3A_23 = arith.constant 0 : i32
    %scan3A_24 = arith.constant 16 : i32
    %scan3A_25 = arith.addi %scan3A_23, %scan3A_24 : i32
    %scan3A_26 = arith.constant 1 : i32
    scf.for %scan3A_60 = %scan3A_23 to %scan3A_25 step %scan3A_26  : i32 {
      %mul3A_61 = arith.constant 400 : i32
      %mul3A_62 = arith.muli %scan3A_60, %mul3A_61 : i32
      %add3A_63 = arith.addi %mul3A_2, %mul3A_62 : i32
      "tpu.region"() ({
        %run_scoped3A = tpu.sem_alloc : memref<!tpu.dma_semaphore, #tpu.memory_space<semaphore_mem>>
        %dma_start3A_64 = arith.constant 0 : i32
        %dma_start3A_65 = tpu.memref_slice %arg4[%add3A_63, %dma_start3A_64] : memref<102400x16xf32, #tpu.memory_space<vmem_shared>> -> memref<400x16xf32, #tpu.memory_space<vmem_shared>>
        %dma_start3A_66 = arith.constant 0 : i32
        %dma_start3A_67 = tpu.memref_slice %arg4[%add3A_63, %dma_start3A_66] : memref<102400x16xf32, #tpu.memory_space<vmem_shared>> -> memref<400x16xf32, #tpu.memory_space<vmem_shared>>
        tpu.enqueue_dma source(%arg6 : memref<400x16xf32, #tpu.memory_space<vmem>>) target(%dma_start3A_67 : memref<400x16xf32, #tpu.memory_space<vmem_shared>>) target_semaphore(%run_scoped3A : memref<!tpu.dma_semaphore, #tpu.memory_space<semaphore_mem>>)
        %dma_wait3A = arith.constant 0 : i32
        %dma_wait3A_68 = tpu.memref_slice %arg4[%add3A_63, %dma_wait3A] : memref<102400x16xf32, #tpu.memory_space<vmem_shared>> -> memref<400x16xf32, #tpu.memory_space<vmem_shared>>
        %dma_wait3A_69 = arith.constant 0 : i32
        %dma_wait3A_70 = tpu.memref_slice %arg4[%add3A_63, %dma_wait3A_69] : memref<102400x16xf32, #tpu.memory_space<vmem_shared>> -> memref<400x16xf32, #tpu.memory_space<vmem_shared>>
        tpu.wait_dma2 semaphore(%run_scoped3A : memref<!tpu.dma_semaphore, #tpu.memory_space<semaphore_mem>>) src(%arg6 : memref<400x16xf32, #tpu.memory_space<vmem>>) dst(%dma_wait3A_70 : memref<400x16xf32, #tpu.memory_space<vmem_shared>>)
        tpu.yield
      }) : () -> ()
    }
    %scan3A_27 = arith.constant 16 : i32
    %barrier3A = arith.constant 0 : index
    tpu.barrier barrier_id(%barrier3A)
    %add3A_28 = arith.constant 0 : i32
    %add3A_29 = arith.addi %add3A_6, %add3A_28 : i32
    %min3A_30 = arith.constant 24992 : i32
    %min3A_31 = arith.minsi %add3A_29, %min3A_30 : i32
    %dma_start3A = arith.constant 0 : i32
    %dma_start3A_32 = arith.constant 0 : i32
    %dma_start3A_33 = arith.constant 0 : i32
    %dma_start3A_34 = arith.constant 0 : i32
    %dma_start3A_35 = tpu.memref_slice %arg7[%dma_start3A, %dma_start3A_33, %dma_start3A_34] : memref<2x8x128xi32, #tpu.memory_space<vmem>> -> memref<1x8x128xi32, #tpu.memory_space<vmem>>
    %dma_start3A_36 = tpu.memref_squeeze %dma_start3A_35 : memref<1x8x128xi32, #tpu.memory_space<vmem>> -> memref<8x128xi32, #tpu.memory_space<vmem>>
    %dma_start3A_37 = arith.constant 0 : i32
    %dma_start3A_38 = tpu.memref_slice %arg2[%min3A_31, %dma_start3A_37] : memref<25000x128xi32, #tpu.memory_space<hbm>> -> memref<8x128xi32, #tpu.memory_space<hbm>>
    %dma_start3A_39 = tpu.memref_slice %arg8[%dma_start3A_32] : memref<2x!tpu.dma_semaphore, #tpu.memory_space<semaphore_mem>> -> memref<1x!tpu.dma_semaphore, #tpu.memory_space<semaphore_mem>>
    %dma_start3A_40 = tpu.memref_squeeze %dma_start3A_39 : memref<1x!tpu.dma_semaphore, #tpu.memory_space<semaphore_mem>> -> memref<!tpu.dma_semaphore, #tpu.memory_space<semaphore_mem>>
    %dma_start3A_41 = arith.constant 0 : i32
    %dma_start3A_42 = arith.constant 0 : i32
    %dma_start3A_43 = tpu.memref_slice %arg7[%dma_start3A, %dma_start3A_41, %dma_start3A_42] : memref<2x8x128xi32, #tpu.memory_space<vmem>> -> memref<1x8x128xi32, #tpu.memory_space<vmem>>
    %dma_start3A_44 = tpu.memref_squeeze %dma_start3A_43 : memref<1x8x128xi32, #tpu.memory_space<vmem>> -> memref<8x128xi32, #tpu.memory_space<vmem>>
    %dma_start3A_45 = arith.constant 0 : i32
    %dma_start3A_46 = tpu.memref_slice %arg2[%min3A_31, %dma_start3A_45] : memref<25000x128xi32, #tpu.memory_space<hbm>> -> memref<8x128xi32, #tpu.memory_space<hbm>>
    tpu.enqueue_dma source(%dma_start3A_46 : memref<8x128xi32, #tpu.memory_space<hbm>>) target(%dma_start3A_44 : memref<8x128xi32, #tpu.memory_space<vmem>>) target_semaphore(%dma_start3A_40 : memref<!tpu.dma_semaphore, #tpu.memory_space<semaphore_mem>>)
    %scan3A_47 = arith.constant 0 : i32
    %scan3A_48 = arith.constant 0 : i32
    %scan3A_49 = arith.constant 98 : i32
    %scan3A_50 = arith.addi %scan3A_48, %scan3A_49 : i32
    %scan3A_51 = arith.constant 1 : i32
    scf.for %scan3A_60 = %scan3A_48 to %scan3A_50 step %scan3A_51  : i32 {
      %rem3A = arith.constant 2 : i32
      %rem3A_61 = arith.remsi %scan3A_60, %rem3A : i32
      %sub3A = arith.constant 1 : i32
      %sub3A_62 = arith.subi %sub3A, %rem3A_61 : i32
      %ge3A = arith.constant 1 : i32
      %ge3A_63 = arith.cmpi sge, %scan3A_60, %ge3A : i32
      %convert_element_type3A = arith.extui %ge3A_63 : i1 to i32
      %cond3A = arith.constant 0 : i32
      %cond3A_64 = arith.cmpi ne, %convert_element_type3A, %cond3A : i32
      scf.if %cond3A_64 {
        %scan3A_96 = arith.constant 0 : i32
        %scan3A_97 = arith.constant 0 : i32
        %scan3A_98 = arith.constant 8 : i32
        %scan3A_99 = arith.addi %scan3A_97, %scan3A_98 : i32
        %scan3A_100 = arith.constant 1 : i32
        scf.for %scan3A_102 = %scan3A_97 to %scan3A_99 step %scan3A_100  : i32 {
          %sub3A_103 = arith.constant 1 : i32
          %sub3A_104 = arith.subi %scan3A_60, %sub3A_103 : i32
          %mul3A_105 = arith.constant 8 : i32
          %mul3A_106 = arith.muli %sub3A_104, %mul3A_105 : i32
          %add3A_107 = arith.addi %add3A_6, %mul3A_106 : i32
          %min3A_108 = arith.constant 24992 : i32
          %min3A_109 = arith.minsi %add3A_107, %min3A_108 : i32
          %add3A_110 = arith.addi %min3A_109, %scan3A_102 : i32
          %mul3A_111 = arith.constant 8 : i32
          %mul3A_112 = arith.muli %sub3A_104, %mul3A_111 : i32
          %add3A_113 = arith.addi %add3A_6, %mul3A_112 : i32
          %ge3A_114 = arith.cmpi sge, %add3A_110, %add3A_113 : i32
          %add3A_115 = arith.addi %add3A_6, %add3A_10 : i32
          %lt3A_116 = arith.cmpi slt, %add3A_110, %add3A_115 : i32
          %and3A = arith.andi %ge3A_114, %lt3A_116 : i1
          %convert_element_type3A_117 = arith.extui %and3A : i1 to i32
          %cond3A_118 = arith.constant 0 : i32
          %cond3A_119 = arith.cmpi ne, %convert_element_type3A_117, %cond3A_118 : i32
          scf.if %cond3A_119 {
            %dma_wait3A_120 = arith.constant 0 : i32
            %dma_wait3A_121 = tpu.memref_slice %arg7[%sub3A_62, %scan3A_102, %dma_wait3A_120] : memref<2x8x128xi32, #tpu.memory_space<vmem>> -> memref<1x1x128xi32, #tpu.memory_space<vmem>>
            %dma_wait3A_122 = tpu.memref_squeeze %dma_wait3A_121 : memref<1x1x128xi32, #tpu.memory_space<vmem>> -> memref<128xi32, #tpu.memory_space<vmem>>
            %dma_wait3A_123 = arith.constant 0 : i32
            %dma_wait3A_124 = arith.constant 0 : i32
            %dma_wait3A_125 = tpu.memref_slice %arg4[%dma_wait3A_123, %dma_wait3A_124] : memref<102400x16xf32, #tpu.memory_space<vmem_shared>> -> memref<102400x16xf32, #tpu.memory_space<vmem_shared>>
            %dma_wait3A_126 = tpu.memref_slice %arg9[%sub3A_62, %scan3A_102] : memref<2x8x!tpu.dma_semaphore, #tpu.memory_space<semaphore_mem>> -> memref<1x1x!tpu.dma_semaphore, #tpu.memory_space<semaphore_mem>>
            %dma_wait3A_127 = tpu.memref_squeeze %dma_wait3A_126 : memref<1x1x!tpu.dma_semaphore, #tpu.memory_space<semaphore_mem>> -> memref<!tpu.dma_semaphore, #tpu.memory_space<semaphore_mem>>
            tpu.wait_indirect_dma semaphore(%dma_wait3A_127 : memref<!tpu.dma_semaphore, #tpu.memory_space<semaphore_mem>>) src(%arg5 : memref<128x16xf32, #tpu.memory_space<vmem>>) dst(%dma_wait3A_125 : memref<102400x16xf32, #tpu.memory_space<vmem_shared>>)
          } else {
          }
        }
        %scan3A_101 = arith.constant 8 : i32
      } else {
      }
      %add3A_65 = arith.constant 1 : i32
      %add3A_66 = arith.addi %scan3A_60, %add3A_65 : i32
      %lt3A_67 = arith.constant 98 : i32
      %lt3A_68 = arith.cmpi slt, %add3A_66, %lt3A_67 : i32
      %convert_element_type3A_69 = arith.extui %lt3A_68 : i1 to i32
      %cond3A_70 = arith.constant 0 : i32
      %cond3A_71 = arith.cmpi ne, %convert_element_type3A_69, %cond3A_70 : i32
      scf.if %cond3A_71 {
        %add3A_96 = arith.constant 1 : i32
        %add3A_97 = arith.addi %scan3A_60, %add3A_96 : i32
        %mul3A_98 = arith.constant 8 : i32
        %mul3A_99 = arith.muli %add3A_97, %mul3A_98 : i32
        %add3A_100 = arith.addi %add3A_6, %mul3A_99 : i32
        %min3A_101 = arith.constant 24992 : i32
        %min3A_102 = arith.minsi %add3A_100, %min3A_101 : i32
        %dma_start3A_103 = arith.constant 0 : i32
        %dma_start3A_104 = arith.constant 0 : i32
        %dma_start3A_105 = tpu.memref_slice %arg7[%sub3A_62, %dma_start3A_103, %dma_start3A_104] : memref<2x8x128xi32, #tpu.memory_space<vmem>> -> memref<1x8x128xi32, #tpu.memory_space<vmem>>
        %dma_start3A_106 = tpu.memref_squeeze %dma_start3A_105 : memref<1x8x128xi32, #tpu.memory_space<vmem>> -> memref<8x128xi32, #tpu.memory_space<vmem>>
        %dma_start3A_107 = arith.constant 0 : i32
        %dma_start3A_108 = tpu.memref_slice %arg2[%min3A_102, %dma_start3A_107] : memref<25000x128xi32, #tpu.memory_space<hbm>> -> memref<8x128xi32, #tpu.memory_space<hbm>>
        %dma_start3A_109 = tpu.memref_slice %arg8[%sub3A_62] : memref<2x!tpu.dma_semaphore, #tpu.memory_space<semaphore_mem>> -> memref<1x!tpu.dma_semaphore, #tpu.memory_space<semaphore_mem>>
        %dma_start3A_110 = tpu.memref_squeeze %dma_start3A_109 : memref<1x!tpu.dma_semaphore, #tpu.memory_space<semaphore_mem>> -> memref<!tpu.dma_semaphore, #tpu.memory_space<semaphore_mem>>
        %dma_start3A_111 = arith.constant 0 : i32
        %dma_start3A_112 = arith.constant 0 : i32
        %dma_start3A_113 = tpu.memref_slice %arg7[%sub3A_62, %dma_start3A_111, %dma_start3A_112] : memref<2x8x128xi32, #tpu.memory_space<vmem>> -> memref<1x8x128xi32, #tpu.memory_space<vmem>>
        %dma_start3A_114 = tpu.memref_squeeze %dma_start3A_113 : memref<1x8x128xi32, #tpu.memory_space<vmem>> -> memref<8x128xi32, #tpu.memory_space<vmem>>
        %dma_start3A_115 = arith.constant 0 : i32
        %dma_start3A_116 = tpu.memref_slice %arg2[%min3A_102, %dma_start3A_115] : memref<25000x128xi32, #tpu.memory_space<hbm>> -> memref<8x128xi32, #tpu.memory_space<hbm>>
        tpu.enqueue_dma source(%dma_start3A_116 : memref<8x128xi32, #tpu.memory_space<hbm>>) target(%dma_start3A_114 : memref<8x128xi32, #tpu.memory_space<vmem>>) target_semaphore(%dma_start3A_110 : memref<!tpu.dma_semaphore, #tpu.memory_space<semaphore_mem>>)
      } else {
      }
      %mul3A_72 = arith.constant 8 : i32
      %mul3A_73 = arith.muli %scan3A_60, %mul3A_72 : i32
      %add3A_74 = arith.addi %add3A_6, %mul3A_73 : i32
      %min3A_75 = arith.constant 24992 : i32
      %min3A_76 = arith.minsi %add3A_74, %min3A_75 : i32
      %dma_wait3A = arith.constant 0 : i32
      %dma_wait3A_77 = arith.constant 0 : i32
      %dma_wait3A_78 = tpu.memref_slice %arg7[%rem3A_61, %dma_wait3A, %dma_wait3A_77] : memref<2x8x128xi32, #tpu.memory_space<vmem>> -> memref<1x8x128xi32, #tpu.memory_space<vmem>>
      %dma_wait3A_79 = tpu.memref_squeeze %dma_wait3A_78 : memref<1x8x128xi32, #tpu.memory_space<vmem>> -> memref<8x128xi32, #tpu.memory_space<vmem>>
      %dma_wait3A_80 = arith.constant 0 : i32
      %dma_wait3A_81 = tpu.memref_slice %arg2[%min3A_76, %dma_wait3A_80] : memref<25000x128xi32, #tpu.memory_space<hbm>> -> memref<8x128xi32, #tpu.memory_space<hbm>>
      %dma_wait3A_82 = tpu.memref_slice %arg8[%rem3A_61] : memref<2x!tpu.dma_semaphore, #tpu.memory_space<semaphore_mem>> -> memref<1x!tpu.dma_semaphore, #tpu.memory_space<semaphore_mem>>
      %dma_wait3A_83 = tpu.memref_squeeze %dma_wait3A_82 : memref<1x!tpu.dma_semaphore, #tpu.memory_space<semaphore_mem>> -> memref<!tpu.dma_semaphore, #tpu.memory_space<semaphore_mem>>
      %dma_wait3A_84 = arith.constant 0 : i32
      %dma_wait3A_85 = arith.constant 0 : i32
      %dma_wait3A_86 = tpu.memref_slice %arg7[%rem3A_61, %dma_wait3A_84, %dma_wait3A_85] : memref<2x8x128xi32, #tpu.memory_space<vmem>> -> memref<1x8x128xi32, #tpu.memory_space<vmem>>
      %dma_wait3A_87 = tpu.memref_squeeze %dma_wait3A_86 : memref<1x8x128xi32, #tpu.memory_space<vmem>> -> memref<8x128xi32, #tpu.memory_space<vmem>>
      %dma_wait3A_88 = arith.constant 0 : i32
      %dma_wait3A_89 = tpu.memref_slice %arg2[%min3A_76, %dma_wait3A_88] : memref<25000x128xi32, #tpu.memory_space<hbm>> -> memref<8x128xi32, #tpu.memory_space<hbm>>
      tpu.wait_dma2 semaphore(%dma_wait3A_83 : memref<!tpu.dma_semaphore, #tpu.memory_space<semaphore_mem>>) src(%dma_wait3A_89 : memref<8x128xi32, #tpu.memory_space<hbm>>) dst(%dma_wait3A_87 : memref<8x128xi32, #tpu.memory_space<vmem>>)
      %scan3A_90 = arith.constant 0 : i32
      %scan3A_91 = arith.constant 0 : i32
      %scan3A_92 = arith.constant 8 : i32
      %scan3A_93 = arith.addi %scan3A_91, %scan3A_92 : i32
      %scan3A_94 = arith.constant 1 : i32
      scf.for %scan3A_96 = %scan3A_91 to %scan3A_93 step %scan3A_94  : i32 {
        %mul3A_97 = arith.constant 8 : i32
        %mul3A_98 = arith.muli %scan3A_60, %mul3A_97 : i32
        %add3A_99 = arith.addi %add3A_6, %mul3A_98 : i32
        %min3A_100 = arith.constant 24992 : i32
        %min3A_101 = arith.minsi %add3A_99, %min3A_100 : i32
        %add3A_102 = arith.addi %min3A_101, %scan3A_96 : i32
        %mul3A_103 = arith.constant 8 : i32
        %mul3A_104 = arith.muli %scan3A_60, %mul3A_103 : i32
        %add3A_105 = arith.addi %add3A_6, %mul3A_104 : i32
        %ge3A_106 = arith.cmpi sge, %add3A_102, %add3A_105 : i32
        %add3A_107 = arith.addi %add3A_6, %add3A_10 : i32
        %lt3A_108 = arith.cmpi slt, %add3A_102, %add3A_107 : i32
        %and3A = arith.andi %ge3A_106, %lt3A_108 : i1
        %convert_element_type3A_109 = arith.extui %and3A : i1 to i32
        %cond3A_110 = arith.constant 0 : i32
        %cond3A_111 = arith.cmpi ne, %convert_element_type3A_109, %cond3A_110 : i32
        scf.if %cond3A_111 {
          %dma_start3A_112 = arith.constant 0 : i32
          %dma_start3A_113 = tpu.memref_slice %arg7[%rem3A_61, %scan3A_96, %dma_start3A_112] : memref<2x8x128xi32, #tpu.memory_space<vmem>> -> memref<1x1x128xi32, #tpu.memory_space<vmem>>
          %dma_start3A_114 = tpu.memref_squeeze %dma_start3A_113 : memref<1x1x128xi32, #tpu.memory_space<vmem>> -> memref<128xi32, #tpu.memory_space<vmem>>
          %dma_start3A_115 = arith.constant 0 : i32
          %dma_start3A_116 = arith.constant 0 : i32
          %dma_start3A_117 = tpu.memref_slice %arg4[%dma_start3A_115, %dma_start3A_116] : memref<102400x16xf32, #tpu.memory_space<vmem_shared>> -> memref<102400x16xf32, #tpu.memory_space<vmem_shared>>
          %dma_start3A_118 = tpu.memref_slice %arg9[%rem3A_61, %scan3A_96] : memref<2x8x!tpu.dma_semaphore, #tpu.memory_space<semaphore_mem>> -> memref<1x1x!tpu.dma_semaphore, #tpu.memory_space<semaphore_mem>>
          %dma_start3A_119 = tpu.memref_squeeze %dma_start3A_118 : memref<1x1x!tpu.dma_semaphore, #tpu.memory_space<semaphore_mem>> -> memref<!tpu.dma_semaphore, #tpu.memory_space<semaphore_mem>>
          tpu.enqueue_indirect_dma source(%arg5 : memref<128x16xf32, #tpu.memory_space<vmem>>) target(%dma_start3A_117 : memref<102400x16xf32, #tpu.memory_space<vmem_shared>>) offsets(%dma_start3A_114 : memref<128xi32, #tpu.memory_space<vmem>>) semaphore(%dma_start3A_119 : memref<!tpu.dma_semaphore, #tpu.memory_space<semaphore_mem>>) {add = true}
        } else {
        }
      }
      %scan3A_95 = arith.constant 8 : i32
    }
    %scan3A_52 = arith.constant 98 : i32
    %scan3A_53 = arith.constant 0 : i32
    %scan3A_54 = arith.constant 0 : i32
    %scan3A_55 = arith.constant 8 : i32
    %scan3A_56 = arith.addi %scan3A_54, %scan3A_55 : i32
    %scan3A_57 = arith.constant 1 : i32
    scf.for %scan3A_60 = %scan3A_54 to %scan3A_56 step %scan3A_57  : i32 {
      %add3A_61 = arith.constant 776 : i32
      %add3A_62 = arith.addi %add3A_6, %add3A_61 : i32
      %min3A_63 = arith.constant 24992 : i32
      %min3A_64 = arith.minsi %add3A_62, %min3A_63 : i32
      %add3A_65 = arith.addi %min3A_64, %scan3A_60 : i32
      %add3A_66 = arith.constant 776 : i32
      %add3A_67 = arith.addi %add3A_6, %add3A_66 : i32
      %ge3A = arith.cmpi sge, %add3A_65, %add3A_67 : i32
      %add3A_68 = arith.addi %add3A_6, %add3A_10 : i32
      %lt3A_69 = arith.cmpi slt, %add3A_65, %add3A_68 : i32
      %and3A = arith.andi %ge3A, %lt3A_69 : i1
      %convert_element_type3A = arith.extui %and3A : i1 to i32
      %cond3A = arith.constant 0 : i32
      %cond3A_70 = arith.cmpi ne, %convert_element_type3A, %cond3A : i32
      scf.if %cond3A_70 {
        %dma_wait3A = arith.constant 1 : i32
        %dma_wait3A_71 = arith.constant 1 : i32
        %dma_wait3A_72 = arith.constant 0 : i32
        %dma_wait3A_73 = tpu.memref_slice %arg7[%dma_wait3A, %scan3A_60, %dma_wait3A_72] : memref<2x8x128xi32, #tpu.memory_space<vmem>> -> memref<1x1x128xi32, #tpu.memory_space<vmem>>
        %dma_wait3A_74 = tpu.memref_squeeze %dma_wait3A_73 : memref<1x1x128xi32, #tpu.memory_space<vmem>> -> memref<128xi32, #tpu.memory_space<vmem>>
        %dma_wait3A_75 = arith.constant 0 : i32
        %dma_wait3A_76 = arith.constant 0 : i32
        %dma_wait3A_77 = tpu.memref_slice %arg4[%dma_wait3A_75, %dma_wait3A_76] : memref<102400x16xf32, #tpu.memory_space<vmem_shared>> -> memref<102400x16xf32, #tpu.memory_space<vmem_shared>>
        %dma_wait3A_78 = tpu.memref_slice %arg9[%dma_wait3A_71, %scan3A_60] : memref<2x8x!tpu.dma_semaphore, #tpu.memory_space<semaphore_mem>> -> memref<1x1x!tpu.dma_semaphore, #tpu.memory_space<semaphore_mem>>
        %dma_wait3A_79 = tpu.memref_squeeze %dma_wait3A_78 : memref<1x1x!tpu.dma_semaphore, #tpu.memory_space<semaphore_mem>> -> memref<!tpu.dma_semaphore, #tpu.memory_space<semaphore_mem>>
        tpu.wait_indirect_dma semaphore(%dma_wait3A_79 : memref<!tpu.dma_semaphore, #tpu.memory_space<semaphore_mem>>) src(%arg5 : memref<128x16xf32, #tpu.memory_space<vmem>>) dst(%dma_wait3A_77 : memref<102400x16xf32, #tpu.memory_space<vmem_shared>>)
      } else {
      }
    }
    %scan3A_58 = arith.constant 8 : i32
    %barrier3A_59 = arith.constant 0 : index
    tpu.barrier barrier_id(%barrier3A_59)
    "tpu.region"() ({
      %run_scoped3A = tpu.sem_alloc : memref<!tpu.dma_semaphore, #tpu.memory_space<semaphore_mem>>
      %dma_start3A_60 = arith.constant 0 : i32
      %dma_start3A_61 = tpu.memref_slice %arg3[%arg0, %mul3A_2, %dma_start3A_60] : memref<2x102400x16xf32, #tpu.memory_space<hbm>> -> memref<1x6400x16xf32, #tpu.memory_space<hbm>>
      %dma_start3A_62 = tpu.memref_squeeze %dma_start3A_61 : memref<1x6400x16xf32, #tpu.memory_space<hbm>> -> memref<6400x16xf32, #tpu.memory_space<hbm>>
      %dma_start3A_63 = arith.constant 0 : i32
      %dma_start3A_64 = tpu.memref_slice %arg4[%mul3A_2, %dma_start3A_63] : memref<102400x16xf32, #tpu.memory_space<vmem_shared>> -> memref<6400x16xf32, #tpu.memory_space<vmem_shared>>
      tpu.enqueue_dma source(%dma_start3A_64 : memref<6400x16xf32, #tpu.memory_space<vmem_shared>>) target(%dma_start3A_62 : memref<6400x16xf32, #tpu.memory_space<hbm>>) target_semaphore(%run_scoped3A : memref<!tpu.dma_semaphore, #tpu.memory_space<semaphore_mem>>)
      %dma_wait3A = arith.constant 0 : i32
      %dma_wait3A_65 = tpu.memref_slice %arg3[%arg0, %mul3A_2, %dma_wait3A] : memref<2x102400x16xf32, #tpu.memory_space<hbm>> -> memref<1x6400x16xf32, #tpu.memory_space<hbm>>
      %dma_wait3A_66 = tpu.memref_squeeze %dma_wait3A_65 : memref<1x6400x16xf32, #tpu.memory_space<hbm>> -> memref<6400x16xf32, #tpu.memory_space<hbm>>
      %dma_wait3A_67 = arith.constant 0 : i32
      %dma_wait3A_68 = tpu.memref_slice %arg4[%mul3A_2, %dma_wait3A_67] : memref<102400x16xf32, #tpu.memory_space<vmem_shared>> -> memref<6400x16xf32, #tpu.memory_space<vmem_shared>>
      tpu.wait_dma2 semaphore(%run_scoped3A : memref<!tpu.dma_semaphore, #tpu.memory_space<semaphore_mem>>) src(%dma_wait3A_68 : memref<6400x16xf32, #tpu.memory_space<vmem_shared>>) dst(%dma_wait3A_66 : memref<6400x16xf32, #tpu.memory_space<hbm>>)
      tpu.yield
    }) : () -> ()
    return
  }
}

module attributes {stable_mosaic.version = 14 : i64} {
  func.func @_tc_a_body(%arg0: i32, %arg1: memref<4096x6xf32, #tpu.memory_space<vmem>>, %arg2: memref<1x4096x16xf32, #tpu.memory_space<vmem>>, %arg3: memref<1x4096x16xf32, #tpu.memory_space<vmem>>, %arg4: memref<6x16xf32, #tpu.memory_space<vmem>>, %arg5: memref<4096x16xf32, #tpu.memory_space<vmem>>, %arg6: memref<4096x16xf32, #tpu.memory_space<vmem>>) attributes {dimension_semantics = [#tpu.dimension_semantics<arbitrary>], iteration_bounds = array<i64: 25>, scalar_prefetch = 0 : i64, scratch_operands = 0 : i64, tpu.core_type = #tpu.core_type<tc>, window_params = [{transform_indices = @transform_0, window_bounds = array<i64: 4096, 6>}, {transform_indices = @transform_1, window_bounds = array<i64: 1, 4096, 16>}, {transform_indices = @transform_2, window_bounds = array<i64: 1, 4096, 16>}, {pipeline_mode = #tpu.pipeline_mode<synchronous>, transform_indices = @transform_3, window_bounds = array<i64: 6, 16>}, {transform_indices = @transform_4, window_bounds = array<i64: 4096, 16>}, {transform_indices = @transform_5, window_bounds = array<i64: 4096, 16>}]} {
    %get3A = arith.constant 0 : index
    %get3A_0 = arith.constant 0 : index
    %get3A_1 = arith.constant 0 : index
    %get3A_2 = vector.load %arg2[%get3A, %get3A_0, %get3A_1] : memref<1x4096x16xf32, #tpu.memory_space<vmem>>, vector<1x4096x16xf32>
    %get3A_3 = vector.shape_cast %get3A_2 : vector<1x4096x16xf32> to vector<4096x16xf32>
    %get3A_4 = arith.constant 0 : index
    %get3A_5 = arith.constant 0 : index
    %get3A_6 = arith.constant 0 : index
    %get3A_7 = vector.load %arg3[%get3A_4, %get3A_5, %get3A_6] : memref<1x4096x16xf32, #tpu.memory_space<vmem>>, vector<1x4096x16xf32>
    %get3A_8 = vector.shape_cast %get3A_7 : vector<1x4096x16xf32> to vector<4096x16xf32>
    %add3A = arith.addf %get3A_3, %get3A_8 : vector<4096x16xf32>
    %add3A_9 = arith.constant 1.000000e+00 : f32
    %add3A_10 = vector.broadcast %add3A_9 : f32 to vector<4096x16xf32>
    %add3A_11 = arith.addf %add3A, %add3A_10 : vector<4096x16xf32>
    %rsqrt3A = math.rsqrt %add3A_11 : vector<4096x16xf32>
    %get3A_12 = arith.constant 0 : index
    %get3A_13 = arith.constant 0 : index
    %get3A_14 = vector.load %arg1[%get3A_12, %get3A_13] : memref<4096x6xf32, #tpu.memory_space<vmem>>, vector<4096x6xf32>
    %get3A_15 = arith.constant 0 : index
    %get3A_16 = arith.constant 0 : index
    %get3A_17 = vector.load %arg4[%get3A_15, %get3A_16] : memref<6x16xf32, #tpu.memory_space<vmem>>, vector<6x16xf32>
    %dot_general3A = arith.constant dense<0.000000e+00> : vector<4096x16xf32>
    %dot_general3A_18 = tpu.matmul %get3A_14, %get3A_17, %dot_general3A {dimension_numbers = #tpu.dot_dimension_numbers<[1], [0], [0], [1], [0, 0, 1, 1], [], []>, transpose_lhs_hint = false} : vector<4096x6xf32>, vector<6x16xf32>, vector<4096x16xf32> -> vector<4096x16xf32>
    %swap3A = arith.constant 0 : index
    %swap3A_19 = arith.constant 0 : index
    %swap3A_20 = vector.load %arg5[%swap3A, %swap3A_19] : memref<4096x16xf32, #tpu.memory_space<vmem>>, vector<4096x16xf32>
    tpu.vector_store %arg5[%swap3A, %swap3A_19], %rsqrt3A {strides = array<i32>} : memref<4096x16xf32, #tpu.memory_space<vmem>>, vector<4096x16xf32>,
    %mul3A = arith.mulf %dot_general3A_18, %rsqrt3A : vector<4096x16xf32>
    %swap3A_21 = arith.constant 0 : index
    %swap3A_22 = arith.constant 0 : index
    %swap3A_23 = vector.load %arg6[%swap3A_21, %swap3A_22] : memref<4096x16xf32, #tpu.memory_space<vmem>>, vector<4096x16xf32>
    tpu.vector_store %arg6[%swap3A_21, %swap3A_22], %mul3A {strides = array<i32>} : memref<4096x16xf32, #tpu.memory_space<vmem>>, vector<4096x16xf32>,
    return
  }
  func.func @transform_0(%arg0: i32) -> (i32, i32) {
    %c0_i32 = arith.constant 0 : i32
    %c0_i32_0 = arith.constant 0 : i32
    return %arg0, %c0_i32 : i32, i32
  }
  func.func @transform_1(%arg0: i32) -> (i32, i32, i32) {
    %c0_i32 = arith.constant 0 : i32
    %c0_i32_0 = arith.constant 0 : i32
    %c0_i32_1 = arith.constant 0 : i32
    return %c0_i32, %arg0, %c0_i32_0 : i32, i32, i32
  }
  func.func @transform_2(%arg0: i32) -> (i32, i32, i32) {
    %c1_i32 = arith.constant 1 : i32
    %c0_i32 = arith.constant 0 : i32
    %c0_i32_0 = arith.constant 0 : i32
    return %c1_i32, %arg0, %c0_i32 : i32, i32, i32
  }
  func.func @transform_3(%arg0: i32) -> (i32, i32) {
    %c0_i32 = arith.constant 0 : i32
    %c0_i32_0 = arith.constant 0 : i32
    %c0_i32_1 = arith.constant 0 : i32
    return %c0_i32, %c0_i32_0 : i32, i32
  }
  func.func @transform_4(%arg0: i32) -> (i32, i32) {
    %c0_i32 = arith.constant 0 : i32
    %c0_i32_0 = arith.constant 0 : i32
    return %arg0, %c0_i32 : i32, i32
  }
  func.func @transform_5(%arg0: i32) -> (i32, i32) {
    %c0_i32 = arith.constant 0 : i32
    %c0_i32_0 = arith.constant 0 : i32
    return %arg0, %c0_i32 : i32, i32
  }
}

module attributes {stable_mosaic.version = 14 : i64} {
  func.func @_tc_b_body(%arg0: i32, %arg1: memref<1x4096x16xf32, #tpu.memory_space<vmem>>, %arg2: memref<1x4096x16xf32, #tpu.memory_space<vmem>>, %arg3: memref<4096x16xf32, #tpu.memory_space<vmem>>, %arg4: memref<4096x16xf32, #tpu.memory_space<vmem>>, %arg5: memref<1x16xf32, #tpu.memory_space<vmem>>, %arg6: memref<16x16xf32, #tpu.memory_space<vmem>>, %arg7: memref<4096x16xf32, #tpu.memory_space<vmem>>) attributes {dimension_semantics = [#tpu.dimension_semantics<arbitrary>], iteration_bounds = array<i64: 25>, scalar_prefetch = 0 : i64, scratch_operands = 0 : i64, tpu.core_type = #tpu.core_type<tc>, window_params = [{transform_indices = @transform_0, window_bounds = array<i64: 1, 4096, 16>}, {transform_indices = @transform_1, window_bounds = array<i64: 1, 4096, 16>}, {transform_indices = @transform_2, window_bounds = array<i64: 4096, 16>}, {transform_indices = @transform_3, window_bounds = array<i64: 4096, 16>}, {pipeline_mode = #tpu.pipeline_mode<synchronous>, transform_indices = @transform_4, window_bounds = array<i64: 1, 16>}, {pipeline_mode = #tpu.pipeline_mode<synchronous>, transform_indices = @transform_5, window_bounds = array<i64: 16, 16>}, {transform_indices = @transform_6, window_bounds = array<i64: 4096, 16>}]} {
    %get3A = arith.constant 0 : index
    %get3A_0 = arith.constant 0 : index
    %get3A_1 = vector.load %arg4[%get3A, %get3A_0] : memref<4096x16xf32, #tpu.memory_space<vmem>>, vector<4096x16xf32>
    %get3A_2 = arith.constant 0 : index
    %get3A_3 = arith.constant 0 : index
    %get3A_4 = arith.constant 0 : index
    %get3A_5 = vector.load %arg1[%get3A_2, %get3A_3, %get3A_4] : memref<1x4096x16xf32, #tpu.memory_space<vmem>>, vector<1x4096x16xf32>
    %get3A_6 = vector.shape_cast %get3A_5 : vector<1x4096x16xf32> to vector<4096x16xf32>
    %get3A_7 = arith.constant 0 : index
    %get3A_8 = arith.constant 0 : index
    %get3A_9 = arith.constant 0 : index
    %get3A_10 = vector.load %arg2[%get3A_7, %get3A_8, %get3A_9] : memref<1x4096x16xf32, #tpu.memory_space<vmem>>, vector<1x4096x16xf32>
    %get3A_11 = vector.shape_cast %get3A_10 : vector<1x4096x16xf32> to vector<4096x16xf32>
    %add3A = arith.addf %get3A_6, %get3A_11 : vector<4096x16xf32>
    %get3A_12 = arith.constant 0 : index
    %get3A_13 = arith.constant 0 : index
    %get3A_14 = vector.load %arg3[%get3A_12, %get3A_13] : memref<4096x16xf32, #tpu.memory_space<vmem>>, vector<4096x16xf32>
    %add3A_15 = arith.addf %add3A, %get3A_14 : vector<4096x16xf32>
    %mul3A = arith.mulf %get3A_1, %add3A_15 : vector<4096x16xf32>
    %get3A_16 = arith.constant 0 : index
    %get3A_17 = arith.constant 0 : index
    %get3A_18 = vector.load %arg5[%get3A_16, %get3A_17] : memref<1x16xf32, #tpu.memory_space<vmem>>, vector<1x16xf32>
    %add3A_19 = vector.broadcast %get3A_18 : vector<1x16xf32> to vector<4096x16xf32>
    %add3A_20 = arith.addf %mul3A, %add3A_19 : vector<4096x16xf32>
    %max3A = arith.constant 0.000000e+00 : f32
    %max3A_21 = vector.broadcast %max3A : f32 to vector<4096x16xf32>
    %max3A_22 = arith.maximumf %add3A_20, %max3A_21 : vector<4096x16xf32>
    %get3A_23 = arith.constant 0 : index
    %get3A_24 = arith.constant 0 : index
    %get3A_25 = vector.load %arg6[%get3A_23, %get3A_24] : memref<16x16xf32, #tpu.memory_space<vmem>>, vector<16x16xf32>
    %dot_general3A = arith.constant dense<0.000000e+00> : vector<4096x16xf32>
    %dot_general3A_26 = tpu.matmul %max3A_22, %get3A_25, %dot_general3A {dimension_numbers = #tpu.dot_dimension_numbers<[1], [0], [0], [1], [0, 0, 1, 1], [], []>, transpose_lhs_hint = false} : vector<4096x16xf32>, vector<16x16xf32>, vector<4096x16xf32> -> vector<4096x16xf32>
    %mul3A_27 = arith.mulf %dot_general3A_26, %get3A_1 : vector<4096x16xf32>
    %swap3A = arith.constant 0 : index
    %swap3A_28 = arith.constant 0 : index
    %swap3A_29 = vector.load %arg7[%swap3A, %swap3A_28] : memref<4096x16xf32, #tpu.memory_space<vmem>>, vector<4096x16xf32>
    tpu.vector_store %arg7[%swap3A, %swap3A_28], %mul3A_27 {strides = array<i32>} : memref<4096x16xf32, #tpu.memory_space<vmem>>, vector<4096x16xf32>,
    return
  }
  func.func @transform_0(%arg0: i32) -> (i32, i32, i32) {
    %c0_i32 = arith.constant 0 : i32
    %c0_i32_0 = arith.constant 0 : i32
    %c0_i32_1 = arith.constant 0 : i32
    return %c0_i32, %arg0, %c0_i32_0 : i32, i32, i32
  }
  func.func @transform_1(%arg0: i32) -> (i32, i32, i32) {
    %c1_i32 = arith.constant 1 : i32
    %c0_i32 = arith.constant 0 : i32
    %c0_i32_0 = arith.constant 0 : i32
    return %c1_i32, %arg0, %c0_i32 : i32, i32, i32
  }
  func.func @transform_2(%arg0: i32) -> (i32, i32) {
    %c0_i32 = arith.constant 0 : i32
    %c0_i32_0 = arith.constant 0 : i32
    return %arg0, %c0_i32 : i32, i32
  }
  func.func @transform_3(%arg0: i32) -> (i32, i32) {
    %c0_i32 = arith.constant 0 : i32
    %c0_i32_0 = arith.constant 0 : i32
    return %arg0, %c0_i32 : i32, i32
  }
  func.func @transform_4(%arg0: i32) -> (i32, i32) {
    %c0_i32 = arith.constant 0 : i32
    %c0_i32_0 = arith.constant 0 : i32
    %c0_i32_1 = arith.constant 0 : i32
    return %c0_i32, %c0_i32_0 : i32, i32
  }
  func.func @transform_5(%arg0: i32) -> (i32, i32) {
    %c0_i32 = arith.constant 0 : i32
    %c0_i32_0 = arith.constant 0 : i32
    %c0_i32_1 = arith.constant 0 : i32
    return %c0_i32, %c0_i32_0 : i32, i32
  }
  func.func @transform_6(%arg0: i32) -> (i32, i32) {
    %c0_i32 = arith.constant 0 : i32
    %c0_i32_0 = arith.constant 0 : i32
    return %arg0, %c0_i32 : i32, i32
  }
}

module attributes {stable_mosaic.version = 14 : i64} {
  func.func @_tc_c_body(%arg0: i32, %arg1: memref<1x4096x16xf32, #tpu.memory_space<vmem>>, %arg2: memref<1x4096x16xf32, #tpu.memory_space<vmem>>, %arg3: memref<4096x16xf32, #tpu.memory_space<vmem>>, %arg4: memref<4096x16xf32, #tpu.memory_space<vmem>>, %arg5: memref<1x16xf32, #tpu.memory_space<vmem>>, %arg6: memref<16x13xf32, #tpu.memory_space<vmem>>, %arg7: memref<1x13xf32, #tpu.memory_space<vmem>>, %arg8: memref<16x8xf32, #tpu.memory_space<vmem>>, %arg9: memref<1x8xf32, #tpu.memory_space<vmem>>, %arg10: memref<4096x13xf32, #tpu.memory_space<vmem>>, %arg11: memref<4096x8xf32, #tpu.memory_space<vmem>>) attributes {dimension_semantics = [#tpu.dimension_semantics<arbitrary>], iteration_bounds = array<i64: 25>, scalar_prefetch = 0 : i64, scratch_operands = 0 : i64, tpu.core_type = #tpu.core_type<tc>, window_params = [{transform_indices = @transform_0, window_bounds = array<i64: 1, 4096, 16>}, {transform_indices = @transform_1, window_bounds = array<i64: 1, 4096, 16>}, {transform_indices = @transform_2, window_bounds = array<i64: 4096, 16>}, {transform_indices = @transform_3, window_bounds = array<i64: 4096, 16>}, {pipeline_mode = #tpu.pipeline_mode<synchronous>, transform_indices = @transform_4, window_bounds = array<i64: 1, 16>}, {pipeline_mode = #tpu.pipeline_mode<synchronous>, transform_indices = @transform_5, window_bounds = array<i64: 16, 13>}, {pipeline_mode = #tpu.pipeline_mode<synchronous>, transform_indices = @transform_6, window_bounds = array<i64: 1, 13>}, {pipeline_mode = #tpu.pipeline_mode<synchronous>, transform_indices = @transform_7, window_bounds = array<i64: 16, 8>}, {pipeline_mode = #tpu.pipeline_mode<synchronous>, transform_indices = @transform_8, window_bounds = array<i64: 1, 8>}, {transform_indices = @transform_9, window_bounds = array<i64: 4096, 13>}, {transform_indices = @transform_10, window_bounds = array<i64: 4096, 8>}]} {
    %get3A = arith.constant 0 : index
    %get3A_0 = arith.constant 0 : index
    %get3A_1 = vector.load %arg4[%get3A, %get3A_0] : memref<4096x16xf32, #tpu.memory_space<vmem>>, vector<4096x16xf32>
    %get3A_2 = arith.constant 0 : index
    %get3A_3 = arith.constant 0 : index
    %get3A_4 = arith.constant 0 : index
    %get3A_5 = vector.load %arg1[%get3A_2, %get3A_3, %get3A_4] : memref<1x4096x16xf32, #tpu.memory_space<vmem>>, vector<1x4096x16xf32>
    %get3A_6 = vector.shape_cast %get3A_5 : vector<1x4096x16xf32> to vector<4096x16xf32>
    %get3A_7 = arith.constant 0 : index
    %get3A_8 = arith.constant 0 : index
    %get3A_9 = arith.constant 0 : index
    %get3A_10 = vector.load %arg2[%get3A_7, %get3A_8, %get3A_9] : memref<1x4096x16xf32, #tpu.memory_space<vmem>>, vector<1x4096x16xf32>
    %get3A_11 = vector.shape_cast %get3A_10 : vector<1x4096x16xf32> to vector<4096x16xf32>
    %add3A = arith.addf %get3A_6, %get3A_11 : vector<4096x16xf32>
    %get3A_12 = arith.constant 0 : index
    %get3A_13 = arith.constant 0 : index
    %get3A_14 = vector.load %arg3[%get3A_12, %get3A_13] : memref<4096x16xf32, #tpu.memory_space<vmem>>, vector<4096x16xf32>
    %add3A_15 = arith.addf %add3A, %get3A_14 : vector<4096x16xf32>
    %mul3A = arith.mulf %get3A_1, %add3A_15 : vector<4096x16xf32>
    %get3A_16 = arith.constant 0 : index
    %get3A_17 = arith.constant 0 : index
    %get3A_18 = vector.load %arg5[%get3A_16, %get3A_17] : memref<1x16xf32, #tpu.memory_space<vmem>>, vector<1x16xf32>
    %add3A_19 = vector.broadcast %get3A_18 : vector<1x16xf32> to vector<4096x16xf32>
    %add3A_20 = arith.addf %mul3A, %add3A_19 : vector<4096x16xf32>
    %max3A = arith.constant 0.000000e+00 : f32
    %max3A_21 = vector.broadcast %max3A : f32 to vector<4096x16xf32>
    %max3A_22 = arith.maximumf %add3A_20, %max3A_21 : vector<4096x16xf32>
    %get3A_23 = arith.constant 0 : index
    %get3A_24 = arith.constant 0 : index
    %get3A_25 = vector.load %arg6[%get3A_23, %get3A_24] : memref<16x13xf32, #tpu.memory_space<vmem>>, vector<16x13xf32>
    %dot_general3A = arith.constant dense<0.000000e+00> : vector<4096x13xf32>
    %dot_general3A_26 = tpu.matmul %max3A_22, %get3A_25, %dot_general3A {dimension_numbers = #tpu.dot_dimension_numbers<[1], [0], [0], [1], [0, 0, 1, 1], [], []>, transpose_lhs_hint = false} : vector<4096x16xf32>, vector<16x13xf32>, vector<4096x13xf32> -> vector<4096x13xf32>
    %get3A_27 = arith.constant 0 : index
    %get3A_28 = arith.constant 0 : index
    %get3A_29 = vector.load %arg7[%get3A_27, %get3A_28] : memref<1x13xf32, #tpu.memory_space<vmem>>, vector<1x13xf32>
    %add3A_30 = vector.broadcast %get3A_29 : vector<1x13xf32> to vector<4096x13xf32>
    %add3A_31 = arith.addf %dot_general3A_26, %add3A_30 : vector<4096x13xf32>
    %swap3A = arith.constant 0 : index
    %swap3A_32 = arith.constant 0 : index
    %swap3A_33 = vector.load %arg10[%swap3A, %swap3A_32] : memref<4096x13xf32, #tpu.memory_space<vmem>>, vector<4096x13xf32>
    tpu.vector_store %arg10[%swap3A, %swap3A_32], %add3A_31 {strides = array<i32>} : memref<4096x13xf32, #tpu.memory_space<vmem>>, vector<4096x13xf32>,
    %get3A_34 = arith.constant 0 : index
    %get3A_35 = arith.constant 0 : index
    %get3A_36 = vector.load %arg8[%get3A_34, %get3A_35] : memref<16x8xf32, #tpu.memory_space<vmem>>, vector<16x8xf32>
    %dot_general3A_37 = arith.constant dense<0.000000e+00> : vector<4096x8xf32>
    %dot_general3A_38 = tpu.matmul %max3A_22, %get3A_36, %dot_general3A_37 {dimension_numbers = #tpu.dot_dimension_numbers<[1], [0], [0], [1], [0, 0, 1, 1], [], []>, transpose_lhs_hint = false} : vector<4096x16xf32>, vector<16x8xf32>, vector<4096x8xf32> -> vector<4096x8xf32>
    %get3A_39 = arith.constant 0 : index
    %get3A_40 = arith.constant 0 : index
    %get3A_41 = vector.load %arg9[%get3A_39, %get3A_40] : memref<1x8xf32, #tpu.memory_space<vmem>>, vector<1x8xf32>
    %add3A_42 = vector.broadcast %get3A_41 : vector<1x8xf32> to vector<4096x8xf32>
    %add3A_43 = arith.addf %dot_general3A_38, %add3A_42 : vector<4096x8xf32>
    %swap3A_44 = arith.constant 0 : index
    %swap3A_45 = arith.constant 0 : index
    %swap3A_46 = vector.load %arg11[%swap3A_44, %swap3A_45] : memref<4096x8xf32, #tpu.memory_space<vmem>>, vector<4096x8xf32>
    tpu.vector_store %arg11[%swap3A_44, %swap3A_45], %add3A_43 {strides = array<i32>} : memref<4096x8xf32, #tpu.memory_space<vmem>>, vector<4096x8xf32>,
    return
  }
  func.func @transform_0(%arg0: i32) -> (i32, i32, i32) {
    %c0_i32 = arith.constant 0 : i32
    %c0_i32_0 = arith.constant 0 : i32
    %c0_i32_1 = arith.constant 0 : i32
    return %c0_i32, %arg0, %c0_i32_0 : i32, i32, i32
  }
  func.func @transform_1(%arg0: i32) -> (i32, i32, i32) {
    %c1_i32 = arith.constant 1 : i32
    %c0_i32 = arith.constant 0 : i32
    %c0_i32_0 = arith.constant 0 : i32
    return %c1_i32, %arg0, %c0_i32 : i32, i32, i32
  }
  func.func @transform_2(%arg0: i32) -> (i32, i32) {
    %c0_i32 = arith.constant 0 : i32
    %c0_i32_0 = arith.constant 0 : i32
    return %arg0, %c0_i32 : i32, i32
  }
  func.func @transform_3(%arg0: i32) -> (i32, i32) {
    %c0_i32 = arith.constant 0 : i32
    %c0_i32_0 = arith.constant 0 : i32
    return %arg0, %c0_i32 : i32, i32
  }
  func.func @transform_4(%arg0: i32) -> (i32, i32) {
    %c0_i32 = arith.constant 0 : i32
    %c0_i32_0 = arith.constant 0 : i32
    %c0_i32_1 = arith.constant 0 : i32
    return %c0_i32, %c0_i32_0 : i32, i32
  }
  func.func @transform_5(%arg0: i32) -> (i32, i32) {
    %c0_i32 = arith.constant 0 : i32
    %c0_i32_0 = arith.constant 0 : i32
    %c0_i32_1 = arith.constant 0 : i32
    return %c0_i32, %c0_i32_0 : i32, i32
  }
  func.func @transform_6(%arg0: i32) -> (i32, i32) {
    %c0_i32 = arith.constant 0 : i32
    %c0_i32_0 = arith.constant 0 : i32
    %c0_i32_1 = arith.constant 0 : i32
    return %c0_i32, %c0_i32_0 : i32, i32
  }
  func.func @transform_7(%arg0: i32) -> (i32, i32) {
    %c0_i32 = arith.constant 0 : i32
    %c0_i32_0 = arith.constant 0 : i32
    %c0_i32_1 = arith.constant 0 : i32
    return %c0_i32, %c0_i32_0 : i32, i32
  }
  func.func @transform_8(%arg0: i32) -> (i32, i32) {
    %c0_i32 = arith.constant 0 : i32
    %c0_i32_0 = arith.constant 0 : i32
    %c0_i32_1 = arith.constant 0 : i32
    return %c0_i32, %c0_i32_0 : i32, i32
  }
  func.func @transform_9(%arg0: i32) -> (i32, i32) {
    %c0_i32 = arith.constant 0 : i32
    %c0_i32_0 = arith.constant 0 : i32
    return %arg0, %c0_i32 : i32, i32
  }
  func.func @transform_10(%arg0: i32) -> (i32, i32) {
    %c0_i32 = arith.constant 0 : i32
    %c0_i32_0 = arith.constant 0 : i32
    return %arg0, %c0_i32 : i32, i32
  }
}

</mosaic_0001>

<sc_bundles>
// kernel: kernel.11.cloned.1.call-start
scs
__scs_entry_jumppad:
0x0: {  	(pc) =	sbr.rel $0x88, $3  }
0x1: {  	(tag) =	ssettag $0x0;
	lr =	simm.s32 $0x1  }
0x2: {  	[smem:$0x3F97] =	sst lr;
	_ =	strace $0xD0000000  }
0x3: {  	_ = 	snop  }
0x4: {  	_ = 	snop  }
0x5: {  	_ = 	snop  }
0x6: {  	_ = 	snop  }
0x7: {  	_ = 	snop  }
__scs_overlays_trampoline_lowered:
0x8: {  	[smem:$0x3FA6] =	sst s0  }
0x9: {  	[smem:$0x3FA7] =	sst s1  }
0xa: {  	[smem:$0x3FA8] =	sst s2  }
0xb: {  	[smem:$0x3FA9] =	sst s3  }
0xc: {  	[smem:$0x3FAA] =	sst s4  }
0xd: {  	[smem:$0x3FAB] =	sst s5  }
0xe: {  	[smem:$0x3FAC] =	sst s6  }
0xf: {  	[smem:$0x3FAD] =	sst s7  }
0x10: {  	[smem:$0x3FAE] =	sst s8  }
0x11: {  	[smem:$0x3FAF] =	sst s9;
	s0 =	simm.s32 @!p0 $0x0  }
0x12: {  	s1 =	sld [smem:$0x3F95];
	s0 =	simm.s32 @p0 $0x1  }
0x13: {  	[smem:$0x3FB0] =	sst s0;
	s0 =	simm.s32 @!p1 $0x0  }
0x14: {  	s2 =	sld [smem:$0x3F94];
	s0 =	simm.s32 @p1 $0x1  }
0x15: {  	[smem:$0x3FB1] =	sst s0;
	s0 =	simm.s32 @!p2 $0x0  }
0x16: {  	s3 =	sld [smem:$0x3FDB];
	s0 =	simm.s32 @p2 $0x1  }
0x17: {  	s4 =	simm.s32 $0x1BF5;
	[smem:$0x3FB3] =	sst s0  }
0x18: {  	s0 =	sld [smem:$0x3F96];
	_ =	swait.ge [sflag:s4], $0x0  }
0x19: {  	s7 =	sld [smem:$0x3F97]  }
0x1a: {  	s8 =	sadd.s32 $0xFFFFE003, lr  }
0x1b: {  	s9 =	sadd.s32 $0xFFFFFEF7, lr;
	s5 =	simm.s32 $0xFFFFFFFF;
	p2 =	slt.u32 s8, $0xFFFFF086  }
0x1c: {  	p1 =	slt.u32 s9, $0xF7A;
	s5 =	simm.s32 @!p2 $0x0  }
0x1d: {  	s5 =	simm.s32 @p1 $0x1;
	p0 =	seq.s32 s7, s2  }
0x1e: {  	s7 =	smul.u32 @!p0 $0xF7A, s2;
	p2 =	seq.s32 @!p0 s5, $0x0  }
0x1f: {  	s9 =	smul.u32 $0xF7A, s1;
	s8 =	simm.s32 @!p0 $0x1BF5;
	p2 =	por !p2, p0  }
0x20: {  	[sflag:s8] =	ssyncset.s32 @!p0 $0xFFFFF086;
	s6 =	sadd.s32 @!p0 s3, s7;
	s7 =	simm.s32 @!p0 $0x108  }
0x21: {  	s3 =	sadd.s32 s3, s9;
	s6 =	sadd.s32 @!p0 $0x88, s6;
	s7 =	simm.s32 @p2 $0x1082  }
0x22: {  	[simem:s7], [sflag:s8] =	dma.local @!p0 [hbm:s6], $0xF7A  }
0x23: {  	s9 =	sor.u32 $0xD0000000, s2;
	s6 =	simm.s32 $0x108;
	_ =	swait.ge @!p0 [sflag:s8], $0x0  }
0x24: {  	s3 =	sadd.s32 $0x88, s3;
	s6 =	simm.s32 @!p1 $0x1082;
	[sflag:s4] =	ssyncset.s32 $0xFFFFF086  }
0x25: {  	[simem:s6], [sflag:s4] =	dma.local [hbm:s3], $0xF7A  }
0x26: {  	[smem:$0x3F97] =	sst s1;
	(tag) =	ssettag s2;
	_ =	strace s9  }
0x27: {  	s1 =	sld [smem:$0x3FA7]  }
0x28: {  	s2 =	sld [smem:$0x3FA8]  }
0x29: {  	s4 =	sld [smem:$0x3FAA]  }
0x2a: {  	p0 =	seq.s32 s5, $0x0;
	s5 =	sld [smem:$0x3FAB]  }
0x2b: {  	s6 =	sld [smem:$0x3FAC]  }
0x2c: {  	s7 =	sld [smem:$0x3FAD]  }
0x2d: {  	s3 =	simm.s32 $0x108;
	s8 =	sld [smem:$0x3FAE]  }
0x2e: {  	s3 =	simm.s32 @!p0 $0x1082;
	s9 =	sld [smem:$0x3FAF]  }
0x2f: {  	lr =	sadd.s32 s0, s3;
	s0 =	sld [smem:$0x3FA6]  }
0x30: {  	s3 =	sld [smem:$0x3FA9]  }
0x31: {  	[smem:$0x3FB2] =	sst s10  }
0x32: {  	s10 =	sld [smem:$0x3FB0];
	_ =	sdelay $0x3  }
0x33: {  	p0 =	seq.s32 s10, $0x1;
	s10 =	sld [smem:$0x3FB2];
	_ =	sdelay $0x3  }
0x34: {  	[smem:$0x3FB2] =	sst s10  }
0x35: {  	s10 =	sld [smem:$0x3FB1];
	_ =	sdelay $0x3  }
0x36: {  	p1 =	seq.s32 s10, $0x1;
	s10 =	sld [smem:$0x3FB2];
	_ =	sdelay $0x3  }
0x37: {  	[smem:$0x3FB2] =	sst s10  }
0x38: {  	s10 =	sld [smem:$0x3FB3]  }
0x39: {  	_ = 	snop;
	(pc) =	sbr.ind lr, $3  }
0x3a: {  	_ = 	snop  }
0x3b: {  	_ = 	snop  }
0x3c: {  	p2 =	seq.s32 s10, $0x1;
	s10 =	sld [smem:$0x3FB2]  }
0x3d: {  	_ =	shalt  }
0x3e: {  	_ =	shalt  }
0x3f: {  	_ =	shalt  }
0x40: {  	_ =	shalt  }
0x41: {  	_ =	shalt  }
0x42: {  	_ =	shalt  }
0x43: {  	_ =	shalt  }
0x44: {  	_ =	shalt  }
0x45: {  	_ =	shalt  }
0x46: {  	_ =	shalt  }
0x47: {  	_ =	shalt  }
0x48: {  	_ =	shalt  }
0x49: {  	_ =	shalt  }
0x4a: {  	_ =	shalt  }
0x4b: {  	_ =	shalt  }
0x4c: {  	_ =	shalt  }
0x4d: {  	_ =	shalt  }
0x4e: {  	_ =	shalt  }
0x4f: {  	_ =	shalt  }
0x50: {  	_ =	shalt  }
0x51: {  	_ =	shalt  }
0x52: {  	_ =	shalt  }
0x53: {  	_ =	shalt  }
0x54: {  	_ =	shalt  }
0x55: {  	_ =	shalt  }
0x56: {  	_ =	shalt  }
0x57: {  	_ =	shalt  }
0x58: {  	_ =	shalt  }
0x59: {  	_ =	shalt  }
0x5a: {  	_ =	shalt  }
0x5b: {  	_ =	shalt  }
0x5c: {  	_ =	shalt  }
0x5d: {  	_ =	shalt  }
0x5e: {  	_ =	shalt  }
0x5f: {  	_ =	shalt  }
0x60: {  	_ =	shalt  }
0x61: {  	_ =	shalt  }
0x62: {  	_ =	shalt  }
0x63: {  	_ =	shalt  }
0x64: {  	_ =	shalt  }
0x65: {  	_ =	shalt  }
0x66: {  	_ =	shalt  }
0x67: {  	_ =	shalt  }
0x68: {  	_ =	shalt  }
0x69: {  	_ =	shalt  }
0x6a: {  	_ =	shalt  }
0x6b: {  	_ =	shalt  }
0x6c: {  	_ =	shalt  }
0x6d: {  	_ =	shalt  }
0x6e: {  	_ =	shalt  }
0x6f: {  	_ =	shalt  }
0x70: {  	_ =	shalt  }
0x71: {  	_ =	shalt  }
0x72: {  	_ =	shalt  }
0x73: {  	_ =	shalt  }
0x74: {  	_ =	shalt  }
0x75: {  	_ =	shalt  }
0x76: {  	_ =	shalt  }
0x77: {  	_ =	shalt  }
0x78: {  	_ =	shalt  }
0x79: {  	_ =	shalt  }
0x7a: {  	_ =	shalt  }
0x7b: {  	_ =	shalt  }
0x7c: {  	_ =	shalt  }
0x7d: {  	_ =	shalt  }
0x7e: {  	_ =	shalt  }
0x7f: {  	_ =	shalt  }
0x80: {  	_ =	shalt  }
0x81: {  	_ =	shalt  }
0x82: {  	_ =	shalt  }
0x83: {  	_ =	shalt  }
0x84: {  	_ =	shalt  }
0x85: {  	_ =	shalt  }
0x86: {  	_ =	shalt  }
0x87: {  	_ =	shalt  }
.Lfunc_end0:
.L_simem_size_0:
called_computation.1_lowered:
.L_overlay_start_0:
0x88: {  	s2 =	sld [smem:$0x3FD9]  }
0x89: {  	s3 =	sld [smem:$0x3FFE];
	_ =	sdelay $0x1  }
0x8a: {  	s1 =	srdreg.scid  }
0x8b: {  	s0 =	sand.u32 $0x1, s1  }
0x8c: {  	s16 =	sshll.u32 s0, $0xA;
	s2 =	sadd.s32 s3, s2  }
0x8d: {  	s2 =	sadd.s32 s2, s16  }
0x8e: {  	[smem:$0x3FBE] =	sst s2  }
0x8f: {  	_ = 	snop  }
0x90: {  	(tm) =	ssettm $0x1  }
0x91: {  	s17 =	sld [smem:$0x3FFB];
	_ =	sdelay $0x3  }
0x92: {  	_ =	strace s17  }
0x93: {  	s2 =	sld [smem:$0x3FFC];
	_ =	sdelay $0x3  }
0x94: {  	_ =	strace s2  }
0x95: {  	s2 =	sld [smem:$0x3FFD];
	_ =	sdelay $0x3  }
0x96: {  	_ =	strace s2  }
0x97: {  	_ =	strace $0x8FFFFFFF  }
0x98: {  	s18 =	sld [smem:$0x3FDB];
	_ =	sdelay $0x1  }
0x99: {  	s19 =	simm.s32 $_scs_section_size  }
0x9a: {  	s4 =	simm.s32 $_size__tile_overlayer_lowered;
	s5 =	simm.s32 $_tile_overlayer_lowered  }
0x9b: {  	s22 =	simm.s32 $0x1BFF;
	s21 =	sshll.u32 s5, $0x1;
	s2 =	sadd.s32 s19, s18  }
0x9c: {  	s6 =	simm.s32 $0x0;
	s20 =	sshll.u32 s4, $0x1;
	s4 =	sadd.s32 s21, s2  }
0x9d: {  	[timem:s6], [sflag:s22] =	dma.local [hbm:s4], s20  }
0x9e: {  	_ =	swait.ge [sflag:s22], s20  }
0x9f: {  	s3 =	ssub.s32 $0x0, s20;
	[sflag:s22] =	ssyncset.done $0x0  }
0xa0: {  	[sflag:s22] =	ssyncadd.s32 s3;
	_ =	sdelay $0x1  }
0xa1: {  	s23 =	simm.s32 $0x1B8B  }
0xa2: {  	_ =	swait.ge [sflag:s23], $0x1  }
0xa3: {  	[sflag:s23] =	ssyncset.done $0x0  }
0xa4: {  	s25 =	simm.s32 $0x1B8E;
	s24 =	sld [smem:$0x3FFE];
	[sflag:s23] =	ssyncadd.s32 $0xFFFFFFFF  }
0xa5: {  	s26 =	simm.s32 $execute0_lowered;
	[smem:$0x3FD2] =	sst s25  }
0xa6: {  	s4 =	sshll.u32 s26, $0x1;
	_ =	strace $0x80000049;
	[dreg:$0x1] =	wrdreg $0xFFFFFFFF  }
0xa7: {  	s28 =	simm.s32 $_size_execute0_lowered;
	s2 =	sadd.s32 s2, s4;
	[dreg:$0x0] =	wrdreg $0x0  }
0xa8: {  	s4 =	sshll.u32 s28, $0x1;
	[dreg:$0x2] =	wrdreg s2  }
0xa9: {  	[dreg:$0x3] =	wrdreg s4  }
0xaa: {  	[dreg:$0x4] =	wrdreg $0xC0  }
0xab: {  	_ =	task [dreg:s6], $0x5FFFF  }
0xac: {  	[dreg:$0x1] =	wrdreg $0xFFFFFFFF  }
0xad: {  	[dreg:$0x0] =	wrdreg $0x60  }
0xae: {  	[dreg:$0x2] =	wrdreg s24  }
0xaf: {  	[dreg:$0x3] =	wrdreg $0x0  }
0xb0: {  	[dreg:$0x4] =	wrdreg $0x9  }
0xb1: {  	_ =	task.clear_ibuf [dreg:s6], $0x5FFFF;
	_ =	strace $0x90000049  }
0xb2: {  	s29 =	simm.s32 $0x9;
	_ =	strace $0x8000004B  }
0xb3: {  	_ =	swait.ge [sflag:s29], $0x1  }
0xb4: {  	[sflag:s29] =	ssyncadd.s32 $0xFFFFFFFF  }
0xb5: {  	_ =	strace $0x9000004B  }
0xb6: {  	_ =	sfence  }
0xb7: {  	s30 =	sld [smem:$0x0];
	_ =	sdelay $0x2  }
0xb8: {  	s31 =	sshll.u32 s1, $0xD;
	s1 =	sshrl.u32 s1, $0x2  }
0xb9: {  	s3 =	sand.u32 $0x4000, s31;
	s1 =	sadd.s32 s1, s30  }
0xba: {  	s0 =	sor.u32 s3, s0;
	s1 =	sshll.u32 s1, $0x11  }
0xbb: {  	s0 =	sor.u32 s1, s0  }
0xbc: {  	s0 =	sadd.s32 $0x8F2B, s0  }
0xbd: {  	[sflag:s0] =	ssyncadd.remote.s32 $0x1  }
0xbe: {  	_ =	sfence.sel $0xFFFF  }
0xbf: {  	[dreg:$0x0] =	wrdreg $0xFFFFFFFF;
	(pc) =	sbr.abs _section_cstart, $3  }
0xc0: {  	[dreg:$0x1] =	wrdreg $0xFFFFFFFF  }
0xc1: {  	_ =	task.clear_ibuf [dreg:s6], $0x2FFFF;
	_ =	strace $0x9FFFFFFF  }
0xc2: {  	(tm) =	ssettm $0x7FFFFFFF  }
0xc3: {  	_ =	shalt  }
tec
execute0_lowered:
.L_overlay_start_1:
0x0: {  	(tag) =	ssettag $0x1  }
0x1: {  	s0 =	rddreg [dreg:$0x0]  }
0x2: {  	s1 =	rddreg [dreg:$0x1];
	s3 =	simm.s32 $0x0;
	s2 =	srdreg.scid  }
0x3: {  	s12 =	stileid.u32;
	[smem:$0x7FF] =	sst s3;
	s2 =	sand.u32 $0x1, s2  }
0x4: {  	s4 =	sadd.s32 $0x3E00, s0;
	s8 =	smul.u32 $0x19000, s12;
	s5 =	sadd.s32 $0x129000, s0  }
0x5: {  	s6 =	sadd.s32 $0xC7400, s0;
	s7 =	smul.u32 $0x190000, s2;
	s9 =	sshll.u32 s2, $0x4  }
0x6: {  	_ =	strace $0x8000004A;
	s2 =	ssub.s32 $0x2, s2;
	s9 =	sor.u32 s12, s9  }
0x7: {  	s10 =	sshrl.u32 s2, $0x1;
	s12 =	smul.u32 $0x64000, s12;
	s7 =	sadd.s32 s8, s7  }
0x8: {  	s11 =	smul.u32 $0x30D, s9;
	s2 =	ssub.s32 s2, s10;
	s23 =	smin.u32 s9, $0x8  }
0x9: {  	p0 =	slt.u32 s9, $0x8;
	s9 =	simm.s32 $0x30E;
	s7 =	sshrl.u32 s7, $0x3  }
0xa: {  	s9 =	simm.s32 @!p0 $0x30D;
	s12 =	sshrl.u32 s12, $0x2;
	s2 =	smax.u32 s2, $0x1  }
0xb: {  	s0 =	sadd.s32 s7, s0;
	s7 =	sadd.s32 s23, s11;
	s13 =	sadd.s32 s12, s1  }
0xc: {  	[dreg:$0x6] =	wrdreg s2;
	s24 =	sshll.u32 s7, $0x4;
	s0 =	sadd.s32 $0x35E00, s0  }
0xd: {  	s11 =	sadd.s32 $0xFFFFFFFC, s7;
	s12 =	sadd.s32 $0x1900, s13;
	[dreg:$0x5] =	wrdreg s0  }
0xe: {  	s26 =	sadd.s32 $0x30C, s7;
	s15 =	sadd.s32 $0x3200, s13;
	[dreg:$0x7] =	wrdreg s12  }
0xf: {  	s16 =	sadd.s32 $0x4B00, s13;
	s17 =	sadd.s32 $0x6400, s13;
	[dreg:$0x8] =	wrdreg s15  }
0x10: {  	s18 =	sadd.s32 $0x7D00, s13;
	s19 =	sadd.s32 $0x9600, s13;
	[dreg:$0x9] =	wrdreg s16  }
0x11: {  	s22 =	sadd.s32 $0xAF00, s13;
	s23 =	sadd.s32 $0xC800, s13;
	[dreg:$0xa] =	wrdreg s17  }
0x12: {  	s28 =	sadd.s32 $0x12C00, s13;
	s29 =	sadd.s32 $0x14500, s13;
	[dreg:$0xb] =	wrdreg s18  }
0x13: {  	s30 =	sadd.s32 $0x15E00, s13;
	s31 =	sadd.s32 $0x17700, s13;
	[dreg:$0xc] =	wrdreg s19  }
0x14: {  	s25 =	sadd.s32 s5, s24;
	s10 =	sadd.s32 s6, s24;
	[dreg:$0xd] =	wrdreg s22  }
0x15: {  	s14 =	smin.u32 s26, $0x61A4;
	s0 =	sadd.s32 s8, s1;
	[dreg:$0xe] =	wrdreg s23  }
0x16: {  	s8 =	simm.s32 $0x1;
	s12 =	simm.s32 $0x80;
	[dreg:$0x3] =	wrdreg s25  }
0x17: {  	[dreg:$0x4] =	wrdreg s10;
	s10 =	sadd.s32 s9, s7;
	s20 =	sadd.s32 $0x1, s14  }
0x18: {  	s21 =	sadd.s32 $0x2, s14;
	s24 =	sadd.s32 $0x3, s14;
	s25 =	sadd.s32 $0xE100, s13  }
0x19: {  	s0 =	sshrl.u32 s0, $0x3;
	s9 =	simm.s32 $0x2;
	s14 =	simm.s32 $0x0  }
0x1a: {  	p6 =	sge.u32 s20, s26;
	p1 =	slt.u32 s20, s10;
	p2 =	sge.u32 s21, s26  }
0x1b: {  	p3 =	slt.u32 s21, s10;
	p5 =	sge.u32 s24, s26;
	[dreg:$0xf] =	wrdreg s25  }
0x1c: {  	s26 =	sadd.s32 $0xFA00, s13;
	[dreg:$0x11] =	wrdreg s0;
	p0 =	por !p6, !p1  }
0x1d: {  	s0 =	simm.s32 $0x19000;
	p4 =	por !p2, !p3;
	p0 =	por !p0, !p0  }
.Ltmp0:
0x1e: {  	p6 =	slt.u32 s24, s10;
	s2 =	simm.s32 @!p0 $0x0;
	(pc) =	sbr.rel .LBB2_1-.Ltmp0, $4  }
0x1f: {  	[dreg:$0x10] =	wrdreg s26;
	s2 =	simm.s32 @p0 $0x1;
	p0 =	por !p4, !p4  }
0x20: {  	p3 =	sgt.u32 s7, $0x61A4;
	[smem:$0x7FC] =	sst s2;
	s2 =	simm.s32 @!p0 $0x0  }
0x21: {  	s26 =	sadd.s32 $0x11300, s13;
	p2 =	por !p5, !p6;
	s2 =	simm.s32 @p0 $0x1  }
0x22: {  	v0 =	vimm.f32 $0.0e+00;
	p2 =	por !p2, !p2;
	[smem:$0x7FD] =	sst s2;
	s2 =	simm.s32 $0x15  }
.LBB2_8:
0x23: {  	p0 =	sgt.u32 s7, $0x5E98  }
0x24: {  	s15 =	simm.s32 @!p0 $0x11  }
0x25: {  	_ =	swait.ge @!p0 [sflag:s15], $0x800  }
0x26: {  	s22 =	sld [smem:$0x7FC];
	_ =	sdelay $0x1  }
0x27: {  	[sflag:s15] =	ssyncset.done @!p0 $0x0  }
0x28: {  	[sflag:s15] =	ssyncadd.s32 @!p0 $0xFFFFF800;
	p0 =	seq.s32 s22, $0x1  }
0x29: {  	s15 =	simm.s32 @p0 $0x12  }
0x2a: {  	_ =	swait.ge @p0 [sflag:s15], $0x800  }
0x2b: {  	s23 =	sld [smem:$0x7FD];
	_ =	sdelay $0x1  }
0x2c: {  	[sflag:s15] =	ssyncset.done @p0 $0x0  }
0x2d: {  	[sflag:s15] =	ssyncadd.s32 @p0 $0xFFFFF800;
	p0 =	seq.s32 s23, $0x1  }
0x2e: {  	s15 =	simm.s32 @p0 $0x13  }
0x2f: {  	_ =	swait.ge @p0 [sflag:s15], $0x800  }
0x30: {  	[sflag:s15] =	ssyncset.done @p0 $0x0  }
0x31: {  	[sflag:s15] =	ssyncadd.s32 @p0 $0xFFFFF800;
	s15 =	simm.s32 @p2 $0x14  }
0x32: {  	_ =	swait.ge @p2 [sflag:s15], $0x800  }
0x33: {  	[sflag:s15] =	ssyncset.done @p2 $0x0  }
0x34: {  	[sflag:s15] =	ssyncadd.s32 @p2 $0xFFFFF800  }
0x35: {  	s24 =	stileid.u32;
	[bflag:$0x0] =	sbarrier.arrive $0xFFFF  }
0x36: {  	s15 =	sshll.u32 s24, $0x6;
	s16 =	rddreg [dreg:$0x5]  }
0x37: {  	s15 =	sor.u32 $0x1C15, s15;
	s17 =	rddreg [dreg:$0x11]  }
0x38: {  	[hbm:s16], [sflag:s15] =	dma.local [spmem:s17], $0x3200  }
0x39: {  	_ =	swait.ge [sflag:s2], $0x3200  }
0x3a: {  	s14 =	sadd.s32 $0x1, s14;
	s25 =	rddreg [dreg:$0x6]  }
0x3b: {  	p0 =	sne.s32 s14, s25  }
.Ltmp1:
0x3c: {  	_ = 	snop;
	(pc) =	sbr.rel @!p0 .LBB2_9-.Ltmp1, $3  }
0x3d: {  	_ =	sdelay $0x1  }
0x3e: {  	[sflag:s2] =	ssyncset.done $0x0  }
0x3f: {  	[sflag:s2] =	ssyncadd.s32 $0xFFFFCE00  }
.LBB2_1:
0x40: {  	s15 =	simm.s32 $0x40;
	s16 =	simm.s32 $0x0  }
.LBB2_2:
0x41: {  	p4 =	sne.s32 s15, $0x63C0;
	[tilespmem:s16+$0x19000] =	vst v0;
	s16 =	smov.u32 s15;
	s15 =	sadd.s32 $0x40, s15  }
.Ltmp2:
0x42: {  	(pc) =	sbr.rel @p4 .LBB2_2-.Ltmp2, $2  }
0x43: {  	_ =	sdelay $0x2  }
0x44: {  	s16 =	sshra.s32 s16, $0x2  }
0x45: {  	[tilespmem:s16+$0x19000] =	vst v0  }
0x46: {  	[spmem:s13] =	stream.linear.scatter [tilespmem:s0], [sflag:$0x15], $0x1900, $0x38;
	[tilespmem:$0x1F100] =	vst v63  }
0x47: {  	_ =	swait.ge [sflag:s2], $0x1900  }
0x48: {  	[sflag:s2] =	ssyncset.done $0x0  }
0x49: {  	s15 =	rddreg [dreg:$0x7];
	[sflag:s2] =	ssyncadd.s32 $0xFFFFE700  }
0x4a: {  	[spmem:s15] =	stream.linear.scatter [tilespmem:s0], [sflag:$0x15], $0x1900, $0x38;
	[tilespmem:$0x1F100] =	vst v63  }
0x4b: {  	_ =	swait.ge [sflag:s2], $0x1900  }
0x4c: {  	[sflag:s2] =	ssyncset.done $0x0  }
0x4d: {  	s17 =	rddreg [dreg:$0x8];
	[sflag:s2] =	ssyncadd.s32 $0xFFFFE700  }
0x4e: {  	[spmem:s17] =	stream.linear.scatter [tilespmem:s0], [sflag:$0x15], $0x1900, $0x38;
	[tilespmem:$0x1F100] =	vst v63  }
0x4f: {  	_ =	swait.ge [sflag:s2], $0x1900  }
0x50: {  	[sflag:s2] =	ssyncset.done $0x0  }
0x51: {  	s18 =	rddreg [dreg:$0x9];
	[sflag:s2] =	ssyncadd.s32 $0xFFFFE700  }
0x52: {  	[spmem:s18] =	stream.linear.scatter [tilespmem:s0], [sflag:$0x15], $0x1900, $0x38;
	[tilespmem:$0x1F100] =	vst v63  }
0x53: {  	_ =	swait.ge [sflag:s2], $0x1900  }
0x54: {  	[sflag:s2] =	ssyncset.done $0x0  }
0x55: {  	s19 =	rddreg [dreg:$0xa];
	[sflag:s2] =	ssyncadd.s32 $0xFFFFE700  }
0x56: {  	[spmem:s19] =	stream.linear.scatter [tilespmem:s0], [sflag:$0x15], $0x1900, $0x38;
	[tilespmem:$0x1F100] =	vst v63  }
0x57: {  	_ =	swait.ge [sflag:s2], $0x1900  }
0x58: {  	[sflag:s2] =	ssyncset.done $0x0  }
0x59: {  	s20 =	rddreg [dreg:$0xb];
	[sflag:s2] =	ssyncadd.s32 $0xFFFFE700  }
0x5a: {  	[spmem:s20] =	stream.linear.scatter [tilespmem:s0], [sflag:$0x15], $0x1900, $0x38;
	[tilespmem:$0x1F100] =	vst v63  }
0x5b: {  	_ =	swait.ge [sflag:s2], $0x1900  }
0x5c: {  	[sflag:s2] =	ssyncset.done $0x0  }
0x5d: {  	s21 =	rddreg [dreg:$0xc];
	[sflag:s2] =	ssyncadd.s32 $0xFFFFE700  }
0x5e: {  	[spmem:s21] =	stream.linear.scatter [tilespmem:s0], [sflag:$0x15], $0x1900, $0x38;
	[tilespmem:$0x1F100] =	vst v63  }
0x5f: {  	_ =	swait.ge [sflag:s2], $0x1900  }
0x60: {  	[sflag:s2] =	ssyncset.done $0x0  }
0x61: {  	s22 =	rddreg [dreg:$0xd];
	[sflag:s2] =	ssyncadd.s32 $0xFFFFE700  }
0x62: {  	[spmem:s22] =	stream.linear.scatter [tilespmem:s0], [sflag:$0x15], $0x1900, $0x38;
	[tilespmem:$0x1F100] =	vst v63  }
0x63: {  	_ =	swait.ge [sflag:s2], $0x1900  }
0x64: {  	[sflag:s2] =	ssyncset.done $0x0  }
0x65: {  	s23 =	rddreg [dreg:$0xe];
	[sflag:s2] =	ssyncadd.s32 $0xFFFFE700  }
0x66: {  	[spmem:s23] =	stream.linear.scatter [tilespmem:s0], [sflag:$0x15], $0x1900, $0x38;
	[tilespmem:$0x1F100] =	vst v63  }
0x67: {  	_ =	swait.ge [sflag:s2], $0x1900  }
0x68: {  	[sflag:s2] =	ssyncset.done $0x0  }
0x69: {  	s24 =	rddreg [dreg:$0xf];
	[sflag:s2] =	ssyncadd.s32 $0xFFFFE700  }
0x6a: {  	[spmem:s24] =	stream.linear.scatter [tilespmem:s0], [sflag:$0x15], $0x1900, $0x38;
	[tilespmem:$0x1F100] =	vst v63  }
0x6b: {  	_ =	swait.ge [sflag:s2], $0x1900  }
0x6c: {  	[sflag:s2] =	ssyncset.done $0x0  }
0x6d: {  	s25 =	rddreg [dreg:$0x10];
	[sflag:s2] =	ssyncadd.s32 $0xFFFFE700  }
0x6e: {  	[spmem:s25] =	stream.linear.scatter [tilespmem:s0], [sflag:$0x15], $0x1900, $0x38;
	[tilespmem:$0x1F100] =	vst v63  }
0x6f: {  	_ =	swait.ge [sflag:s2], $0x1900  }
0x70: {  	[sflag:s2] =	ssyncset.done $0x0  }
0x71: {  	[sflag:s2] =	ssyncadd.s32 $0xFFFFE700  }
0x72: {  	[spmem:s26] =	stream.linear.scatter [tilespmem:s0], [sflag:$0x15], $0x1900, $0x38;
	[tilespmem:$0x1F100] =	vst v63  }
0x73: {  	_ =	swait.ge [sflag:s2], $0x1900  }
0x74: {  	[sflag:s2] =	ssyncset.done $0x0  }
0x75: {  	[sflag:s2] =	ssyncadd.s32 $0xFFFFE700  }
0x76: {  	[spmem:s28] =	stream.linear.scatter [tilespmem:s0], [sflag:$0x15], $0x1900, $0x38;
	[tilespmem:$0x1F100] =	vst v63  }
0x77: {  	_ =	swait.ge [sflag:s2], $0x1900  }
0x78: {  	[sflag:s2] =	ssyncset.done $0x0  }
0x79: {  	[sflag:s2] =	ssyncadd.s32 $0xFFFFE700  }
0x7a: {  	[spmem:s29] =	stream.linear.scatter [tilespmem:s0], [sflag:$0x15], $0x1900, $0x38;
	[tilespmem:$0x1F100] =	vst v63  }
0x7b: {  	_ =	swait.ge [sflag:s2], $0x1900  }
0x7c: {  	[sflag:s2] =	ssyncset.done $0x0  }
0x7d: {  	[sflag:s2] =	ssyncadd.s32 $0xFFFFE700  }
0x7e: {  	[spmem:s30] =	stream.linear.scatter [tilespmem:s0], [sflag:$0x15], $0x1900, $0x38;
	[tilespmem:$0x1F100] =	vst v63  }
0x7f: {  	_ =	swait.ge [sflag:s2], $0x1900  }
0x80: {  	[sflag:s2] =	ssyncset.done $0x0  }
0x81: {  	[sflag:s2] =	ssyncadd.s32 $0xFFFFE700  }
0x82: {  	[spmem:s31] =	stream.linear.scatter [tilespmem:s0], [sflag:$0x15], $0x1900, $0x38;
	[tilespmem:$0x1F100] =	vst v63  }
0x83: {  	_ =	swait.ge [sflag:s2], $0x1900  }
0x84: {  	[sflag:s2] =	ssyncset.done $0x0  }
0x85: {  	[sflag:s2] =	ssyncadd.s32 $0xFFFFE700  }
0x86: {  	[bflag:$0x0] =	sbarrier.arrive $0xFFFF  }
0x87: {  	s17 =	simm.s32 $0x1A900;
	s16 =	rddreg [dreg:$0x3]  }
0x88: {  	[tilespmem:s17], [sflag:$0x1] =	stream.linear.gather [hbm4b:s16+s3], $0x200, $0x38;
	[tilespmem:$0x1F100] =	vst v63  }
0x89: {  	s19 =	simm.s32 $0x1AD00;
	s18 =	rddreg [dreg:$0x4]  }
0x8a: {  	[tilespmem:s19], [sflag:$0x2] =	stream.linear.gather [hbm4b:s18+s3], $0x200, $0x38;
	[tilespmem:$0x1F100] =	vst v63  }
0x8b: {  	_ =	swait.ge [sflag:s8], $0x200  }
0x8c: {  	[sflag:s8] =	ssyncset.done $0x0  }
0x8d: {  	[sflag:s8] =	ssyncadd.s32 $0xFFFFFE00  }
0x8e: {  	_ =	swait.ge [sflag:s9], $0x200  }
0x8f: {  	s15 =	simm.s32 @!p3 $0x80;
	[sflag:s9] =	ssyncset.done $0x0  }
0x90: {  	s16 =	simm.s32 @!p3 $0x1A900;
	s17 =	simm.s32 @!p3 $0x1B100;
	[sflag:s9] =	ssyncadd.s32 $0xFFFFFE00  }
0x91: {  	[tilespmem:s17], [sflag:$0x5] =	stream.indirect.gather @!p3 [hbm4b:s4+s15], $0x10, s16, s15, $0xb8;
	[tilespmem:$0x1F100] =	vst v63  }
0x92: {  	s20 =	simm.s32 $0x1A980;
	s21 =	simm.s32 $0x1B900  }
0x93: {  	[tilespmem:s21], [sflag:$0x6] =	stream.indirect.gather [hbm4b:s4+s12], $0x10, s20, s12, $0xb8;
	[tilespmem:$0x1F100] =	vst v63  }
.Ltmp3:
0x94: {  	_ = 	snop;
	(pc) =	sbr.rel .LBB2_4-.Ltmp3, $4  }
0x95: {  	s22 =	simm.s32 $0x1AA00;
	s23 =	simm.s32 $0x1C100  }
0x96: {  	[tilespmem:s23], [sflag:$0x7] =	stream.indirect.gather [hbm4b:s4+s12], $0x10, s22, s12, $0xb8;
	[tilespmem:$0x1F100] =	vst v63  }
0x97: {  	s24 =	simm.s32 $0x1AA80;
	s25 =	simm.s32 $0x1C900;
	s15 =	simm.s32 $0x0  }
0x98: {  	[tilespmem:s25], [sflag:$0x8] =	stream.indirect.gather [hbm4b:s4+s12], $0x10, s24, s12, $0xb8;
	[tilespmem:$0x1F100] =	vst v63  }
.LBB2_6:
0x99: {  	s15 =	sadd.s32 @!p5 $0x1, s15  }
0x9a: {  	s15 =	simm.s32 @p5 $0x1  }
0x9b: {  	s19 =	sshll.u32 s15, $0x2  }
0x9c: {  	s19 =	sadd.s32 s7, s19  }
0x9d: {  	s20 =	sshll.u32 s16, $0x9;
	s22 =	sshll.u32 s16, $0x1;
	s19 =	smin.u32 s19, $0x61A4  }
0x9e: {  	s23 =	sshllo.u32 s16, $0x1;
	s18 =	simm.s32 @p5 $0x0;
	s19 =	sshll.u32 s19, $0x4  }
0x9f: {  	p4 =	por $0x0, $0x0;
	s21 =	sor.u32 $0x1A900, s20;
	s24 =	sadd.s32 s5, s19  }
0xa0: {  	[tilespmem:s21], [sflag:s23] =	stream.linear.gather [hbm4b:s24+s3], $0x200, $0x38;
	[tilespmem:$0x1F100] =	vst v63  }
0xa1: {  	s20 =	sor.u32 $0x1AD00, s20;
	s25 =	sadd.s32 $0x2, s22;
	s19 =	sadd.s32 s6, s19  }
0xa2: {  	[tilespmem:s20], [sflag:s25] =	stream.linear.gather [hbm4b:s19+s3], $0x200, $0x38;
	[tilespmem:$0x1F100] =	vst v63  }
.LBB2_7:
0xa3: {  	s18 =	sadd.s32 s7, s18  }
0xa4: {  	s19 =	smin.u32 s18, $0x61A4  }
0xa5: {  	p0 =	slt.u32 s19, s18  }
0xa6: {  	p1 =	sge.u32 @!p0 s19, s10  }
0xa7: {  	s20 =	sshll.u32 s17, $0x2;
	p0 =	por p1, p0  }
0xa8: {  	s21 =	sadd.s32 @!p0 $0x5, s20  }
0xa9: {  	s22 =	sshll.u32 s17, $0xD;
	s17 =	sshll.u32 s17, $0x9;
	_ =	swait.ge @!p0 [sflag:s21], $0x800  }
0xaa: {  	s23 =	sadd.s32 $0x1B100, s22;
	s24 =	sor.u32 $0x1AD00, s17;
	[sflag:s21] =	ssyncset.done @!p0 $0x0  }
0xab: {  	s25 =	simm.s32 @!p0 $0x80;
	[sflag:s21] =	ssyncadd.s32 @!p0 $0xFFFFF800;
	s21 =	sadd.s32 @!p0 $0xD, s20  }
0xac: {  	[spmem:s1] =	stream.indirect.scatter.add.f32 @!p0 [tilespmem:s23], [sflag:s21], $0x10, s24, s25, $0xb8;
	[tilespmem:$0x1F100] =	vst v63  }
0xad: {  	s21 =	sadd.s32 $0x1, s19  }
0xae: {  	p0 =	slt.u32 s21, s18  }
0xaf: {  	p1 =	sge.u32 @!p0 s21, s10  }
0xb0: {  	p0 =	por p1, p0  }
0xb1: {  	s21 =	sadd.s32 @!p0 $0x6, s20  }
0xb2: {  	_ =	swait.ge @!p0 [sflag:s21], $0x800  }
0xb3: {  	s23 =	sadd.s32 @!p0 $0x1B900, s22;
	s24 =	sadd.s32 @!p0 $0xE, s20;
	[sflag:s21] =	ssyncset.done @!p0 $0x0  }
0xb4: {  	s25 =	simm.s32 @!p0 $0x80;
	[sflag:s21] =	ssyncadd.s32 @!p0 $0xFFFFF800;
	s21 =	sadd.s32 @!p0 $0x1AD80, s17  }
0xb5: {  	[spmem:s1] =	stream.indirect.scatter.add.f32 @!p0 [tilespmem:s23], [sflag:s24], $0x10, s21, s25, $0xb8;
	[tilespmem:$0x1F100] =	vst v63  }
0xb6: {  	s21 =	sadd.s32 $0x2, s19  }
0xb7: {  	p0 =	slt.u32 s21, s18  }
0xb8: {  	p1 =	sge.u32 @!p0 s21, s10  }
0xb9: {  	p0 =	por p1, p0  }
0xba: {  	s21 =	sadd.s32 @!p0 $0x7, s20  }
0xbb: {  	s19 =	sadd.s32 $0x3, s19;
	_ =	swait.ge @!p0 [sflag:s21], $0x800  }
0xbc: {  	s23 =	sadd.s32 @!p0 $0x1C100, s22;
	s24 =	sadd.s32 @!p0 $0xF, s20;
	[sflag:s21] =	ssyncset.done @!p0 $0x0  }
0xbd: {  	s25 =	simm.s32 @!p0 $0x80;
	[sflag:s21] =	ssyncadd.s32 @!p0 $0xFFFFF800;
	s21 =	sadd.s32 @!p0 $0x1AE00, s17  }
0xbe: {  	[spmem:s1] =	stream.indirect.scatter.add.f32 @!p0 [tilespmem:s23], [sflag:s24], $0x10, s21, s25, $0xb8;
	[tilespmem:$0x1F100] =	vst v63  }
0xbf: {  	p0 =	slt.u32 s19, s18  }
0xc0: {  	p1 =	sge.u32 @!p0 s19, s10  }
0xc1: {  	p0 =	por p1, p0  }
0xc2: {  	s18 =	sor.u32 @!p0 $0x8, s20  }
0xc3: {  	_ =	swait.ge @!p0 [sflag:s18], $0x800  }
0xc4: {  	s19 =	sadd.s32 @!p0 $0x1C900, s22;
	s17 =	sadd.s32 @!p0 $0x1AE80, s17;
	[sflag:s18] =	ssyncset.done @!p0 $0x0  }
0xc5: {  	[sflag:s18] =	ssyncadd.s32 @!p0 $0xFFFFF800;
	s18 =	sor.u32 @!p0 $0x10, s20;
	s20 =	simm.s32 @!p0 $0x80  }
0xc6: {  	[spmem:s1] =	stream.indirect.scatter.add.f32 @!p0 [tilespmem:s19], [sflag:s18], $0x10, s17, s20, $0xb8;
	[tilespmem:$0x1F100] =	vst v63  }
0xc7: {  	s17 =	sshllo.u32 @!p4 s16, $0x1  }
0xc8: {  	s18 =	sshll.u32 @!p4 s15, $0x2;
	_ =	swait.ge @!p4 [sflag:s17], $0x200  }
0xc9: {  	s21 =	sshll.u32 @!p4 s16, $0x9;
	s18 =	sadd.s32 @!p4 s7, s18;
	[sflag:s17] =	ssyncset.done @!p4 $0x0  }
0xca: {  	s19 =	sshll.u32 @!p4 s16, $0x1;
	p0 =	sgt.u32 @!p4 s18, $0x61A4;
	[sflag:s17] =	ssyncadd.s32 @!p4 $0xFFFFFE00  }
0xcb: {  	s17 =	sadd.s32 @!p4 $0x2, s19;
	s19 =	smin.u32 @!p4 s18, $0x61A4;
	p1 =	por p0, p4  }
0xcc: {  	s22 =	sor.u32 @!p4 $0x1A900, s21;
	s20 =	sshll.u32 @!p4 s16, $0xD;
	p1 =	sge.u32 @!p1 s19, s10  }
0xcd: {  	s16 =	sshll.u32 @!p4 s16, $0x2;
	_ =	swait.ge @!p4 [sflag:s17], $0x200;
	p0 =	por @!p4 p1, p0  }
0xce: {  	s23 =	sadd.s32 @!p4 $0x5, s16;
	[sflag:s17] =	ssyncset.done @!p4 $0x0;
	p0 =	por p0, p4  }
0xcf: {  	[sflag:s17] =	ssyncadd.s32 @!p4 $0xFFFFFE00;
	s17 =	sadd.s32 @!p4 $0x1B100, s20;
	s24 =	simm.s32 @!p0 $0x80  }
0xd0: {  	[tilespmem:s17], [sflag:s23] =	stream.indirect.gather @!p0 [hbm4b:s4+s24], $0x10, s22, s24, $0xb8;
	[tilespmem:$0x1F100] =	vst v63  }
0xd1: {  	s17 =	sadd.s32 @!p4 $0x1, s19  }
0xd2: {  	p0 =	slt.u32 @!p4 s17, s18  }
0xd3: {  	p1 =	por p0, p4  }
0xd4: {  	p1 =	sge.u32 @!p1 s17, s10  }
0xd5: {  	p0 =	por @!p4 p1, p0  }
0xd6: {  	p0 =	por p0, p4  }
0xd7: {  	s17 =	sadd.s32 @!p0 $0x1B900, s20  }
0xd8: {  	s22 =	sadd.s32 @!p0 $0x1A980, s21;
	s23 =	sadd.s32 @!p0 $0x6, s16;
	s24 =	simm.s32 @!p0 $0x80  }
0xd9: {  	[tilespmem:s17], [sflag:s23] =	stream.indirect.gather @!p0 [hbm4b:s4+s24], $0x10, s22, s24, $0xb8;
	[tilespmem:$0x1F100] =	vst v63  }
0xda: {  	s17 =	sadd.s32 @!p4 $0x2, s19  }
0xdb: {  	p0 =	slt.u32 @!p4 s17, s18  }
0xdc: {  	p1 =	por p0, p4  }
0xdd: {  	p1 =	sge.u32 @!p1 s17, s10  }
0xde: {  	p0 =	por @!p4 p1, p0  }
0xdf: {  	p0 =	por p0, p4  }
0xe0: {  	s17 =	sadd.s32 @!p0 $0x1C100, s20  }
0xe1: {  	s22 =	sadd.s32 @!p0 $0x1AA00, s21;
	s23 =	sadd.s32 @!p0 $0x7, s16;
	s24 =	simm.s32 @!p0 $0x80  }
0xe2: {  	[tilespmem:s17], [sflag:s23] =	stream.indirect.gather @!p0 [hbm4b:s4+s24], $0x10, s22, s24, $0xb8;
	[tilespmem:$0x1F100] =	vst v63  }
0xe3: {  	s17 =	sadd.s32 @!p4 $0x3, s19  }
0xe4: {  	p0 =	slt.u32 @!p4 s17, s18  }
0xe5: {  	p1 =	por p0, p4  }
0xe6: {  	p1 =	sge.u32 @!p1 s17, s10  }
0xe7: {  	p0 =	por @!p4 p1, p0  }
0xe8: {  	p0 =	por p0, p4  }
0xe9: {  	s17 =	sadd.s32 @!p0 $0x1C900, s20  }
0xea: {  	s18 =	sadd.s32 @!p0 $0x1AA80, s21;
	s16 =	sor.u32 @!p0 $0x8, s16;
	s19 =	simm.s32 @!p0 $0x80  }
0xeb: {  	[tilespmem:s17], [sflag:s16] =	stream.indirect.gather @!p0 [hbm4b:s4+s19], $0x10, s18, s19, $0xb8;
	[tilespmem:$0x1F100] =	vst v63  }
0xec: {  	p0 =	slt.u32 s15, $0xC4  }
.Ltmp4:
0xed: {  	_ = 	snop;
	(pc) =	sbr.rel @!p0 .LBB2_8-.Ltmp4, $1  }
0xee: {  	_ =	sdelay $0x3  }
.LBB2_4:
0xef: {  	p5 =	seq.s32 s15, $0x0  }
0xf0: {  	s18 =	sshll.u32 @!p5 s15, $0x2  }
0xf1: {  	s20 =	sadd.s32 @!p5 s18, s11  }
0xf2: {  	p4 =	slt.s32 @!p5 s20, $0x61A4  }
0xf3: {  	s19 =	smov.u32 s20;
	p6 =	sgt.s32 @!p5 s20, $0x61A4;
	p4 =	por !p4, p5  }
0xf4: {  	s17 =	sand.u32 $0x1, s15;
	s19 =	simm.s32 @p4 $0x61A4;
	p4 =	por p6, p5  }
0xf5: {  	s16 =	sxor.u32 $0x1, s17;
	p4 =	sge.s32 @!p4 s19, s10;
	s21 =	sadd.s32 @!p5 $0x1, s19  }
0xf6: {  	s22 =	sshll.u32 @!p5 s16, $0x2;
	p4 =	por @!p5 p4, p6;
	p6 =	slt.s32 @!p5 s21, s20  }
0xf7: {  	s23 =	sadd.s32 @!p5 $0xD, s22;
	p4 =	por p4, p5;
	p0 =	por p6, p5  }
0xf8: {  	_ =	swait.ge @!p4 [sflag:s23], $0x800;
	p0 =	sge.s32 @!p0 s21, s10;
	s21 =	sadd.s32 @!p5 $0x2, s19  }
0xf9: {  	[sflag:s23] =	ssyncset.done @!p4 $0x0;
	p0 =	por @!p5 p0, p6;
	p6 =	slt.s32 @!p5 s21, s20  }
0xfa: {  	[sflag:s23] =	ssyncadd.s32 @!p4 $0xFFFFF800;
	p0 =	por p0, p5;
	p4 =	por p6, p5  }
0xfb: {  	p4 =	sge.s32 @!p4 s21, s10;
	s21 =	sadd.s32 @!p0 $0xE, s22  }
0xfc: {  	s19 =	sadd.s32 @!p5 $0x3, s19;
	_ =	swait.ge @!p0 [sflag:s21], $0x800  }
0xfd: {  	p4 =	por @!p5 p4, p6;
	p6 =	slt.s32 @!p5 s19, s20;
	[sflag:s21] =	ssyncset.done @!p0 $0x0  }
0xfe: {  	p4 =	por p4, p5;
	p1 =	por p6, p5;
	[sflag:s21] =	ssyncadd.s32 @!p0 $0xFFFFF800  }
0xff: {  	s20 =	sadd.s32 @!p4 $0xF, s22;
	p0 =	sge.s32 @!p1 s19, s10;
	p1 =	seq.s32 @!p5 s15, $0xC3  }
0x100: {  	p0 =	por @!p5 p0, p6;
	_ =	swait.ge @!p4 [sflag:s20], $0x800;
	p1 =	por p5, !p1  }
.Ltmp5:
0x101: {  	[sflag:s20] =	ssyncset.done @!p4 $0x0;
	p0 =	por p0, p5;
	(pc) =	sbr.rel @p1 .LBB2_6-.Ltmp5, $4  }
0x102: {  	[sflag:s20] =	ssyncadd.s32 @!p4 $0xFFFFF800;
	s19 =	sor.u32 @!p0 $0x10, s22  }
0x103: {  	_ =	swait.ge @!p0 [sflag:s19], $0x800  }
0x104: {  	[sflag:s19] =	ssyncset.done @!p0 $0x0  }
0x105: {  	[sflag:s19] =	ssyncadd.s32 @!p0 $0xFFFFF800  }
.Ltmp6:
0x106: {  	(pc) =	sbr.rel .LBB2_7-.Ltmp6, $2  }
0x107: {  	_ =	sdelay $0x2  }
0x108: {  	s15 =	simm.s32 @!p5 $0xC4;
	p4 =	por @!p5 $0x1, $0x1;
	s18 =	simm.s32 @!p5 $0x30C  }
.LBB2_9:
0x109: {  	_ =	sfence.sel $0x180000  }
0x10a: {  	[bflag:$0x0] =	sbarrier.arrive $0xFFFF  }
0x10b: {  	_ =	strace $0x9000004A  }
0x10c: {  	s0 =	stileid.u32;
	[bflag:$0x2] =	sbarrier.arrive $0xFFFF  }
0x10d: {  	p0 =	sne.s32 s0, $0x0;
	s0 =	rddreg [dreg:$0x2]  }
0x10e: {  	s0 =	sadd.s32 @!p0 $0x100000, s0  }
0x10f: {  	[sflag:s0] =	ssyncadd.tile.s32 @!p0 $0x1;
	_ =	shalt  }
.Lfunc_end2:
_tile_overlayer_lowered:
.L_overlay_start_2:
0x110: {  	(tag) =	ssettag $0x2  }
0x111: {  	s0 =	rddreg [dreg:$0x0];
	s2 =	stileid.u32  }
0x112: {  	s1 =	rddreg [dreg:$0x1];
	p0 =	sne.s32 s2, $0x0  }
0x113: {  	s3 =	rddreg [dreg:$0x2];
	[bflag:$0x3] =	sbarrier.arrive $0xFFFF;
	s2 =	simm.s32 @!p0 $0x1C15  }
0x114: {  	[timem:s3], [sflag:s2] =	dma.local @!p0 [hbm:s0], s1  }
0x115: {  	s0 =	simm.s32 @!p0 $0x15  }
0x116: {  	_ =	swait.ge @!p0 [sflag:s0], s1  }
0x117: {  	s1 =	ssub.s32 @!p0 $0x0, s1;
	[sflag:s0] =	ssyncset.done @!p0 $0x0  }
0x118: {  	[sflag:s0] =	ssyncadd.s32 @!p0 s1  }
0x119: {  	[bflag:$0x3] =	sbarrier.arrive $0xFFFF  }
0x11a: {  	_ =	shalt  }

// kernel: kernel.14.cloned.1.call-start
scs
__scs_entry_jumppad:
0x0: {  	(pc) =	sbr.rel $0x88, $3  }
0x1: {  	(tag) =	ssettag $0x0;
	lr =	simm.s32 $0x1  }
0x2: {  	[smem:$0x3F97] =	sst lr;
	_ =	strace $0xD0000000  }
0x3: {  	_ = 	snop  }
0x4: {  	_ = 	snop  }
0x5: {  	_ = 	snop  }
0x6: {  	_ = 	snop  }
0x7: {  	_ = 	snop  }
__scs_overlays_trampoline_lowered:
0x8: {  	[smem:$0x3FA6] =	sst s0  }
0x9: {  	[smem:$0x3FA7] =	sst s1  }
0xa: {  	[smem:$0x3FA8] =	sst s2  }
0xb: {  	[smem:$0x3FA9] =	sst s3  }
0xc: {  	[smem:$0x3FAA] =	sst s4  }
0xd: {  	[smem:$0x3FAB] =	sst s5  }
0xe: {  	[smem:$0x3FAC] =	sst s6  }
0xf: {  	[smem:$0x3FAD] =	sst s7  }
0x10: {  	[smem:$0x3FAE] =	sst s8  }
0x11: {  	[smem:$0x3FAF] =	sst s9;
	s0 =	simm.s32 @!p0 $0x0  }
0x12: {  	s1 =	sld [smem:$0x3F95];
	s0 =	simm.s32 @p0 $0x1  }
0x13: {  	[smem:$0x3FB0] =	sst s0;
	s0 =	simm.s32 @!p1 $0x0  }
0x14: {  	s2 =	sld [smem:$0x3F94];
	s0 =	simm.s32 @p1 $0x1  }
0x15: {  	[smem:$0x3FB1] =	sst s0;
	s0 =	simm.s32 @!p2 $0x0  }
0x16: {  	s3 =	sld [smem:$0x3FDB];
	s0 =	simm.s32 @p2 $0x1  }
0x17: {  	s4 =	simm.s32 $0x1BF5;
	[smem:$0x3FB3] =	sst s0  }
0x18: {  	s0 =	sld [smem:$0x3F96];
	_ =	swait.ge [sflag:s4], $0x0  }
0x19: {  	s7 =	sld [smem:$0x3F97]  }
0x1a: {  	s8 =	sadd.s32 $0xFFFFE003, lr  }
0x1b: {  	s9 =	sadd.s32 $0xFFFFFEF7, lr;
	s5 =	simm.s32 $0xFFFFFFFF;
	p2 =	slt.u32 s8, $0xFFFFF086  }
0x1c: {  	p1 =	slt.u32 s9, $0xF7A;
	s5 =	simm.s32 @!p2 $0x0  }
0x1d: {  	s5 =	simm.s32 @p1 $0x1;
	p0 =	seq.s32 s7, s2  }
0x1e: {  	s7 =	smul.u32 @!p0 $0xF7A, s2;
	p2 =	seq.s32 @!p0 s5, $0x0  }
0x1f: {  	s9 =	smul.u32 $0xF7A, s1;
	s8 =	simm.s32 @!p0 $0x1BF5;
	p2 =	por !p2, p0  }
0x20: {  	[sflag:s8] =	ssyncset.s32 @!p0 $0xFFFFF086;
	s6 =	sadd.s32 @!p0 s3, s7;
	s7 =	simm.s32 @!p0 $0x108  }
0x21: {  	s3 =	sadd.s32 s3, s9;
	s6 =	sadd.s32 @!p0 $0x88, s6;
	s7 =	simm.s32 @p2 $0x1082  }
0x22: {  	[simem:s7], [sflag:s8] =	dma.local @!p0 [hbm:s6], $0xF7A  }
0x23: {  	s9 =	sor.u32 $0xD0000000, s2;
	s6 =	simm.s32 $0x108;
	_ =	swait.ge @!p0 [sflag:s8], $0x0  }
0x24: {  	s3 =	sadd.s32 $0x88, s3;
	s6 =	simm.s32 @!p1 $0x1082;
	[sflag:s4] =	ssyncset.s32 $0xFFFFF086  }
0x25: {  	[simem:s6], [sflag:s4] =	dma.local [hbm:s3], $0xF7A  }
0x26: {  	[smem:$0x3F97] =	sst s1;
	(tag) =	ssettag s2;
	_ =	strace s9  }
0x27: {  	s1 =	sld [smem:$0x3FA7]  }
0x28: {  	s2 =	sld [smem:$0x3FA8]  }
0x29: {  	s4 =	sld [smem:$0x3FAA]  }
0x2a: {  	p0 =	seq.s32 s5, $0x0;
	s5 =	sld [smem:$0x3FAB]  }
0x2b: {  	s6 =	sld [smem:$0x3FAC]  }
0x2c: {  	s7 =	sld [smem:$0x3FAD]  }
0x2d: {  	s3 =	simm.s32 $0x108;
	s8 =	sld [smem:$0x3FAE]  }
0x2e: {  	s3 =	simm.s32 @!p0 $0x1082;
	s9 =	sld [smem:$0x3FAF]  }
0x2f: {  	lr =	sadd.s32 s0, s3;
	s0 =	sld [smem:$0x3FA6]  }
0x30: {  	s3 =	sld [smem:$0x3FA9]  }
0x31: {  	[smem:$0x3FB2] =	sst s10  }
0x32: {  	s10 =	sld [smem:$0x3FB0];
	_ =	sdelay $0x3  }
0x33: {  	p0 =	seq.s32 s10, $0x1;
	s10 =	sld [smem:$0x3FB2];
	_ =	sdelay $0x3  }
0x34: {  	[smem:$0x3FB2] =	sst s10  }
0x35: {  	s10 =	sld [smem:$0x3FB1];
	_ =	sdelay $0x3  }
0x36: {  	p1 =	seq.s32 s10, $0x1;
	s10 =	sld [smem:$0x3FB2];
	_ =	sdelay $0x3  }
0x37: {  	[smem:$0x3FB2] =	sst s10  }
0x38: {  	s10 =	sld [smem:$0x3FB3]  }
0x39: {  	_ = 	snop;
	(pc) =	sbr.ind lr, $3  }
0x3a: {  	_ = 	snop  }
0x3b: {  	_ = 	snop  }
0x3c: {  	p2 =	seq.s32 s10, $0x1;
	s10 =	sld [smem:$0x3FB2]  }
0x3d: {  	_ =	shalt  }
0x3e: {  	_ =	shalt  }
0x3f: {  	_ =	shalt  }
0x40: {  	_ =	shalt  }
0x41: {  	_ =	shalt  }
0x42: {  	_ =	shalt  }
0x43: {  	_ =	shalt  }
0x44: {  	_ =	shalt  }
0x45: {  	_ =	shalt  }
0x46: {  	_ =	shalt  }
0x47: {  	_ =	shalt  }
0x48: {  	_ =	shalt  }
0x49: {  	_ =	shalt  }
0x4a: {  	_ =	shalt  }
0x4b: {  	_ =	shalt  }
0x4c: {  	_ =	shalt  }
0x4d: {  	_ =	shalt  }
0x4e: {  	_ =	shalt  }
0x4f: {  	_ =	shalt  }
0x50: {  	_ =	shalt  }
0x51: {  	_ =	shalt  }
0x52: {  	_ =	shalt  }
0x53: {  	_ =	shalt  }
0x54: {  	_ =	shalt  }
0x55: {  	_ =	shalt  }
0x56: {  	_ =	shalt  }
0x57: {  	_ =	shalt  }
0x58: {  	_ =	shalt  }
0x59: {  	_ =	shalt  }
0x5a: {  	_ =	shalt  }
0x5b: {  	_ =	shalt  }
0x5c: {  	_ =	shalt  }
0x5d: {  	_ =	shalt  }
0x5e: {  	_ =	shalt  }
0x5f: {  	_ =	shalt  }
0x60: {  	_ =	shalt  }
0x61: {  	_ =	shalt  }
0x62: {  	_ =	shalt  }
0x63: {  	_ =	shalt  }
0x64: {  	_ =	shalt  }
0x65: {  	_ =	shalt  }
0x66: {  	_ =	shalt  }
0x67: {  	_ =	shalt  }
0x68: {  	_ =	shalt  }
0x69: {  	_ =	shalt  }
0x6a: {  	_ =	shalt  }
0x6b: {  	_ =	shalt  }
0x6c: {  	_ =	shalt  }
0x6d: {  	_ =	shalt  }
0x6e: {  	_ =	shalt  }
0x6f: {  	_ =	shalt  }
0x70: {  	_ =	shalt  }
0x71: {  	_ =	shalt  }
0x72: {  	_ =	shalt  }
0x73: {  	_ =	shalt  }
0x74: {  	_ =	shalt  }
0x75: {  	_ =	shalt  }
0x76: {  	_ =	shalt  }
0x77: {  	_ =	shalt  }
0x78: {  	_ =	shalt  }
0x79: {  	_ =	shalt  }
0x7a: {  	_ =	shalt  }
0x7b: {  	_ =	shalt  }
0x7c: {  	_ =	shalt  }
0x7d: {  	_ =	shalt  }
0x7e: {  	_ =	shalt  }
0x7f: {  	_ =	shalt  }
0x80: {  	_ =	shalt  }
0x81: {  	_ =	shalt  }
0x82: {  	_ =	shalt  }
0x83: {  	_ =	shalt  }
0x84: {  	_ =	shalt  }
0x85: {  	_ =	shalt  }
0x86: {  	_ =	shalt  }
0x87: {  	_ =	shalt  }
.Lfunc_end0:
.L_simem_size_0:
called_computation.2_lowered:
.L_overlay_start_0:
0x88: {  	s2 =	sld [smem:$0x3FD9]  }
0x89: {  	s3 =	sld [smem:$0x3FFE];
	_ =	sdelay $0x1  }
0x8a: {  	s1 =	srdreg.scid  }
0x8b: {  	s0 =	sand.u32 $0x1, s1  }
0x8c: {  	s16 =	sshll.u32 s0, $0xA;
	s2 =	sadd.s32 s3, s2  }
0x8d: {  	s2 =	sadd.s32 s2, s16  }
0x8e: {  	[smem:$0x3FBE] =	sst s2  }
0x8f: {  	_ = 	snop  }
0x90: {  	(tm) =	ssettm $0x1  }
0x91: {  	s17 =	sld [smem:$0x3FFB];
	_ =	sdelay $0x3  }
0x92: {  	_ =	strace s17  }
0x93: {  	s2 =	sld [smem:$0x3FFC];
	_ =	sdelay $0x3  }
0x94: {  	_ =	strace s2  }
0x95: {  	s2 =	sld [smem:$0x3FFD];
	_ =	sdelay $0x3  }
0x96: {  	_ =	strace s2  }
0x97: {  	_ =	strace $0x8FFFFFFF  }
0x98: {  	s18 =	sld [smem:$0x3FDB];
	_ =	sdelay $0x1  }
0x99: {  	s19 =	simm.s32 $_scs_section_size  }
0x9a: {  	s4 =	simm.s32 $_size__tile_overlayer_lowered;
	s5 =	simm.s32 $_tile_overlayer_lowered  }
0x9b: {  	s22 =	simm.s32 $0x1BFF;
	s21 =	sshll.u32 s5, $0x1;
	s2 =	sadd.s32 s19, s18  }
0x9c: {  	s6 =	simm.s32 $0x0;
	s20 =	sshll.u32 s4, $0x1;
	s4 =	sadd.s32 s21, s2  }
0x9d: {  	[timem:s6], [sflag:s22] =	dma.local [hbm:s4], s20  }
0x9e: {  	_ =	swait.ge [sflag:s22], s20  }
0x9f: {  	s3 =	ssub.s32 $0x0, s20;
	[sflag:s22] =	ssyncset.done $0x0  }
0xa0: {  	[sflag:s22] =	ssyncadd.s32 s3;
	_ =	sdelay $0x1  }
0xa1: {  	s23 =	simm.s32 $0x1B8B  }
0xa2: {  	_ =	swait.ge [sflag:s23], $0x1  }
0xa3: {  	[sflag:s23] =	ssyncset.done $0x0  }
0xa4: {  	s25 =	simm.s32 $0x1B8E;
	s24 =	sld [smem:$0x3FFE];
	[sflag:s23] =	ssyncadd.s32 $0xFFFFFFFF  }
0xa5: {  	s26 =	simm.s32 $execute0_lowered;
	[smem:$0x3FD2] =	sst s25  }
0xa6: {  	s4 =	sshll.u32 s26, $0x1;
	_ =	strace $0x8000004C;
	[dreg:$0x1] =	wrdreg $0xFFFFFFFF  }
0xa7: {  	s28 =	simm.s32 $_size_execute0_lowered;
	s2 =	sadd.s32 s2, s4;
	[dreg:$0x0] =	wrdreg $0x0  }
0xa8: {  	s4 =	sshll.u32 s28, $0x1;
	[dreg:$0x2] =	wrdreg s2  }
0xa9: {  	[dreg:$0x3] =	wrdreg s4  }
0xaa: {  	[dreg:$0x4] =	wrdreg $0xC0  }
0xab: {  	_ =	task [dreg:s6], $0x5FFFF  }
0xac: {  	[dreg:$0x1] =	wrdreg $0xFFFFFFFF  }
0xad: {  	[dreg:$0x0] =	wrdreg $0x60  }
0xae: {  	[dreg:$0x2] =	wrdreg s24  }
0xaf: {  	[dreg:$0x3] =	wrdreg $0x0  }
0xb0: {  	[dreg:$0x4] =	wrdreg $0x9  }
0xb1: {  	_ =	task.clear_ibuf [dreg:s6], $0x5FFFF;
	_ =	strace $0x9000004C  }
0xb2: {  	s29 =	simm.s32 $0x9;
	_ =	strace $0x8000004E  }
0xb3: {  	_ =	swait.ge [sflag:s29], $0x1  }
0xb4: {  	[sflag:s29] =	ssyncadd.s32 $0xFFFFFFFF  }
0xb5: {  	_ =	strace $0x9000004E  }
0xb6: {  	_ =	sfence  }
0xb7: {  	s30 =	sld [smem:$0x0];
	_ =	sdelay $0x2  }
0xb8: {  	s31 =	sshll.u32 s1, $0xD;
	s1 =	sshrl.u32 s1, $0x2  }
0xb9: {  	s3 =	sand.u32 $0x4000, s31;
	s1 =	sadd.s32 s1, s30  }
0xba: {  	s0 =	sor.u32 s3, s0;
	s1 =	sshll.u32 s1, $0x11  }
0xbb: {  	s0 =	sor.u32 s1, s0  }
0xbc: {  	s0 =	sadd.s32 $0x8F2B, s0  }
0xbd: {  	[sflag:s0] =	ssyncadd.remote.s32 $0x1  }
0xbe: {  	_ =	sfence.sel $0xFFFF  }
0xbf: {  	[dreg:$0x0] =	wrdreg $0xFFFFFFFF;
	(pc) =	sbr.abs _section_cstart, $3  }
0xc0: {  	[dreg:$0x1] =	wrdreg $0xFFFFFFFF  }
0xc1: {  	_ =	task.clear_ibuf [dreg:s6], $0x2FFFF;
	_ =	strace $0x9FFFFFFF  }
0xc2: {  	(tm) =	ssettm $0x7FFFFFFF  }
0xc3: {  	_ =	shalt  }
tec
execute0_lowered:
.L_overlay_start_1:
0x0: {  	(tag) =	ssettag $0x1  }
0x1: {  	s0 =	rddreg [dreg:$0x0]  }
0x2: {  	s1 =	rddreg [dreg:$0x1];
	s3 =	simm.s32 $0x0;
	s2 =	srdreg.scid  }
0x3: {  	s12 =	stileid.u32;
	[smem:$0x7FF] =	sst s3;
	s2 =	sand.u32 $0x1, s2  }
0x4: {  	s4 =	sadd.s32 $0x3E00, s0;
	s8 =	smul.u32 $0x19000, s12;
	s5 =	sadd.s32 $0x129000, s0  }
0x5: {  	s6 =	sadd.s32 $0xC7400, s0;
	s7 =	smul.u32 $0x190000, s2;
	s9 =	sshll.u32 s2, $0x4  }
0x6: {  	_ =	strace $0x8000004D;
	s2 =	ssub.s32 $0x2, s2;
	s9 =	sor.u32 s12, s9  }
0x7: {  	s10 =	sshrl.u32 s2, $0x1;
	s12 =	smul.u32 $0x64000, s12;
	s7 =	sadd.s32 s8, s7  }
0x8: {  	s11 =	smul.u32 $0x30D, s9;
	s2 =	ssub.s32 s2, s10;
	s23 =	smin.u32 s9, $0x8  }
0x9: {  	p0 =	slt.u32 s9, $0x8;
	s9 =	simm.s32 $0x30E;
	s7 =	sshrl.u32 s7, $0x3  }
0xa: {  	s9 =	simm.s32 @!p0 $0x30D;
	s12 =	sshrl.u32 s12, $0x2;
	s2 =	smax.u32 s2, $0x1  }
0xb: {  	s0 =	sadd.s32 s7, s0;
	s7 =	sadd.s32 s23, s11;
	s13 =	sadd.s32 s12, s1  }
0xc: {  	[dreg:$0x6] =	wrdreg s2;
	s24 =	sshll.u32 s7, $0x4;
	s0 =	sadd.s32 $0x35E00, s0  }
0xd: {  	s11 =	sadd.s32 $0xFFFFFFFC, s7;
	s12 =	sadd.s32 $0x1900, s13;
	[dreg:$0x5] =	wrdreg s0  }
0xe: {  	s26 =	sadd.s32 $0x30C, s7;
	s15 =	sadd.s32 $0x3200, s13;
	[dreg:$0x7] =	wrdreg s12  }
0xf: {  	s16 =	sadd.s32 $0x4B00, s13;
	s17 =	sadd.s32 $0x6400, s13;
	[dreg:$0x8] =	wrdreg s15  }
0x10: {  	s18 =	sadd.s32 $0x7D00, s13;
	s19 =	sadd.s32 $0x9600, s13;
	[dreg:$0x9] =	wrdreg s16  }
0x11: {  	s22 =	sadd.s32 $0xAF00, s13;
	s23 =	sadd.s32 $0xC800, s13;
	[dreg:$0xa] =	wrdreg s17  }
0x12: {  	s28 =	sadd.s32 $0x12C00, s13;
	s29 =	sadd.s32 $0x14500, s13;
	[dreg:$0xb] =	wrdreg s18  }
0x13: {  	s30 =	sadd.s32 $0x15E00, s13;
	s31 =	sadd.s32 $0x17700, s13;
	[dreg:$0xc] =	wrdreg s19  }
0x14: {  	s25 =	sadd.s32 s5, s24;
	s10 =	sadd.s32 s6, s24;
	[dreg:$0xd] =	wrdreg s22  }
0x15: {  	s14 =	smin.u32 s26, $0x61A4;
	s0 =	sadd.s32 s8, s1;
	[dreg:$0xe] =	wrdreg s23  }
0x16: {  	s8 =	simm.s32 $0x1;
	s12 =	simm.s32 $0x80;
	[dreg:$0x3] =	wrdreg s25  }
0x17: {  	[dreg:$0x4] =	wrdreg s10;
	s10 =	sadd.s32 s9, s7;
	s20 =	sadd.s32 $0x1, s14  }
0x18: {  	s21 =	sadd.s32 $0x2, s14;
	s24 =	sadd.s32 $0x3, s14;
	s25 =	sadd.s32 $0xE100, s13  }
0x19: {  	s0 =	sshrl.u32 s0, $0x3;
	s9 =	simm.s32 $0x2;
	s14 =	simm.s32 $0x0  }
0x1a: {  	p6 =	sge.u32 s20, s26;
	p1 =	slt.u32 s20, s10;
	p2 =	sge.u32 s21, s26  }
0x1b: {  	p3 =	slt.u32 s21, s10;
	p5 =	sge.u32 s24, s26;
	[dreg:$0xf] =	wrdreg s25  }
0x1c: {  	s26 =	sadd.s32 $0xFA00, s13;
	[dreg:$0x11] =	wrdreg s0;
	p0 =	por !p6, !p1  }
0x1d: {  	s0 =	simm.s32 $0x19000;
	p4 =	por !p2, !p3;
	p0 =	por !p0, !p0  }
.Ltmp0:
0x1e: {  	p6 =	slt.u32 s24, s10;
	s2 =	simm.s32 @!p0 $0x0;
	(pc) =	sbr.rel .LBB2_1-.Ltmp0, $4  }
0x1f: {  	[dreg:$0x10] =	wrdreg s26;
	s2 =	simm.s32 @p0 $0x1;
	p0 =	por !p4, !p4  }
0x20: {  	p3 =	sgt.u32 s7, $0x61A4;
	[smem:$0x7FC] =	sst s2;
	s2 =	simm.s32 @!p0 $0x0  }
0x21: {  	s26 =	sadd.s32 $0x11300, s13;
	p2 =	por !p5, !p6;
	s2 =	simm.s32 @p0 $0x1  }
0x22: {  	v0 =	vimm.f32 $0.0e+00;
	p2 =	por !p2, !p2;
	[smem:$0x7FD] =	sst s2;
	s2 =	simm.s32 $0x15  }
.LBB2_8:
0x23: {  	p0 =	sgt.u32 s7, $0x5E98  }
0x24: {  	s15 =	simm.s32 @!p0 $0x11  }
0x25: {  	_ =	swait.ge @!p0 [sflag:s15], $0x800  }
0x26: {  	s22 =	sld [smem:$0x7FC];
	_ =	sdelay $0x1  }
0x27: {  	[sflag:s15] =	ssyncset.done @!p0 $0x0  }
0x28: {  	[sflag:s15] =	ssyncadd.s32 @!p0 $0xFFFFF800;
	p0 =	seq.s32 s22, $0x1  }
0x29: {  	s15 =	simm.s32 @p0 $0x12  }
0x2a: {  	_ =	swait.ge @p0 [sflag:s15], $0x800  }
0x2b: {  	s23 =	sld [smem:$0x7FD];
	_ =	sdelay $0x1  }
0x2c: {  	[sflag:s15] =	ssyncset.done @p0 $0x0  }
0x2d: {  	[sflag:s15] =	ssyncadd.s32 @p0 $0xFFFFF800;
	p0 =	seq.s32 s23, $0x1  }
0x2e: {  	s15 =	simm.s32 @p0 $0x13  }
0x2f: {  	_ =	swait.ge @p0 [sflag:s15], $0x800  }
0x30: {  	[sflag:s15] =	ssyncset.done @p0 $0x0  }
0x31: {  	[sflag:s15] =	ssyncadd.s32 @p0 $0xFFFFF800;
	s15 =	simm.s32 @p2 $0x14  }
0x32: {  	_ =	swait.ge @p2 [sflag:s15], $0x800  }
0x33: {  	[sflag:s15] =	ssyncset.done @p2 $0x0  }
0x34: {  	[sflag:s15] =	ssyncadd.s32 @p2 $0xFFFFF800  }
0x35: {  	s24 =	stileid.u32;
	[bflag:$0x0] =	sbarrier.arrive $0xFFFF  }
0x36: {  	s15 =	sshll.u32 s24, $0x6;
	s16 =	rddreg [dreg:$0x5]  }
0x37: {  	s15 =	sor.u32 $0x1C15, s15;
	s17 =	rddreg [dreg:$0x11]  }
0x38: {  	[hbm:s16], [sflag:s15] =	dma.local [spmem:s17], $0x3200  }
0x39: {  	_ =	swait.ge [sflag:s2], $0x3200  }
0x3a: {  	s14 =	sadd.s32 $0x1, s14;
	s25 =	rddreg [dreg:$0x6]  }
0x3b: {  	p0 =	sne.s32 s14, s25  }
.Ltmp1:
0x3c: {  	_ = 	snop;
	(pc) =	sbr.rel @!p0 .LBB2_9-.Ltmp1, $3  }
0x3d: {  	_ =	sdelay $0x1  }
0x3e: {  	[sflag:s2] =	ssyncset.done $0x0  }
0x3f: {  	[sflag:s2] =	ssyncadd.s32 $0xFFFFCE00  }
.LBB2_1:
0x40: {  	s15 =	simm.s32 $0x40;
	s16 =	simm.s32 $0x0  }
.LBB2_2:
0x41: {  	p4 =	sne.s32 s15, $0x63C0;
	[tilespmem:s16+$0x19000] =	vst v0;
	s16 =	smov.u32 s15;
	s15 =	sadd.s32 $0x40, s15  }
.Ltmp2:
0x42: {  	(pc) =	sbr.rel @p4 .LBB2_2-.Ltmp2, $2  }
0x43: {  	_ =	sdelay $0x2  }
0x44: {  	s16 =	sshra.s32 s16, $0x2  }
0x45: {  	[tilespmem:s16+$0x19000] =	vst v0  }
0x46: {  	[spmem:s13] =	stream.linear.scatter [tilespmem:s0], [sflag:$0x15], $0x1900, $0x38;
	[tilespmem:$0x1F100] =	vst v63  }
0x47: {  	_ =	swait.ge [sflag:s2], $0x1900  }
0x48: {  	[sflag:s2] =	ssyncset.done $0x0  }
0x49: {  	s15 =	rddreg [dreg:$0x7];
	[sflag:s2] =	ssyncadd.s32 $0xFFFFE700  }
0x4a: {  	[spmem:s15] =	stream.linear.scatter [tilespmem:s0], [sflag:$0x15], $0x1900, $0x38;
	[tilespmem:$0x1F100] =	vst v63  }
0x4b: {  	_ =	swait.ge [sflag:s2], $0x1900  }
0x4c: {  	[sflag:s2] =	ssyncset.done $0x0  }
0x4d: {  	s17 =	rddreg [dreg:$0x8];
	[sflag:s2] =	ssyncadd.s32 $0xFFFFE700  }
0x4e: {  	[spmem:s17] =	stream.linear.scatter [tilespmem:s0], [sflag:$0x15], $0x1900, $0x38;
	[tilespmem:$0x1F100] =	vst v63  }
0x4f: {  	_ =	swait.ge [sflag:s2], $0x1900  }
0x50: {  	[sflag:s2] =	ssyncset.done $0x0  }
0x51: {  	s18 =	rddreg [dreg:$0x9];
	[sflag:s2] =	ssyncadd.s32 $0xFFFFE700  }
0x52: {  	[spmem:s18] =	stream.linear.scatter [tilespmem:s0], [sflag:$0x15], $0x1900, $0x38;
	[tilespmem:$0x1F100] =	vst v63  }
0x53: {  	_ =	swait.ge [sflag:s2], $0x1900  }
0x54: {  	[sflag:s2] =	ssyncset.done $0x0  }
0x55: {  	s19 =	rddreg [dreg:$0xa];
	[sflag:s2] =	ssyncadd.s32 $0xFFFFE700  }
0x56: {  	[spmem:s19] =	stream.linear.scatter [tilespmem:s0], [sflag:$0x15], $0x1900, $0x38;
	[tilespmem:$0x1F100] =	vst v63  }
0x57: {  	_ =	swait.ge [sflag:s2], $0x1900  }
0x58: {  	[sflag:s2] =	ssyncset.done $0x0  }
0x59: {  	s20 =	rddreg [dreg:$0xb];
	[sflag:s2] =	ssyncadd.s32 $0xFFFFE700  }
0x5a: {  	[spmem:s20] =	stream.linear.scatter [tilespmem:s0], [sflag:$0x15], $0x1900, $0x38;
	[tilespmem:$0x1F100] =	vst v63  }
0x5b: {  	_ =	swait.ge [sflag:s2], $0x1900  }
0x5c: {  	[sflag:s2] =	ssyncset.done $0x0  }
0x5d: {  	s21 =	rddreg [dreg:$0xc];
	[sflag:s2] =	ssyncadd.s32 $0xFFFFE700  }
0x5e: {  	[spmem:s21] =	stream.linear.scatter [tilespmem:s0], [sflag:$0x15], $0x1900, $0x38;
	[tilespmem:$0x1F100] =	vst v63  }
0x5f: {  	_ =	swait.ge [sflag:s2], $0x1900  }
0x60: {  	[sflag:s2] =	ssyncset.done $0x0  }
0x61: {  	s22 =	rddreg [dreg:$0xd];
	[sflag:s2] =	ssyncadd.s32 $0xFFFFE700  }
0x62: {  	[spmem:s22] =	stream.linear.scatter [tilespmem:s0], [sflag:$0x15], $0x1900, $0x38;
	[tilespmem:$0x1F100] =	vst v63  }
0x63: {  	_ =	swait.ge [sflag:s2], $0x1900  }
0x64: {  	[sflag:s2] =	ssyncset.done $0x0  }
0x65: {  	s23 =	rddreg [dreg:$0xe];
	[sflag:s2] =	ssyncadd.s32 $0xFFFFE700  }
0x66: {  	[spmem:s23] =	stream.linear.scatter [tilespmem:s0], [sflag:$0x15], $0x1900, $0x38;
	[tilespmem:$0x1F100] =	vst v63  }
0x67: {  	_ =	swait.ge [sflag:s2], $0x1900  }
0x68: {  	[sflag:s2] =	ssyncset.done $0x0  }
0x69: {  	s24 =	rddreg [dreg:$0xf];
	[sflag:s2] =	ssyncadd.s32 $0xFFFFE700  }
0x6a: {  	[spmem:s24] =	stream.linear.scatter [tilespmem:s0], [sflag:$0x15], $0x1900, $0x38;
	[tilespmem:$0x1F100] =	vst v63  }
0x6b: {  	_ =	swait.ge [sflag:s2], $0x1900  }
0x6c: {  	[sflag:s2] =	ssyncset.done $0x0  }
0x6d: {  	s25 =	rddreg [dreg:$0x10];
	[sflag:s2] =	ssyncadd.s32 $0xFFFFE700  }
0x6e: {  	[spmem:s25] =	stream.linear.scatter [tilespmem:s0], [sflag:$0x15], $0x1900, $0x38;
	[tilespmem:$0x1F100] =	vst v63  }
0x6f: {  	_ =	swait.ge [sflag:s2], $0x1900  }
0x70: {  	[sflag:s2] =	ssyncset.done $0x0  }
0x71: {  	[sflag:s2] =	ssyncadd.s32 $0xFFFFE700  }
0x72: {  	[spmem:s26] =	stream.linear.scatter [tilespmem:s0], [sflag:$0x15], $0x1900, $0x38;
	[tilespmem:$0x1F100] =	vst v63  }
0x73: {  	_ =	swait.ge [sflag:s2], $0x1900  }
0x74: {  	[sflag:s2] =	ssyncset.done $0x0  }
0x75: {  	[sflag:s2] =	ssyncadd.s32 $0xFFFFE700  }
0x76: {  	[spmem:s28] =	stream.linear.scatter [tilespmem:s0], [sflag:$0x15], $0x1900, $0x38;
	[tilespmem:$0x1F100] =	vst v63  }
0x77: {  	_ =	swait.ge [sflag:s2], $0x1900  }
0x78: {  	[sflag:s2] =	ssyncset.done $0x0  }
0x79: {  	[sflag:s2] =	ssyncadd.s32 $0xFFFFE700  }
0x7a: {  	[spmem:s29] =	stream.linear.scatter [tilespmem:s0], [sflag:$0x15], $0x1900, $0x38;
	[tilespmem:$0x1F100] =	vst v63  }
0x7b: {  	_ =	swait.ge [sflag:s2], $0x1900  }
0x7c: {  	[sflag:s2] =	ssyncset.done $0x0  }
0x7d: {  	[sflag:s2] =	ssyncadd.s32 $0xFFFFE700  }
0x7e: {  	[spmem:s30] =	stream.linear.scatter [tilespmem:s0], [sflag:$0x15], $0x1900, $0x38;
	[tilespmem:$0x1F100] =	vst v63  }
0x7f: {  	_ =	swait.ge [sflag:s2], $0x1900  }
0x80: {  	[sflag:s2] =	ssyncset.done $0x0  }
0x81: {  	[sflag:s2] =	ssyncadd.s32 $0xFFFFE700  }
0x82: {  	[spmem:s31] =	stream.linear.scatter [tilespmem:s0], [sflag:$0x15], $0x1900, $0x38;
	[tilespmem:$0x1F100] =	vst v63  }
0x83: {  	_ =	swait.ge [sflag:s2], $0x1900  }
0x84: {  	[sflag:s2] =	ssyncset.done $0x0  }
0x85: {  	[sflag:s2] =	ssyncadd.s32 $0xFFFFE700  }
0x86: {  	[bflag:$0x0] =	sbarrier.arrive $0xFFFF  }
0x87: {  	s17 =	simm.s32 $0x1A900;
	s16 =	rddreg [dreg:$0x3]  }
0x88: {  	[tilespmem:s17], [sflag:$0x1] =	stream.linear.gather [hbm4b:s16+s3], $0x200, $0x38;
	[tilespmem:$0x1F100] =	vst v63  }
0x89: {  	s19 =	simm.s32 $0x1AD00;
	s18 =	rddreg [dreg:$0x4]  }
0x8a: {  	[tilespmem:s19], [sflag:$0x2] =	stream.linear.gather [hbm4b:s18+s3], $0x200, $0x38;
	[tilespmem:$0x1F100] =	vst v63  }
0x8b: {  	_ =	swait.ge [sflag:s8], $0x200  }
0x8c: {  	[sflag:s8] =	ssyncset.done $0x0  }
0x8d: {  	[sflag:s8] =	ssyncadd.s32 $0xFFFFFE00  }
0x8e: {  	_ =	swait.ge [sflag:s9], $0x200  }
0x8f: {  	s15 =	simm.s32 @!p3 $0x80;
	[sflag:s9] =	ssyncset.done $0x0  }
0x90: {  	s16 =	simm.s32 @!p3 $0x1A900;
	s17 =	simm.s32 @!p3 $0x1B100;
	[sflag:s9] =	ssyncadd.s32 $0xFFFFFE00  }
0x91: {  	[tilespmem:s17], [sflag:$0x5] =	stream.indirect.gather @!p3 [hbm4b:s4+s15], $0x10, s16, s15, $0xb8;
	[tilespmem:$0x1F100] =	vst v63  }
0x92: {  	s20 =	simm.s32 $0x1A980;
	s21 =	simm.s32 $0x1B900  }
0x93: {  	[tilespmem:s21], [sflag:$0x6] =	stream.indirect.gather [hbm4b:s4+s12], $0x10, s20, s12, $0xb8;
	[tilespmem:$0x1F100] =	vst v63  }
.Ltmp3:
0x94: {  	_ = 	snop;
	(pc) =	sbr.rel .LBB2_4-.Ltmp3, $4  }
0x95: {  	s22 =	simm.s32 $0x1AA00;
	s23 =	simm.s32 $0x1C100  }
0x96: {  	[tilespmem:s23], [sflag:$0x7] =	stream.indirect.gather [hbm4b:s4+s12], $0x10, s22, s12, $0xb8;
	[tilespmem:$0x1F100] =	vst v63  }
0x97: {  	s24 =	simm.s32 $0x1AA80;
	s25 =	simm.s32 $0x1C900;
	s15 =	simm.s32 $0x0  }
0x98: {  	[tilespmem:s25], [sflag:$0x8] =	stream.indirect.gather [hbm4b:s4+s12], $0x10, s24, s12, $0xb8;
	[tilespmem:$0x1F100] =	vst v63  }
.LBB2_6:
0x99: {  	s15 =	sadd.s32 @!p5 $0x1, s15  }
0x9a: {  	s15 =	simm.s32 @p5 $0x1  }
0x9b: {  	s19 =	sshll.u32 s15, $0x2  }
0x9c: {  	s19 =	sadd.s32 s7, s19  }
0x9d: {  	s20 =	sshll.u32 s16, $0x9;
	s22 =	sshll.u32 s16, $0x1;
	s19 =	smin.u32 s19, $0x61A4  }
0x9e: {  	s23 =	sshllo.u32 s16, $0x1;
	s18 =	simm.s32 @p5 $0x0;
	s19 =	sshll.u32 s19, $0x4  }
0x9f: {  	p4 =	por $0x0, $0x0;
	s21 =	sor.u32 $0x1A900, s20;
	s24 =	sadd.s32 s5, s19  }
0xa0: {  	[tilespmem:s21], [sflag:s23] =	stream.linear.gather [hbm4b:s24+s3], $0x200, $0x38;
	[tilespmem:$0x1F100] =	vst v63  }
0xa1: {  	s20 =	sor.u32 $0x1AD00, s20;
	s25 =	sadd.s32 $0x2, s22;
	s19 =	sadd.s32 s6, s19  }
0xa2: {  	[tilespmem:s20], [sflag:s25] =	stream.linear.gather [hbm4b:s19+s3], $0x200, $0x38;
	[tilespmem:$0x1F100] =	vst v63  }
.LBB2_7:
0xa3: {  	s18 =	sadd.s32 s7, s18  }
0xa4: {  	s19 =	smin.u32 s18, $0x61A4  }
0xa5: {  	p0 =	slt.u32 s19, s18  }
0xa6: {  	p1 =	sge.u32 @!p0 s19, s10  }
0xa7: {  	s20 =	sshll.u32 s17, $0x2;
	p0 =	por p1, p0  }
0xa8: {  	s21 =	sadd.s32 @!p0 $0x5, s20  }
0xa9: {  	s22 =	sshll.u32 s17, $0xD;
	s17 =	sshll.u32 s17, $0x9;
	_ =	swait.ge @!p0 [sflag:s21], $0x800  }
0xaa: {  	s23 =	sadd.s32 $0x1B100, s22;
	s24 =	sor.u32 $0x1AD00, s17;
	[sflag:s21] =	ssyncset.done @!p0 $0x0  }
0xab: {  	s25 =	simm.s32 @!p0 $0x80;
	[sflag:s21] =	ssyncadd.s32 @!p0 $0xFFFFF800;
	s21 =	sadd.s32 @!p0 $0xD, s20  }
0xac: {  	[spmem:s1] =	stream.indirect.scatter.add.f32 @!p0 [tilespmem:s23], [sflag:s21], $0x10, s24, s25, $0xb8;
	[tilespmem:$0x1F100] =	vst v63  }
0xad: {  	s21 =	sadd.s32 $0x1, s19  }
0xae: {  	p0 =	slt.u32 s21, s18  }
0xaf: {  	p1 =	sge.u32 @!p0 s21, s10  }
0xb0: {  	p0 =	por p1, p0  }
0xb1: {  	s21 =	sadd.s32 @!p0 $0x6, s20  }
0xb2: {  	_ =	swait.ge @!p0 [sflag:s21], $0x800  }
0xb3: {  	s23 =	sadd.s32 @!p0 $0x1B900, s22;
	s24 =	sadd.s32 @!p0 $0xE, s20;
	[sflag:s21] =	ssyncset.done @!p0 $0x0  }
0xb4: {  	s25 =	simm.s32 @!p0 $0x80;
	[sflag:s21] =	ssyncadd.s32 @!p0 $0xFFFFF800;
	s21 =	sadd.s32 @!p0 $0x1AD80, s17  }
0xb5: {  	[spmem:s1] =	stream.indirect.scatter.add.f32 @!p0 [tilespmem:s23], [sflag:s24], $0x10, s21, s25, $0xb8;
	[tilespmem:$0x1F100] =	vst v63  }
0xb6: {  	s21 =	sadd.s32 $0x2, s19  }
0xb7: {  	p0 =	slt.u32 s21, s18  }
0xb8: {  	p1 =	sge.u32 @!p0 s21, s10  }
0xb9: {  	p0 =	por p1, p0  }
0xba: {  	s21 =	sadd.s32 @!p0 $0x7, s20  }
0xbb: {  	s19 =	sadd.s32 $0x3, s19;
	_ =	swait.ge @!p0 [sflag:s21], $0x800  }
0xbc: {  	s23 =	sadd.s32 @!p0 $0x1C100, s22;
	s24 =	sadd.s32 @!p0 $0xF, s20;
	[sflag:s21] =	ssyncset.done @!p0 $0x0  }
0xbd: {  	s25 =	simm.s32 @!p0 $0x80;
	[sflag:s21] =	ssyncadd.s32 @!p0 $0xFFFFF800;
	s21 =	sadd.s32 @!p0 $0x1AE00, s17  }
0xbe: {  	[spmem:s1] =	stream.indirect.scatter.add.f32 @!p0 [tilespmem:s23], [sflag:s24], $0x10, s21, s25, $0xb8;
	[tilespmem:$0x1F100] =	vst v63  }
0xbf: {  	p0 =	slt.u32 s19, s18  }
0xc0: {  	p1 =	sge.u32 @!p0 s19, s10  }
0xc1: {  	p0 =	por p1, p0  }
0xc2: {  	s18 =	sor.u32 @!p0 $0x8, s20  }
0xc3: {  	_ =	swait.ge @!p0 [sflag:s18], $0x800  }
0xc4: {  	s19 =	sadd.s32 @!p0 $0x1C900, s22;
	s17 =	sadd.s32 @!p0 $0x1AE80, s17;
	[sflag:s18] =	ssyncset.done @!p0 $0x0  }
0xc5: {  	[sflag:s18] =	ssyncadd.s32 @!p0 $0xFFFFF800;
	s18 =	sor.u32 @!p0 $0x10, s20;
	s20 =	simm.s32 @!p0 $0x80  }
0xc6: {  	[spmem:s1] =	stream.indirect.scatter.add.f32 @!p0 [tilespmem:s19], [sflag:s18], $0x10, s17, s20, $0xb8;
	[tilespmem:$0x1F100] =	vst v63  }
0xc7: {  	s17 =	sshllo.u32 @!p4 s16, $0x1  }
0xc8: {  	s18 =	sshll.u32 @!p4 s15, $0x2;
	_ =	swait.ge @!p4 [sflag:s17], $0x200  }
0xc9: {  	s21 =	sshll.u32 @!p4 s16, $0x9;
	s18 =	sadd.s32 @!p4 s7, s18;
	[sflag:s17] =	ssyncset.done @!p4 $0x0  }
0xca: {  	s19 =	sshll.u32 @!p4 s16, $0x1;
	p0 =	sgt.u32 @!p4 s18, $0x61A4;
	[sflag:s17] =	ssyncadd.s32 @!p4 $0xFFFFFE00  }
0xcb: {  	s17 =	sadd.s32 @!p4 $0x2, s19;
	s19 =	smin.u32 @!p4 s18, $0x61A4;
	p1 =	por p0, p4  }
0xcc: {  	s22 =	sor.u32 @!p4 $0x1A900, s21;
	s20 =	sshll.u32 @!p4 s16, $0xD;
	p1 =	sge.u32 @!p1 s19, s10  }
0xcd: {  	s16 =	sshll.u32 @!p4 s16, $0x2;
	_ =	swait.ge @!p4 [sflag:s17], $0x200;
	p0 =	por @!p4 p1, p0  }
0xce: {  	s23 =	sadd.s32 @!p4 $0x5, s16;
	[sflag:s17] =	ssyncset.done @!p4 $0x0;
	p0 =	por p0, p4  }
0xcf: {  	[sflag:s17] =	ssyncadd.s32 @!p4 $0xFFFFFE00;
	s17 =	sadd.s32 @!p4 $0x1B100, s20;
	s24 =	simm.s32 @!p0 $0x80  }
0xd0: {  	[tilespmem:s17], [sflag:s23] =	stream.indirect.gather @!p0 [hbm4b:s4+s24], $0x10, s22, s24, $0xb8;
	[tilespmem:$0x1F100] =	vst v63  }
0xd1: {  	s17 =	sadd.s32 @!p4 $0x1, s19  }
0xd2: {  	p0 =	slt.u32 @!p4 s17, s18  }
0xd3: {  	p1 =	por p0, p4  }
0xd4: {  	p1 =	sge.u32 @!p1 s17, s10  }
0xd5: {  	p0 =	por @!p4 p1, p0  }
0xd6: {  	p0 =	por p0, p4  }
0xd7: {  	s17 =	sadd.s32 @!p0 $0x1B900, s20  }
0xd8: {  	s22 =	sadd.s32 @!p0 $0x1A980, s21;
	s23 =	sadd.s32 @!p0 $0x6, s16;
	s24 =	simm.s32 @!p0 $0x80  }
0xd9: {  	[tilespmem:s17], [sflag:s23] =	stream.indirect.gather @!p0 [hbm4b:s4+s24], $0x10, s22, s24, $0xb8;
	[tilespmem:$0x1F100] =	vst v63  }
0xda: {  	s17 =	sadd.s32 @!p4 $0x2, s19  }
0xdb: {  	p0 =	slt.u32 @!p4 s17, s18  }
0xdc: {  	p1 =	por p0, p4  }
0xdd: {  	p1 =	sge.u32 @!p1 s17, s10  }
0xde: {  	p0 =	por @!p4 p1, p0  }
0xdf: {  	p0 =	por p0, p4  }
0xe0: {  	s17 =	sadd.s32 @!p0 $0x1C100, s20  }
0xe1: {  	s22 =	sadd.s32 @!p0 $0x1AA00, s21;
	s23 =	sadd.s32 @!p0 $0x7, s16;
	s24 =	simm.s32 @!p0 $0x80  }
0xe2: {  	[tilespmem:s17], [sflag:s23] =	stream.indirect.gather @!p0 [hbm4b:s4+s24], $0x10, s22, s24, $0xb8;
	[tilespmem:$0x1F100] =	vst v63  }
0xe3: {  	s17 =	sadd.s32 @!p4 $0x3, s19  }
0xe4: {  	p0 =	slt.u32 @!p4 s17, s18  }
0xe5: {  	p1 =	por p0, p4  }
0xe6: {  	p1 =	sge.u32 @!p1 s17, s10  }
0xe7: {  	p0 =	por @!p4 p1, p0  }
0xe8: {  	p0 =	por p0, p4  }
0xe9: {  	s17 =	sadd.s32 @!p0 $0x1C900, s20  }
0xea: {  	s18 =	sadd.s32 @!p0 $0x1AA80, s21;
	s16 =	sor.u32 @!p0 $0x8, s16;
	s19 =	simm.s32 @!p0 $0x80  }
0xeb: {  	[tilespmem:s17], [sflag:s16] =	stream.indirect.gather @!p0 [hbm4b:s4+s19], $0x10, s18, s19, $0xb8;
	[tilespmem:$0x1F100] =	vst v63  }
0xec: {  	p0 =	slt.u32 s15, $0xC4  }
.Ltmp4:
0xed: {  	_ = 	snop;
	(pc) =	sbr.rel @!p0 .LBB2_8-.Ltmp4, $1  }
0xee: {  	_ =	sdelay $0x3  }
.LBB2_4:
0xef: {  	p5 =	seq.s32 s15, $0x0  }
0xf0: {  	s18 =	sshll.u32 @!p5 s15, $0x2  }
0xf1: {  	s20 =	sadd.s32 @!p5 s18, s11  }
0xf2: {  	p4 =	slt.s32 @!p5 s20, $0x61A4  }
0xf3: {  	s19 =	smov.u32 s20;
	p6 =	sgt.s32 @!p5 s20, $0x61A4;
	p4 =	por !p4, p5  }
0xf4: {  	s17 =	sand.u32 $0x1, s15;
	s19 =	simm.s32 @p4 $0x61A4;
	p4 =	por p6, p5  }
0xf5: {  	s16 =	sxor.u32 $0x1, s17;
	p4 =	sge.s32 @!p4 s19, s10;
	s21 =	sadd.s32 @!p5 $0x1, s19  }
0xf6: {  	s22 =	sshll.u32 @!p5 s16, $0x2;
	p4 =	por @!p5 p4, p6;
	p6 =	slt.s32 @!p5 s21, s20  }
0xf7: {  	s23 =	sadd.s32 @!p5 $0xD, s22;
	p4 =	por p4, p5;
	p0 =	por p6, p5  }
0xf8: {  	_ =	swait.ge @!p4 [sflag:s23], $0x800;
	p0 =	sge.s32 @!p0 s21, s10;
	s21 =	sadd.s32 @!p5 $0x2, s19  }
0xf9: {  	[sflag:s23] =	ssyncset.done @!p4 $0x0;
	p0 =	por @!p5 p0, p6;
	p6 =	slt.s32 @!p5 s21, s20  }
0xfa: {  	[sflag:s23] =	ssyncadd.s32 @!p4 $0xFFFFF800;
	p0 =	por p0, p5;
	p4 =	por p6, p5  }
0xfb: {  	p4 =	sge.s32 @!p4 s21, s10;
	s21 =	sadd.s32 @!p0 $0xE, s22  }
0xfc: {  	s19 =	sadd.s32 @!p5 $0x3, s19;
	_ =	swait.ge @!p0 [sflag:s21], $0x800  }
0xfd: {  	p4 =	por @!p5 p4, p6;
	p6 =	slt.s32 @!p5 s19, s20;
	[sflag:s21] =	ssyncset.done @!p0 $0x0  }
0xfe: {  	p4 =	por p4, p5;
	p1 =	por p6, p5;
	[sflag:s21] =	ssyncadd.s32 @!p0 $0xFFFFF800  }
0xff: {  	s20 =	sadd.s32 @!p4 $0xF, s22;
	p0 =	sge.s32 @!p1 s19, s10;
	p1 =	seq.s32 @!p5 s15, $0xC3  }
0x100: {  	p0 =	por @!p5 p0, p6;
	_ =	swait.ge @!p4 [sflag:s20], $0x800;
	p1 =	por p5, !p1  }
.Ltmp5:
0x101: {  	[sflag:s20] =	ssyncset.done @!p4 $0x0;
	p0 =	por p0, p5;
	(pc) =	sbr.rel @p1 .LBB2_6-.Ltmp5, $4  }
0x102: {  	[sflag:s20] =	ssyncadd.s32 @!p4 $0xFFFFF800;
	s19 =	sor.u32 @!p0 $0x10, s22  }
0x103: {  	_ =	swait.ge @!p0 [sflag:s19], $0x800  }
0x104: {  	[sflag:s19] =	ssyncset.done @!p0 $0x0  }
0x105: {  	[sflag:s19] =	ssyncadd.s32 @!p0 $0xFFFFF800  }
.Ltmp6:
0x106: {  	(pc) =	sbr.rel .LBB2_7-.Ltmp6, $2  }
0x107: {  	_ =	sdelay $0x2  }
0x108: {  	s15 =	simm.s32 @!p5 $0xC4;
	p4 =	por @!p5 $0x1, $0x1;
	s18 =	simm.s32 @!p5 $0x30C  }
.LBB2_9:
0x109: {  	_ =	sfence.sel $0x180000  }
0x10a: {  	[bflag:$0x0] =	sbarrier.arrive $0xFFFF  }
0x10b: {  	_ =	strace $0x9000004D  }
0x10c: {  	s0 =	stileid.u32;
	[bflag:$0x2] =	sbarrier.arrive $0xFFFF  }
0x10d: {  	p0 =	sne.s32 s0, $0x0;
	s0 =	rddreg [dreg:$0x2]  }
0x10e: {  	s0 =	sadd.s32 @!p0 $0x100000, s0  }
0x10f: {  	[sflag:s0] =	ssyncadd.tile.s32 @!p0 $0x1;
	_ =	shalt  }
.Lfunc_end2:
_tile_overlayer_lowered:
.L_overlay_start_2:
0x110: {  	(tag) =	ssettag $0x2  }
0x111: {  	s0 =	rddreg [dreg:$0x0];
	s2 =	stileid.u32  }
0x112: {  	s1 =	rddreg [dreg:$0x1];
	p0 =	sne.s32 s2, $0x0  }
0x113: {  	s3 =	rddreg [dreg:$0x2];
	[bflag:$0x3] =	sbarrier.arrive $0xFFFF;
	s2 =	simm.s32 @!p0 $0x1C15  }
0x114: {  	[timem:s3], [sflag:s2] =	dma.local @!p0 [hbm:s0], s1  }
0x115: {  	s0 =	simm.s32 @!p0 $0x15  }
0x116: {  	_ =	swait.ge @!p0 [sflag:s0], s1  }
0x117: {  	s1 =	ssub.s32 @!p0 $0x0, s1;
	[sflag:s0] =	ssyncset.done @!p0 $0x0  }
0x118: {  	[sflag:s0] =	ssyncadd.s32 @!p0 s1  }
0x119: {  	[bflag:$0x3] =	sbarrier.arrive $0xFFFF  }
0x11a: {  	_ =	shalt  }

// kernel: kernel.8.cloned.1.call-start
scs
__scs_entry_jumppad:
0x0: {  	(pc) =	sbr.rel $0x88, $3  }
0x1: {  	(tag) =	ssettag $0x0;
	lr =	simm.s32 $0x1  }
0x2: {  	[smem:$0x3F97] =	sst lr;
	_ =	strace $0xD0000000  }
0x3: {  	_ = 	snop  }
0x4: {  	_ = 	snop  }
0x5: {  	_ = 	snop  }
0x6: {  	_ = 	snop  }
0x7: {  	_ = 	snop  }
__scs_overlays_trampoline_lowered:
0x8: {  	[smem:$0x3FA6] =	sst s0  }
0x9: {  	[smem:$0x3FA7] =	sst s1  }
0xa: {  	[smem:$0x3FA8] =	sst s2  }
0xb: {  	[smem:$0x3FA9] =	sst s3  }
0xc: {  	[smem:$0x3FAA] =	sst s4  }
0xd: {  	[smem:$0x3FAB] =	sst s5  }
0xe: {  	[smem:$0x3FAC] =	sst s6  }
0xf: {  	[smem:$0x3FAD] =	sst s7  }
0x10: {  	[smem:$0x3FAE] =	sst s8  }
0x11: {  	[smem:$0x3FAF] =	sst s9;
	s0 =	simm.s32 @!p0 $0x0  }
0x12: {  	s1 =	sld [smem:$0x3F95];
	s0 =	simm.s32 @p0 $0x1  }
0x13: {  	[smem:$0x3FB0] =	sst s0;
	s0 =	simm.s32 @!p1 $0x0  }
0x14: {  	s2 =	sld [smem:$0x3F94];
	s0 =	simm.s32 @p1 $0x1  }
0x15: {  	[smem:$0x3FB1] =	sst s0;
	s0 =	simm.s32 @!p2 $0x0  }
0x16: {  	s3 =	sld [smem:$0x3FDB];
	s0 =	simm.s32 @p2 $0x1  }
0x17: {  	s4 =	simm.s32 $0x1BF5;
	[smem:$0x3FB3] =	sst s0  }
0x18: {  	s0 =	sld [smem:$0x3F96];
	_ =	swait.ge [sflag:s4], $0x0  }
0x19: {  	s7 =	sld [smem:$0x3F97]  }
0x1a: {  	s8 =	sadd.s32 $0xFFFFE003, lr  }
0x1b: {  	s9 =	sadd.s32 $0xFFFFFEF7, lr;
	s5 =	simm.s32 $0xFFFFFFFF;
	p2 =	slt.u32 s8, $0xFFFFF086  }
0x1c: {  	p1 =	slt.u32 s9, $0xF7A;
	s5 =	simm.s32 @!p2 $0x0  }
0x1d: {  	s5 =	simm.s32 @p1 $0x1;
	p0 =	seq.s32 s7, s2  }
0x1e: {  	s7 =	smul.u32 @!p0 $0xF7A, s2;
	p2 =	seq.s32 @!p0 s5, $0x0  }
0x1f: {  	s9 =	smul.u32 $0xF7A, s1;
	s8 =	simm.s32 @!p0 $0x1BF5;
	p2 =	por !p2, p0  }
0x20: {  	[sflag:s8] =	ssyncset.s32 @!p0 $0xFFFFF086;
	s6 =	sadd.s32 @!p0 s3, s7;
	s7 =	simm.s32 @!p0 $0x108  }
0x21: {  	s3 =	sadd.s32 s3, s9;
	s6 =	sadd.s32 @!p0 $0x88, s6;
	s7 =	simm.s32 @p2 $0x1082  }
0x22: {  	[simem:s7], [sflag:s8] =	dma.local @!p0 [hbm:s6], $0xF7A  }
0x23: {  	s9 =	sor.u32 $0xD0000000, s2;
	s6 =	simm.s32 $0x108;
	_ =	swait.ge @!p0 [sflag:s8], $0x0  }
0x24: {  	s3 =	sadd.s32 $0x88, s3;
	s6 =	simm.s32 @!p1 $0x1082;
	[sflag:s4] =	ssyncset.s32 $0xFFFFF086  }
0x25: {  	[simem:s6], [sflag:s4] =	dma.local [hbm:s3], $0xF7A  }
0x26: {  	[smem:$0x3F97] =	sst s1;
	(tag) =	ssettag s2;
	_ =	strace s9  }
0x27: {  	s1 =	sld [smem:$0x3FA7]  }
0x28: {  	s2 =	sld [smem:$0x3FA8]  }
0x29: {  	s4 =	sld [smem:$0x3FAA]  }
0x2a: {  	p0 =	seq.s32 s5, $0x0;
	s5 =	sld [smem:$0x3FAB]  }
0x2b: {  	s6 =	sld [smem:$0x3FAC]  }
0x2c: {  	s7 =	sld [smem:$0x3FAD]  }
0x2d: {  	s3 =	simm.s32 $0x108;
	s8 =	sld [smem:$0x3FAE]  }
0x2e: {  	s3 =	simm.s32 @!p0 $0x1082;
	s9 =	sld [smem:$0x3FAF]  }
0x2f: {  	lr =	sadd.s32 s0, s3;
	s0 =	sld [smem:$0x3FA6]  }
0x30: {  	s3 =	sld [smem:$0x3FA9]  }
0x31: {  	[smem:$0x3FB2] =	sst s10  }
0x32: {  	s10 =	sld [smem:$0x3FB0];
	_ =	sdelay $0x3  }
0x33: {  	p0 =	seq.s32 s10, $0x1;
	s10 =	sld [smem:$0x3FB2];
	_ =	sdelay $0x3  }
0x34: {  	[smem:$0x3FB2] =	sst s10  }
0x35: {  	s10 =	sld [smem:$0x3FB1];
	_ =	sdelay $0x3  }
0x36: {  	p1 =	seq.s32 s10, $0x1;
	s10 =	sld [smem:$0x3FB2];
	_ =	sdelay $0x3  }
0x37: {  	[smem:$0x3FB2] =	sst s10  }
0x38: {  	s10 =	sld [smem:$0x3FB3]  }
0x39: {  	_ = 	snop;
	(pc) =	sbr.ind lr, $3  }
0x3a: {  	_ = 	snop  }
0x3b: {  	_ = 	snop  }
0x3c: {  	p2 =	seq.s32 s10, $0x1;
	s10 =	sld [smem:$0x3FB2]  }
0x3d: {  	_ =	shalt  }
0x3e: {  	_ =	shalt  }
0x3f: {  	_ =	shalt  }
0x40: {  	_ =	shalt  }
0x41: {  	_ =	shalt  }
0x42: {  	_ =	shalt  }
0x43: {  	_ =	shalt  }
0x44: {  	_ =	shalt  }
0x45: {  	_ =	shalt  }
0x46: {  	_ =	shalt  }
0x47: {  	_ =	shalt  }
0x48: {  	_ =	shalt  }
0x49: {  	_ =	shalt  }
0x4a: {  	_ =	shalt  }
0x4b: {  	_ =	shalt  }
0x4c: {  	_ =	shalt  }
0x4d: {  	_ =	shalt  }
0x4e: {  	_ =	shalt  }
0x4f: {  	_ =	shalt  }
0x50: {  	_ =	shalt  }
0x51: {  	_ =	shalt  }
0x52: {  	_ =	shalt  }
0x53: {  	_ =	shalt  }
0x54: {  	_ =	shalt  }
0x55: {  	_ =	shalt  }
0x56: {  	_ =	shalt  }
0x57: {  	_ =	shalt  }
0x58: {  	_ =	shalt  }
0x59: {  	_ =	shalt  }
0x5a: {  	_ =	shalt  }
0x5b: {  	_ =	shalt  }
0x5c: {  	_ =	shalt  }
0x5d: {  	_ =	shalt  }
0x5e: {  	_ =	shalt  }
0x5f: {  	_ =	shalt  }
0x60: {  	_ =	shalt  }
0x61: {  	_ =	shalt  }
0x62: {  	_ =	shalt  }
0x63: {  	_ =	shalt  }
0x64: {  	_ =	shalt  }
0x65: {  	_ =	shalt  }
0x66: {  	_ =	shalt  }
0x67: {  	_ =	shalt  }
0x68: {  	_ =	shalt  }
0x69: {  	_ =	shalt  }
0x6a: {  	_ =	shalt  }
0x6b: {  	_ =	shalt  }
0x6c: {  	_ =	shalt  }
0x6d: {  	_ =	shalt  }
0x6e: {  	_ =	shalt  }
0x6f: {  	_ =	shalt  }
0x70: {  	_ =	shalt  }
0x71: {  	_ =	shalt  }
0x72: {  	_ =	shalt  }
0x73: {  	_ =	shalt  }
0x74: {  	_ =	shalt  }
0x75: {  	_ =	shalt  }
0x76: {  	_ =	shalt  }
0x77: {  	_ =	shalt  }
0x78: {  	_ =	shalt  }
0x79: {  	_ =	shalt  }
0x7a: {  	_ =	shalt  }
0x7b: {  	_ =	shalt  }
0x7c: {  	_ =	shalt  }
0x7d: {  	_ =	shalt  }
0x7e: {  	_ =	shalt  }
0x7f: {  	_ =	shalt  }
0x80: {  	_ =	shalt  }
0x81: {  	_ =	shalt  }
0x82: {  	_ =	shalt  }
0x83: {  	_ =	shalt  }
0x84: {  	_ =	shalt  }
0x85: {  	_ =	shalt  }
0x86: {  	_ =	shalt  }
0x87: {  	_ =	shalt  }
.Lfunc_end0:
.L_simem_size_0:
called_computation_lowered:
.L_overlay_start_0:
0x88: {  	s2 =	sld [smem:$0x3FD9]  }
0x89: {  	s3 =	sld [smem:$0x3FFE];
	_ =	sdelay $0x1  }
0x8a: {  	s1 =	srdreg.scid  }
0x8b: {  	s0 =	sand.u32 $0x1, s1  }
0x8c: {  	s16 =	sshll.u32 s0, $0xA;
	s2 =	sadd.s32 s3, s2  }
0x8d: {  	s2 =	sadd.s32 s2, s16  }
0x8e: {  	[smem:$0x3FBE] =	sst s2  }
0x8f: {  	_ = 	snop  }
0x90: {  	(tm) =	ssettm $0x1  }
0x91: {  	s17 =	sld [smem:$0x3FFB];
	_ =	sdelay $0x3  }
0x92: {  	_ =	strace s17  }
0x93: {  	s2 =	sld [smem:$0x3FFC];
	_ =	sdelay $0x3  }
0x94: {  	_ =	strace s2  }
0x95: {  	s2 =	sld [smem:$0x3FFD];
	_ =	sdelay $0x3  }
0x96: {  	_ =	strace s2  }
0x97: {  	_ =	strace $0x8FFFFFFF  }
0x98: {  	s18 =	sld [smem:$0x3FDB];
	_ =	sdelay $0x1  }
0x99: {  	s19 =	simm.s32 $_scs_section_size  }
0x9a: {  	s4 =	simm.s32 $_size__tile_overlayer_lowered;
	s5 =	simm.s32 $_tile_overlayer_lowered  }
0x9b: {  	s22 =	simm.s32 $0x1BFF;
	s21 =	sshll.u32 s5, $0x1;
	s2 =	sadd.s32 s19, s18  }
0x9c: {  	s6 =	simm.s32 $0x0;
	s20 =	sshll.u32 s4, $0x1;
	s4 =	sadd.s32 s21, s2  }
0x9d: {  	[timem:s6], [sflag:s22] =	dma.local [hbm:s4], s20  }
0x9e: {  	_ =	swait.ge [sflag:s22], s20  }
0x9f: {  	s3 =	ssub.s32 $0x0, s20;
	[sflag:s22] =	ssyncset.done $0x0  }
0xa0: {  	[sflag:s22] =	ssyncadd.s32 s3;
	_ =	sdelay $0x1  }
0xa1: {  	s23 =	simm.s32 $0x1B8B  }
0xa2: {  	_ =	swait.ge [sflag:s23], $0x1  }
0xa3: {  	[sflag:s23] =	ssyncset.done $0x0  }
0xa4: {  	s25 =	simm.s32 $0x1B8E;
	s24 =	sld [smem:$0x3FFE];
	[sflag:s23] =	ssyncadd.s32 $0xFFFFFFFF  }
0xa5: {  	s26 =	simm.s32 $execute0_lowered;
	[smem:$0x3FD2] =	sst s25  }
0xa6: {  	s4 =	sshll.u32 s26, $0x1;
	_ =	strace $0x80000046;
	[dreg:$0x1] =	wrdreg $0xFFFFFFFF  }
0xa7: {  	s28 =	simm.s32 $_size_execute0_lowered;
	s2 =	sadd.s32 s2, s4;
	[dreg:$0x0] =	wrdreg $0x0  }
0xa8: {  	s4 =	sshll.u32 s28, $0x1;
	[dreg:$0x2] =	wrdreg s2  }
0xa9: {  	[dreg:$0x3] =	wrdreg s4  }
0xaa: {  	[dreg:$0x4] =	wrdreg $0xC0  }
0xab: {  	_ =	task [dreg:s6], $0x5FFFF  }
0xac: {  	[dreg:$0x1] =	wrdreg $0xFFFFFFFF  }
0xad: {  	[dreg:$0x0] =	wrdreg $0x60  }
0xae: {  	[dreg:$0x2] =	wrdreg s24  }
0xaf: {  	[dreg:$0x3] =	wrdreg $0x0  }
0xb0: {  	[dreg:$0x4] =	wrdreg $0x9  }
0xb1: {  	_ =	task.clear_ibuf [dreg:s6], $0x5FFFF;
	_ =	strace $0x90000046  }
0xb2: {  	s29 =	simm.s32 $0x9;
	_ =	strace $0x80000048  }
0xb3: {  	_ =	swait.ge [sflag:s29], $0x1  }
0xb4: {  	[sflag:s29] =	ssyncadd.s32 $0xFFFFFFFF  }
0xb5: {  	_ =	strace $0x90000048  }
0xb6: {  	_ =	sfence  }
0xb7: {  	s30 =	sld [smem:$0x0];
	_ =	sdelay $0x2  }
0xb8: {  	s31 =	sshll.u32 s1, $0xD;
	s1 =	sshrl.u32 s1, $0x2  }
0xb9: {  	s3 =	sand.u32 $0x4000, s31;
	s1 =	sadd.s32 s1, s30  }
0xba: {  	s0 =	sor.u32 s3, s0;
	s1 =	sshll.u32 s1, $0x11  }
0xbb: {  	s0 =	sor.u32 s1, s0  }
0xbc: {  	s0 =	sadd.s32 $0x8F2B, s0  }
0xbd: {  	[sflag:s0] =	ssyncadd.remote.s32 $0x1  }
0xbe: {  	_ =	sfence.sel $0xFFFF  }
0xbf: {  	[dreg:$0x0] =	wrdreg $0xFFFFFFFF;
	(pc) =	sbr.abs _section_cstart, $3  }
0xc0: {  	[dreg:$0x1] =	wrdreg $0xFFFFFFFF  }
0xc1: {  	_ =	task.clear_ibuf [dreg:s6], $0x2FFFF;
	_ =	strace $0x9FFFFFFF  }
0xc2: {  	(tm) =	ssettm $0x7FFFFFFF  }
0xc3: {  	_ =	shalt  }
tec
execute0_lowered:
.L_overlay_start_1:
0x0: {  	(tag) =	ssettag $0x1  }
0x1: {  	s0 =	srdreg.scid;
	s7 =	rddreg [dreg:$0x0]  }
0x2: {  	s12 =	stileid.u32;
	s2 =	rddreg [dreg:$0x1];
	s0 =	sand.u32 $0x1, s0  }
0x3: {  	s3 =	simm.s32 $0x0;
	s10 =	smul.u32 $0x19000, s12;
	s1 =	sshll.u32 s0, $0x4  }
0x4: {  	s29 =	simm.s32 $0x19800;
	s6 =	smul.u32 $0x190000, s0;
	s1 =	sor.u32 s12, s1  }
0x5: {  	s30 =	simm.s32 $0x13;
	[smem:$0x7FF] =	sst s3;
	s4 =	smul.u32 $0x30D, s1  }
0x6: {  	s0 =	ssub.s32 $0x2, s0;
	s12 =	smul.u32 $0x64000, s12;
	s5 =	smin.u32 s1, $0x8  }
0x7: {  	p0 =	slt.u32 s1, $0x8;
	s1 =	simm.s32 $0x30E;
	s4 =	sadd.s32 s5, s4  }
0x8: {  	s15 =	sadd.s32 s10, s2;
	s1 =	simm.s32 @!p0 $0x30D;
	s8 =	sadd.s32 $0x308, s4  }
0x9: {  	s14 =	sshrl.u32 s12, $0x2;
	s5 =	sadd.s32 s1, s4;
	s9 =	smin.u32 s8, $0x61A0  }
0xa: {  	s11 =	sadd.s32 $0x1, s9;
	s22 =	sadd.s32 $0x2, s9;
	s23 =	sadd.s32 $0x3, s9  }
0xb: {  	s24 =	sadd.s32 $0x4, s9;
	s25 =	sadd.s32 $0x5, s9;
	s26 =	sadd.s32 $0x6, s9  }
0xc: {  	s31 =	sadd.s32 $0x7, s9;
	s9 =	sshrl.u32 s0, $0x1;
	p4 =	sge.u32 s11, s8  }
0xd: {  	p1 =	slt.u32 s11, s5;
	p2 =	sge.u32 s22, s8;
	p3 =	slt.u32 s22, s5  }
0xe: {  	p5 =	sge.u32 s23, s8;
	p6 =	slt.u32 s23, s5;
	s11 =	sshll.u32 s4, $0x4  }
0xf: {  	s0 =	ssub.s32 s0, s9;
	p0 =	por !p4, !p1;
	p1 =	por !p2, !p3  }
0x10: {  	p2 =	por !p5, !p6;
	p4 =	slt.u32 s24, s5;
	s1 =	simm.s32 @!p0 $0x0  }
0x11: {  	p5 =	sge.u32 s25, s8;
	s1 =	simm.s32 @p0 $0x1;
	p0 =	sge.u32 s24, s8  }
0x12: {  	p6 =	slt.u32 s25, s5;
	s0 =	smax.u32 s0, $0x1;
	p3 =	por !p0, !p4  }
0x13: {  	p4 =	por !p5, !p6;
	p6 =	sge.u32 s26, s8;
	p0 =	slt.u32 s26, s5  }
0x14: {  	[smem:$0x7F8] =	sst s1;
	p5 =	por !p6, !p0;
	p6 =	sge.u32 s31, s8  }
0x15: {  	p0 =	slt.u32 s31, s5;
	_ =	strace $0x80000047;
	s8 =	sadd.s32 s10, s6  }
0x16: {  	s6 =	sadd.s32 $0xC7400, s7;
	[dreg:$0x5] =	wrdreg s0;
	p6 =	por !p6, !p0  }
0x17: {  	s1 =	sshrl.u32 s8, $0x3;
	s13 =	sadd.s32 s6, s11;
	s8 =	sadd.s32 $0xFFFFFFF8, s4  }
0x18: {  	s11 =	sadd.s32 s14, s2;
	s31 =	sld [smem:$0x7F8];
	p5 =	por !p5, !p5  }
0x19: {  	s1 =	sadd.s32 s1, s7;
	[dreg:$0x3] =	wrdreg s13;
	s23 =	sadd.s32 $0x1900, s11  }
0x1a: {  	s24 =	sadd.s32 $0x3200, s11;
	s25 =	sadd.s32 $0x4B00, s11;
	s26 =	sadd.s32 $0x6400, s11  }
0x1b: {  	s16 =	sadd.s32 $0x7D00, s11;
	s17 =	sadd.s32 $0x9600, s11;
	s18 =	sadd.s32 $0xAF00, s11  }
0x1c: {  	s19 =	sadd.s32 $0xC800, s11;
	s20 =	sadd.s32 $0xE100, s11;
	p0 =	seq.s32 s31, $0x1  }
0x1d: {  	s21 =	sadd.s32 $0xFA00, s11;
	s22 =	sadd.s32 $0x11300, s11;
	p0 =	por !p0, !p0  }
0x1e: {  	p6 =	por !p6, !p6;
	[dreg:$0x6] =	wrdreg s23;
	s0 =	simm.s32 @!p0 $0x0  }
0x1f: {  	[dreg:$0x7] =	wrdreg s24;
	s0 =	simm.s32 @p0 $0x1;
	p0 =	por !p1, !p1  }
0x20: {  	s28 =	sadd.s32 $0x17700, s11;
	[smem:$0x7F9] =	sst s0;
	s0 =	simm.s32 @!p0 $0x0  }
0x21: {  	[dreg:$0x8] =	wrdreg s25;
	s0 =	simm.s32 @p0 $0x1;
	p0 =	por !p2, !p2  }
0x22: {  	s1 =	sadd.s32 $0x3E00, s1;
	[smem:$0x7FA] =	sst s0;
	s0 =	simm.s32 @!p0 $0x0  }
0x23: {  	[dreg:$0x9] =	wrdreg s26;
	s0 =	simm.s32 @p0 $0x1;
	p0 =	por !p3, !p3  }
.Ltmp0:
0x24: {  	[smem:$0x7FB] =	sst s0;
	s0 =	simm.s32 @!p0 $0x0;
	(pc) =	sbr.rel .LBB2_1-.Ltmp0, $4  }
0x25: {  	s23 =	sadd.s32 $0x12C00, s11;
	s0 =	simm.s32 @p0 $0x1;
	p0 =	por !p4, !p4  }
0x26: {  	s24 =	sadd.s32 $0x14500, s11;
	[smem:$0x7FC] =	sst s0;
	s0 =	simm.s32 @!p0 $0x0  }
0x27: {  	s25 =	sshrl.u32 s15, $0x3;
	[dreg:$0x4] =	wrdreg s1;
	s0 =	simm.s32 @p0 $0x1  }
0x28: {  	v0 =	vimm.f32 $1.000000000e+00;
	v1 =	vimm.f32 $0.0e+00;
	s26 =	sadd.s32 $0x15E00, s11;
	s1 =	simm.s32 $0x0;
	[smem:$0x7FD] =	sst s0  }
.LBB2_10:
0x29: {  	p0 =	slt.u32 s4, $0x5E99  }
0x2a: {  	s0 =	simm.s32 @p0 $0xB  }
0x2b: {  	_ =	swait.ge @p0 [sflag:s0], $0x800  }
0x2c: {  	s9 =	sld [smem:$0x7F9];
	_ =	sdelay $0x1  }
0x2d: {  	[sflag:s0] =	ssyncset.done @p0 $0x0  }
0x2e: {  	[sflag:s0] =	ssyncadd.s32 @p0 $0xFFFFF800;
	p0 =	seq.s32 s9, $0x1  }
0x2f: {  	s0 =	simm.s32 @p0 $0xC  }
0x30: {  	_ =	swait.ge @p0 [sflag:s0], $0x800  }
0x31: {  	s10 =	sld [smem:$0x7FA];
	_ =	sdelay $0x1  }
0x32: {  	[sflag:s0] =	ssyncset.done @p0 $0x0  }
0x33: {  	[sflag:s0] =	ssyncadd.s32 @p0 $0xFFFFF800;
	p0 =	seq.s32 s10, $0x1  }
0x34: {  	s0 =	simm.s32 @p0 $0xD  }
0x35: {  	_ =	swait.ge @p0 [sflag:s0], $0x800  }
0x36: {  	s12 =	sld [smem:$0x7FB];
	_ =	sdelay $0x1  }
0x37: {  	[sflag:s0] =	ssyncset.done @p0 $0x0  }
0x38: {  	[sflag:s0] =	ssyncadd.s32 @p0 $0xFFFFF800;
	p0 =	seq.s32 s12, $0x1  }
0x39: {  	s0 =	simm.s32 @p0 $0xE  }
0x3a: {  	_ =	swait.ge @p0 [sflag:s0], $0x800  }
0x3b: {  	s13 =	sld [smem:$0x7FC];
	_ =	sdelay $0x1  }
0x3c: {  	[sflag:s0] =	ssyncset.done @p0 $0x0  }
0x3d: {  	[sflag:s0] =	ssyncadd.s32 @p0 $0xFFFFF800;
	p0 =	seq.s32 s13, $0x1  }
0x3e: {  	s0 =	simm.s32 @p0 $0xF  }
0x3f: {  	_ =	swait.ge @p0 [sflag:s0], $0x800  }
0x40: {  	s14 =	sld [smem:$0x7FD];
	_ =	sdelay $0x1  }
0x41: {  	[sflag:s0] =	ssyncset.done @p0 $0x0  }
0x42: {  	[sflag:s0] =	ssyncadd.s32 @p0 $0xFFFFF800;
	p0 =	seq.s32 s14, $0x1  }
0x43: {  	s0 =	simm.s32 @p0 $0x10  }
0x44: {  	_ =	swait.ge @p0 [sflag:s0], $0x800  }
0x45: {  	[sflag:s0] =	ssyncset.done @p0 $0x0  }
0x46: {  	[sflag:s0] =	ssyncadd.s32 @p0 $0xFFFFF800;
	s0 =	simm.s32 @p5 $0x11  }
0x47: {  	_ =	swait.ge @p5 [sflag:s0], $0x800  }
0x48: {  	[sflag:s0] =	ssyncset.done @p5 $0x0  }
0x49: {  	[sflag:s0] =	ssyncadd.s32 @p5 $0xFFFFF800;
	s0 =	simm.s32 @p6 $0x12  }
0x4a: {  	_ =	swait.ge @p6 [sflag:s0], $0x800  }
0x4b: {  	[sflag:s0] =	ssyncset.done @p6 $0x0  }
0x4c: {  	s15 =	stileid.u32;
	[sflag:s0] =	ssyncadd.s32 @p6 $0xFFFFF800  }
0x4d: {  	s0 =	sshll.u32 s15, $0x6;
	[bflag:$0x0] =	sbarrier.arrive $0xFFFF  }
0x4e: {  	s0 =	sor.u32 $0x1C13, s0;
	s7 =	rddreg [dreg:$0x4]  }
0x4f: {  	[hbm:s7], [sflag:s0] =	dma.local [spmem:s25], $0x3200  }
0x50: {  	_ =	swait.ge [sflag:s30], $0x3200  }
0x51: {  	s1 =	sadd.s32 $0x1, s1;
	s31 =	rddreg [dreg:$0x5]  }
0x52: {  	p0 =	sne.s32 s1, s31  }
.Ltmp1:
0x53: {  	_ = 	snop;
	(pc) =	sbr.rel @!p0 .LBB2_11-.Ltmp1, $3  }
0x54: {  	_ =	sdelay $0x1  }
0x55: {  	[sflag:s30] =	ssyncset.done $0x0  }
0x56: {  	[sflag:s30] =	ssyncadd.s32 $0xFFFFCE00  }
.LBB2_1:
0x57: {  	s0 =	simm.s32 $0x0  }
.LBB2_2:
0x58: {  	p0 =	sne.s32 s0, $0x1FC0  }
.Ltmp2:
0x59: {  	_ = 	snop;
	(pc) =	sbr.rel @p0 .LBB2_2-.Ltmp2, $3  }
0x5a: {  	_ =	sdelay $0x1  }
0x5b: {  	s7 =	sshra.s32 s0, $0x2  }
0x5c: {  	s0 =	sadd.s32 $0x40, s0;
	[tilespmem:s7+$0x19000] =	vst v0  }
0x5d: {  	s0 =	simm.s32 $0x40;
	s7 =	simm.s32 $0x0  }
.LBB2_4:
0x5e: {  	p0 =	sne.s32 s0, $0x63C0;
	[tilespmem:s7+$0x19800] =	vst v1;
	s7 =	smov.u32 s0;
	s0 =	sadd.s32 $0x40, s0  }
.Ltmp3:
0x5f: {  	(pc) =	sbr.rel @p0 .LBB2_4-.Ltmp3, $2  }
0x60: {  	_ =	sdelay $0x2  }
0x61: {  	s7 =	sshra.s32 s7, $0x2  }
0x62: {  	[tilespmem:s7+$0x19800] =	vst v1  }
0x63: {  	[spmem:s11] =	stream.linear.scatter [tilespmem:s29], [sflag:$0x13], $0x1900, $0x38;
	[tilespmem:$0x1B900] =	vst v63  }
0x64: {  	_ =	swait.ge [sflag:s30], $0x1900  }
0x65: {  	[sflag:s30] =	ssyncset.done $0x0  }
0x66: {  	s0 =	rddreg [dreg:$0x6];
	[sflag:s30] =	ssyncadd.s32 $0xFFFFE700  }
0x67: {  	[spmem:s0] =	stream.linear.scatter [tilespmem:s29], [sflag:$0x13], $0x1900, $0x38;
	[tilespmem:$0x1B900] =	vst v63  }
0x68: {  	_ =	swait.ge [sflag:s30], $0x1900  }
0x69: {  	[sflag:s30] =	ssyncset.done $0x0  }
0x6a: {  	s13 =	rddreg [dreg:$0x7];
	[sflag:s30] =	ssyncadd.s32 $0xFFFFE700  }
0x6b: {  	[spmem:s13] =	stream.linear.scatter [tilespmem:s29], [sflag:$0x13], $0x1900, $0x38;
	[tilespmem:$0x1B900] =	vst v63  }
0x6c: {  	_ =	swait.ge [sflag:s30], $0x1900  }
0x6d: {  	[sflag:s30] =	ssyncset.done $0x0  }
0x6e: {  	s14 =	rddreg [dreg:$0x8];
	[sflag:s30] =	ssyncadd.s32 $0xFFFFE700  }
0x6f: {  	[spmem:s14] =	stream.linear.scatter [tilespmem:s29], [sflag:$0x13], $0x1900, $0x38;
	[tilespmem:$0x1B900] =	vst v63  }
0x70: {  	_ =	swait.ge [sflag:s30], $0x1900  }
0x71: {  	[sflag:s30] =	ssyncset.done $0x0  }
0x72: {  	s15 =	rddreg [dreg:$0x9];
	[sflag:s30] =	ssyncadd.s32 $0xFFFFE700  }
0x73: {  	[spmem:s15] =	stream.linear.scatter [tilespmem:s29], [sflag:$0x13], $0x1900, $0x38;
	[tilespmem:$0x1B900] =	vst v63  }
0x74: {  	_ =	swait.ge [sflag:s30], $0x1900  }
0x75: {  	[sflag:s30] =	ssyncset.done $0x0  }
0x76: {  	[sflag:s30] =	ssyncadd.s32 $0xFFFFE700  }
0x77: {  	[spmem:s16] =	stream.linear.scatter [tilespmem:s29], [sflag:$0x13], $0x1900, $0x38;
	[tilespmem:$0x1B900] =	vst v63  }
0x78: {  	_ =	swait.ge [sflag:s30], $0x1900  }
0x79: {  	[sflag:s30] =	ssyncset.done $0x0  }
0x7a: {  	[sflag:s30] =	ssyncadd.s32 $0xFFFFE700  }
0x7b: {  	[spmem:s17] =	stream.linear.scatter [tilespmem:s29], [sflag:$0x13], $0x1900, $0x38;
	[tilespmem:$0x1B900] =	vst v63  }
0x7c: {  	_ =	swait.ge [sflag:s30], $0x1900  }
0x7d: {  	[sflag:s30] =	ssyncset.done $0x0  }
0x7e: {  	[sflag:s30] =	ssyncadd.s32 $0xFFFFE700  }
0x7f: {  	[spmem:s18] =	stream.linear.scatter [tilespmem:s29], [sflag:$0x13], $0x1900, $0x38;
	[tilespmem:$0x1B900] =	vst v63  }
0x80: {  	_ =	swait.ge [sflag:s30], $0x1900  }
0x81: {  	[sflag:s30] =	ssyncset.done $0x0  }
0x82: {  	[sflag:s30] =	ssyncadd.s32 $0xFFFFE700  }
0x83: {  	[spmem:s19] =	stream.linear.scatter [tilespmem:s29], [sflag:$0x13], $0x1900, $0x38;
	[tilespmem:$0x1B900] =	vst v63  }
0x84: {  	_ =	swait.ge [sflag:s30], $0x1900  }
0x85: {  	[sflag:s30] =	ssyncset.done $0x0  }
0x86: {  	[sflag:s30] =	ssyncadd.s32 $0xFFFFE700  }
0x87: {  	[spmem:s20] =	stream.linear.scatter [tilespmem:s29], [sflag:$0x13], $0x1900, $0x38;
	[tilespmem:$0x1B900] =	vst v63  }
0x88: {  	_ =	swait.ge [sflag:s30], $0x1900  }
0x89: {  	[sflag:s30] =	ssyncset.done $0x0  }
0x8a: {  	[sflag:s30] =	ssyncadd.s32 $0xFFFFE700  }
0x8b: {  	[spmem:s21] =	stream.linear.scatter [tilespmem:s29], [sflag:$0x13], $0x1900, $0x38;
	[tilespmem:$0x1B900] =	vst v63  }
0x8c: {  	_ =	swait.ge [sflag:s30], $0x1900  }
0x8d: {  	[sflag:s30] =	ssyncset.done $0x0  }
0x8e: {  	[sflag:s30] =	ssyncadd.s32 $0xFFFFE700  }
0x8f: {  	[spmem:s22] =	stream.linear.scatter [tilespmem:s29], [sflag:$0x13], $0x1900, $0x38;
	[tilespmem:$0x1B900] =	vst v63  }
0x90: {  	_ =	swait.ge [sflag:s30], $0x1900  }
0x91: {  	[sflag:s30] =	ssyncset.done $0x0  }
0x92: {  	[sflag:s30] =	ssyncadd.s32 $0xFFFFE700  }
0x93: {  	[spmem:s23] =	stream.linear.scatter [tilespmem:s29], [sflag:$0x13], $0x1900, $0x38;
	[tilespmem:$0x1B900] =	vst v63  }
0x94: {  	_ =	swait.ge [sflag:s30], $0x1900  }
0x95: {  	[sflag:s30] =	ssyncset.done $0x0  }
0x96: {  	[sflag:s30] =	ssyncadd.s32 $0xFFFFE700  }
0x97: {  	[spmem:s24] =	stream.linear.scatter [tilespmem:s29], [sflag:$0x13], $0x1900, $0x38;
	[tilespmem:$0x1B900] =	vst v63  }
0x98: {  	_ =	swait.ge [sflag:s30], $0x1900  }
0x99: {  	[sflag:s30] =	ssyncset.done $0x0  }
0x9a: {  	[sflag:s30] =	ssyncadd.s32 $0xFFFFE700  }
0x9b: {  	[spmem:s26] =	stream.linear.scatter [tilespmem:s29], [sflag:$0x13], $0x1900, $0x38;
	[tilespmem:$0x1B900] =	vst v63  }
0x9c: {  	_ =	swait.ge [sflag:s30], $0x1900  }
0x9d: {  	[sflag:s30] =	ssyncset.done $0x0  }
0x9e: {  	[sflag:s30] =	ssyncadd.s32 $0xFFFFE700  }
0x9f: {  	[spmem:s28] =	stream.linear.scatter [tilespmem:s29], [sflag:$0x13], $0x1900, $0x38;
	[tilespmem:$0x1B900] =	vst v63  }
0xa0: {  	_ =	swait.ge [sflag:s30], $0x1900  }
.Ltmp4:
0xa1: {  	[sflag:s30] =	ssyncset.done $0x0;
	(pc) =	sbr.rel .LBB2_6-.Ltmp4, $4  }
0xa2: {  	[sflag:s30] =	ssyncadd.s32 $0xFFFFE700  }
0xa3: {  	[bflag:$0x0] =	sbarrier.arrive $0xFFFF  }
0xa4: {  	s9 =	simm.s32 $0x1B100;
	s0 =	simm.s32 $0x0;
	s31 =	rddreg [dreg:$0x3]  }
0xa5: {  	[tilespmem:s9], [sflag:$0x1] =	stream.linear.gather [hbm4b:s31+s0], $0x400, $0x38;
	[tilespmem:$0x1B900] =	vst v63  }
.LBB2_8:
0xa6: {  	s0 =	sadd.s32 @!p0 $0x1, s0  }
0xa7: {  	s0 =	simm.s32 @p0 $0x1  }
0xa8: {  	s10 =	sshll.u32 s0, $0x3  }
0xa9: {  	s10 =	sadd.s32 s4, s10  }
0xaa: {  	s10 =	smin.u32 s10, $0x61A0  }
0xab: {  	s12 =	sshll.u32 s9, $0xA;
	s15 =	sadd.s32 $0x1, s9;
	s10 =	sshll.u32 s10, $0x4  }
0xac: {  	s7 =	simm.s32 @p0 $0x0;
	s12 =	sor.u32 $0x1B100, s12;
	s10 =	sadd.s32 s6, s10  }
0xad: {  	[tilespmem:s12], [sflag:s15] =	stream.linear.gather [hbm4b:s10+s3], $0x400, $0x38;
	[tilespmem:$0x1B900] =	vst v63  }
.LBB2_9:
0xae: {  	s7 =	sadd.s32 s4, s7  }
0xaf: {  	s10 =	sadd.s32 $0x1, s31;
	s9 =	smin.u32 s7, $0x61A0  }
0xb0: {  	s12 =	sshll.u32 s31, $0x3;
	_ =	swait.ge [sflag:s10], $0x400;
	p0 =	slt.u32 s9, s7  }
0xb1: {  	s14 =	sor.u32 $0x3, s12;
	[sflag:s10] =	ssyncset.done $0x0;
	p1 =	sge.u32 @!p0 s9, s5  }
0xb2: {  	[sflag:s10] =	ssyncadd.s32 $0xFFFFFC00;
	s10 =	sshll.u32 s31, $0xA;
	p0 =	por p1, p0  }
0xb3: {  	s13 =	sor.u32 $0x1B100, s10;
	s15 =	simm.s32 @!p0 $0x80;
	s31 =	simm.s32 @!p0 $0x19000  }
0xb4: {  	[spmem:s2] =	stream.indirect.scatter.add.f32 @!p0 [tilespmem:s31], [sflag:s14], $0x10, s13, s15, $0xb8;
	[tilespmem:$0x1B900] =	vst v63  }
0xb5: {  	s13 =	sadd.s32 $0x1, s9  }
0xb6: {  	p0 =	slt.u32 s13, s7  }
0xb7: {  	p1 =	sge.u32 @!p0 s13, s5  }
0xb8: {  	p0 =	por p1, p0  }
0xb9: {  	s13 =	sadd.s32 @!p0 $0x1B180, s10  }
0xba: {  	s14 =	sadd.s32 @!p0 $0x4, s12;
	s15 =	simm.s32 @!p0 $0x80;
	s31 =	simm.s32 @!p0 $0x19000  }
0xbb: {  	[spmem:s2] =	stream.indirect.scatter.add.f32 @!p0 [tilespmem:s31], [sflag:s14], $0x10, s13, s15, $0xb8;
	[tilespmem:$0x1B900] =	vst v63  }
0xbc: {  	s13 =	sadd.s32 $0x2, s9  }
0xbd: {  	p0 =	slt.u32 s13, s7  }
0xbe: {  	p1 =	sge.u32 @!p0 s13, s5  }
0xbf: {  	p0 =	por p1, p0  }
0xc0: {  	s13 =	sadd.s32 @!p0 $0x1B200, s10  }
0xc1: {  	s14 =	sadd.s32 @!p0 $0x5, s12;
	s15 =	simm.s32 @!p0 $0x80;
	s31 =	simm.s32 @!p0 $0x19000  }
0xc2: {  	[spmem:s2] =	stream.indirect.scatter.add.f32 @!p0 [tilespmem:s31], [sflag:s14], $0x10, s13, s15, $0xb8;
	[tilespmem:$0x1B900] =	vst v63  }
0xc3: {  	s13 =	sadd.s32 $0x3, s9  }
0xc4: {  	p0 =	slt.u32 s13, s7  }
0xc5: {  	p1 =	sge.u32 @!p0 s13, s5  }
0xc6: {  	p0 =	por p1, p0  }
0xc7: {  	s13 =	sadd.s32 @!p0 $0x1B280, s10  }
0xc8: {  	s14 =	sadd.s32 @!p0 $0x6, s12;
	s15 =	simm.s32 @!p0 $0x80;
	s31 =	simm.s32 @!p0 $0x19000  }
0xc9: {  	[spmem:s2] =	stream.indirect.scatter.add.f32 @!p0 [tilespmem:s31], [sflag:s14], $0x10, s13, s15, $0xb8;
	[tilespmem:$0x1B900] =	vst v63  }
0xca: {  	s13 =	sadd.s32 $0x4, s9  }
0xcb: {  	p0 =	slt.u32 s13, s7  }
0xcc: {  	p1 =	sge.u32 @!p0 s13, s5  }
0xcd: {  	p0 =	por p1, p0  }
0xce: {  	s13 =	sadd.s32 @!p0 $0x1B300, s10  }
0xcf: {  	s14 =	sadd.s32 @!p0 $0x7, s12;
	s15 =	simm.s32 @!p0 $0x80;
	s31 =	simm.s32 @!p0 $0x19000  }
0xd0: {  	[spmem:s2] =	stream.indirect.scatter.add.f32 @!p0 [tilespmem:s31], [sflag:s14], $0x10, s13, s15, $0xb8;
	[tilespmem:$0x1B900] =	vst v63  }
0xd1: {  	s13 =	sadd.s32 $0x5, s9  }
0xd2: {  	p0 =	slt.u32 s13, s7  }
0xd3: {  	p1 =	sge.u32 @!p0 s13, s5  }
0xd4: {  	p0 =	por p1, p0  }
0xd5: {  	s13 =	sadd.s32 @!p0 $0x1B380, s10  }
0xd6: {  	s14 =	sadd.s32 @!p0 $0x8, s12;
	s15 =	simm.s32 @!p0 $0x80;
	s31 =	simm.s32 @!p0 $0x19000  }
0xd7: {  	[spmem:s2] =	stream.indirect.scatter.add.f32 @!p0 [tilespmem:s31], [sflag:s14], $0x10, s13, s15, $0xb8;
	[tilespmem:$0x1B900] =	vst v63  }
0xd8: {  	s13 =	sadd.s32 $0x6, s9  }
0xd9: {  	p0 =	slt.u32 s13, s7  }
0xda: {  	p1 =	sge.u32 @!p0 s13, s5  }
0xdb: {  	p0 =	por p1, p0  }
0xdc: {  	s9 =	sadd.s32 $0x7, s9;
	s13 =	sadd.s32 @!p0 $0x1B400, s10  }
0xdd: {  	s14 =	sadd.s32 @!p0 $0x9, s12;
	s15 =	simm.s32 @!p0 $0x80;
	s31 =	simm.s32 @!p0 $0x19000  }
0xde: {  	[spmem:s2] =	stream.indirect.scatter.add.f32 @!p0 [tilespmem:s31], [sflag:s14], $0x10, s13, s15, $0xb8;
	[tilespmem:$0x1B900] =	vst v63  }
0xdf: {  	p0 =	slt.u32 s9, s7  }
0xe0: {  	p1 =	sge.u32 @!p0 s9, s5  }
0xe1: {  	p0 =	por p1, p0  }
0xe2: {  	s7 =	sadd.s32 @!p0 $0x1B480, s10  }
0xe3: {  	s9 =	sadd.s32 @!p0 $0xA, s12;
	s10 =	simm.s32 @!p0 $0x80;
	s12 =	simm.s32 @!p0 $0x19000  }
0xe4: {  	[spmem:s2] =	stream.indirect.scatter.add.f32 @!p0 [tilespmem:s12], [sflag:s9], $0x10, s7, s10, $0xb8;
	[tilespmem:$0x1B900] =	vst v63  }
0xe5: {  	p0 =	slt.u32 s0, $0x62  }
.Ltmp5:
0xe6: {  	_ = 	snop;
	(pc) =	sbr.rel @!p0 .LBB2_10-.Ltmp5, $1  }
0xe7: {  	_ =	sdelay $0x3  }
.LBB2_6:
0xe8: {  	p0 =	seq.s32 s0, $0x0  }
0xe9: {  	s7 =	sshll.u32 @!p0 s0, $0x3  }
0xea: {  	s13 =	sadd.s32 @!p0 s7, s8  }
0xeb: {  	p1 =	slt.s32 @!p0 s13, $0x61A0  }
0xec: {  	s10 =	smov.u32 s13;
	p1 =	por !p1, p0  }
0xed: {  	s10 =	simm.s32 @p1 $0x61A0;
	p1 =	sgt.s32 @!p0 s13, $0x61A0  }
0xee: {  	s31 =	sand.u32 $0x1, s0;
	p2 =	por p1, p0;
	s14 =	sadd.s32 @!p0 $0x1, s10  }
0xef: {  	s9 =	sxor.u32 $0x1, s31;
	p2 =	sge.s32 @!p2 s10, s5;
	p3 =	slt.s32 @!p0 s14, s13  }
0xf0: {  	s12 =	sshll.u32 @!p0 s9, $0x3;
	p1 =	por @!p0 p2, p1;
	p2 =	por p3, p0  }
0xf1: {  	s15 =	sor.u32 @!p0 $0x3, s12;
	p1 =	por p1, p0;
	p2 =	sge.s32 @!p2 s14, s5  }
0xf2: {  	s14 =	sadd.s32 @!p0 $0x2, s10;
	_ =	swait.ge @!p1 [sflag:s15], $0x800;
	p2 =	por @!p0 p2, p3  }
0xf3: {  	p3 =	slt.s32 @!p0 s14, s13;
	[sflag:s15] =	ssyncset.done @!p1 $0x0;
	p2 =	por p2, p0  }
0xf4: {  	[sflag:s15] =	ssyncadd.s32 @!p1 $0xFFFFF800;
	s15 =	sadd.s32 @!p2 $0x4, s12;
	p1 =	por p3, p0  }
0xf5: {  	_ =	swait.ge @!p2 [sflag:s15], $0x800;
	p1 =	sge.s32 @!p1 s14, s5;
	s14 =	sadd.s32 @!p0 $0x3, s10  }
0xf6: {  	[sflag:s15] =	ssyncset.done @!p2 $0x0;
	p1 =	por @!p0 p1, p3;
	p3 =	slt.s32 @!p0 s14, s13  }
0xf7: {  	[sflag:s15] =	ssyncadd.s32 @!p2 $0xFFFFF800;
	p1 =	por p1, p0;
	p2 =	por p3, p0  }
0xf8: {  	s15 =	sadd.s32 @!p1 $0x5, s12;
	p2 =	sge.s32 @!p2 s14, s5;
	s14 =	sadd.s32 @!p0 $0x4, s10  }
0xf9: {  	_ =	swait.ge @!p1 [sflag:s15], $0x800;
	p2 =	por @!p0 p2, p3;
	p3 =	slt.s32 @!p0 s14, s13  }
0xfa: {  	[sflag:s15] =	ssyncset.done @!p1 $0x0;
	p2 =	por p2, p0;
	p4 =	por p3, p0  }
0xfb: {  	[sflag:s15] =	ssyncadd.s32 @!p1 $0xFFFFF800;
	s15 =	sadd.s32 @!p2 $0x6, s12;
	p1 =	sge.s32 @!p4 s14, s5  }
0xfc: {  	s14 =	sadd.s32 @!p0 $0x5, s10;
	_ =	swait.ge @!p2 [sflag:s15], $0x800;
	p1 =	por @!p0 p1, p3  }
0xfd: {  	p3 =	slt.s32 @!p0 s14, s13;
	[sflag:s15] =	ssyncset.done @!p2 $0x0;
	p1 =	por p1, p0  }
0xfe: {  	[sflag:s15] =	ssyncadd.s32 @!p2 $0xFFFFF800;
	s15 =	sadd.s32 @!p1 $0x7, s12;
	p2 =	por p3, p0  }
0xff: {  	_ =	swait.ge @!p1 [sflag:s15], $0x800;
	p2 =	sge.s32 @!p2 s14, s5;
	s14 =	sadd.s32 @!p0 $0x6, s10  }
0x100: {  	[sflag:s15] =	ssyncset.done @!p1 $0x0;
	p2 =	por @!p0 p2, p3;
	p3 =	slt.s32 @!p0 s14, s13  }
0x101: {  	[sflag:s15] =	ssyncadd.s32 @!p1 $0xFFFFF800;
	p1 =	por p2, p0;
	p2 =	por p3, p0  }
0x102: {  	p2 =	sge.s32 @!p2 s14, s5;
	s14 =	sadd.s32 @!p1 $0x8, s12  }
0x103: {  	_ =	swait.ge @!p1 [sflag:s14], $0x800;
	p2 =	por @!p0 p2, p3  }
0x104: {  	s10 =	sadd.s32 @!p0 $0x7, s10;
	[sflag:s14] =	ssyncset.done @!p1 $0x0;
	p2 =	por p2, p0  }
0x105: {  	p3 =	slt.s32 @!p0 s10, s13;
	[sflag:s14] =	ssyncadd.s32 @!p1 $0xFFFFF800;
	s13 =	sadd.s32 @!p2 $0x9, s12  }
0x106: {  	_ =	swait.ge @!p2 [sflag:s13], $0x800  }
0x107: {  	p4 =	por p3, p0;
	[sflag:s13] =	ssyncset.done @!p2 $0x0  }
0x108: {  	p1 =	sge.s32 @!p4 s10, s5;
	[sflag:s13] =	ssyncadd.s32 @!p2 $0xFFFFF800;
	p2 =	seq.s32 @!p0 s0, $0x61  }
0x109: {  	p1 =	por @!p0 p1, p3;
	p2 =	por p0, !p2  }
.Ltmp6:
0x10a: {  	p1 =	por p1, p0;
	(pc) =	sbr.rel @p2 .LBB2_8-.Ltmp6, $4  }
0x10b: {  	s10 =	sadd.s32 @!p1 $0xA, s12  }
0x10c: {  	_ =	swait.ge @!p1 [sflag:s10], $0x800  }
0x10d: {  	[sflag:s10] =	ssyncset.done @!p1 $0x0  }
0x10e: {  	[sflag:s10] =	ssyncadd.s32 @!p1 $0xFFFFF800  }
.Ltmp7:
0x10f: {  	(pc) =	sbr.rel .LBB2_9-.Ltmp7, $2  }
0x110: {  	_ =	sdelay $0x2  }
0x111: {  	s0 =	simm.s32 @!p0 $0x62;
	s7 =	simm.s32 @!p0 $0x308  }
.LBB2_11:
0x112: {  	_ =	sfence.sel $0x180000  }
0x113: {  	[bflag:$0x0] =	sbarrier.arrive $0xFFFF  }
0x114: {  	_ =	strace $0x90000047  }
0x115: {  	s0 =	stileid.u32;
	[bflag:$0x2] =	sbarrier.arrive $0xFFFF  }
0x116: {  	p0 =	sne.s32 s0, $0x0;
	s0 =	rddreg [dreg:$0x2]  }
0x117: {  	s0 =	sadd.s32 @!p0 $0x100000, s0  }
0x118: {  	[sflag:s0] =	ssyncadd.tile.s32 @!p0 $0x1;
	_ =	shalt  }
.Lfunc_end2:
_tile_overlayer_lowered:
.L_overlay_start_2:
0x119: {  	(tag) =	ssettag $0x2  }
0x11a: {  	s0 =	rddreg [dreg:$0x0];
	s2 =	stileid.u32  }
0x11b: {  	s1 =	rddreg [dreg:$0x1];
	p0 =	sne.s32 s2, $0x0  }
0x11c: {  	s3 =	rddreg [dreg:$0x2];
	[bflag:$0x3] =	sbarrier.arrive $0xFFFF;
	s2 =	simm.s32 @!p0 $0x1C13  }
0x11d: {  	[timem:s3], [sflag:s2] =	dma.local @!p0 [hbm:s0], s1  }
0x11e: {  	s0 =	simm.s32 @!p0 $0x13  }
0x11f: {  	_ =	swait.ge @!p0 [sflag:s0], s1  }
0x120: {  	s1 =	ssub.s32 @!p0 $0x0, s1;
	[sflag:s0] =	ssyncset.done @!p0 $0x0  }
0x121: {  	[sflag:s0] =	ssyncadd.s32 @!p0 s1  }
0x122: {  	[bflag:$0x3] =	sbarrier.arrive $0xFFFF  }
0x123: {  	_ =	shalt  }

</sc_bundles>
